<compile_context>
chip_gen: v7x
topology: tpu7x:2x2x1
jax: 0.10.2.dev20260603
libtpu: 0.0.44.dev20260713+nightly
codegen_flags: <defaults>
</compile_context>

<pallas_src>
import functools

import jax
import jax.numpy as jnp
from jax import lax
from jax.experimental import pallas as pl
from jax.experimental.pallas import tpu as pltpu
from jax.experimental.pallas import tpu_sc as plsc

NG = 20000
NGP = 20480
F = 32
K = 8
QTOT = 32768
TW = 48

BQ = 128
BQ3 = 1024


_SORT8 = [(0, 1), (2, 3), (4, 5), (6, 7),
          (0, 2), (1, 3), (4, 6), (5, 7),
          (1, 2), (5, 6),
          (0, 4), (1, 5), (2, 6), (3, 7),
          (2, 4), (3, 5),
          (1, 2), (3, 4), (5, 6)]

_BITONIC8 = [(0, 4), (1, 5), (2, 6), (3, 7),
             (0, 2), (1, 3), (4, 6), (5, 7),
             (0, 1), (2, 3), (4, 5), (6, 7)]


def _ce(a, b):
    va, ia = a
    vb, ib = b
    cond = va <= vb
    return ((jnp.minimum(va, vb), jnp.where(cond, ia, ib)),
            (jnp.maximum(va, vb), jnp.where(cond, ib, ia)))


def _merge_pair(A, B):
    C = []
    for e in range(K):
        va, ia = A[e]
        vb, ib = B[K - 1 - e]
        cond = va <= vb
        C.append((jnp.minimum(va, vb), jnp.where(cond, ia, ib)))
    for p, q in _BITONIC8:
        C[p], C[q] = _ce(C[p], C[q])
    return C


def _topk_body(x_ref, mt_ref, idx_ref):
    xb = x_ref[...]
    mt = mt_ref[...]
    msq = jnp.sum(mt * mt, axis=0, keepdims=True)
    scores = msq + jnp.dot(xb, mt, preferred_element_type=jnp.float32)

    CW = NGP // K
    iota = lax.broadcasted_iota(jnp.int32, (BQ, CW), 1)
    planes = [(scores[:, e * CW:(e + 1) * CW], iota + e * CW)
              for e in range(K)]
    for p, q in _SORT8:
        planes[p], planes[q] = _ce(planes[p], planes[q])

    pending = []
    w = CW
    while w > 1:
        w2 = w // 2
        if w % 2 == 1:
            pending.append([(v[:, w - 1:w], i[:, w - 1:w]) for v, i in planes])
        A = [(v[:, :w2], i[:, :w2]) for v, i in planes]
        B = [(v[:, w2:2 * w2], i[:, w2:2 * w2]) for v, i in planes]
        planes = _merge_pair(A, B)
        w = w2
    for P in pending:
        planes = _merge_pair(planes, P)

    idx_ref[...] = jnp.concatenate([i for _, i in planes], axis=1)


def _topk(xa, mt):
    q = xa.shape[0]
    return pl.pallas_call(
        _topk_body,
        grid=(q // BQ,),
        in_specs=[
            pl.BlockSpec((BQ, 8), lambda i: (i, 0)),
            pl.BlockSpec((8, NGP), lambda i: (0, 0)),
        ],
        out_specs=pl.BlockSpec((BQ, K), lambda i: (i, 0)),
        out_shape=jax.ShapeDtypeStruct((q, K), jnp.int32),
        compiler_params=pltpu.CompilerParams(
            dimension_semantics=("parallel",),
        ),
    )(xa, mt)



NW = 32
ROWS = QTOT * K
RPW = ROWS // NW
CH = 128
NCH = RPW // CH


def _make_gather_body(rpw, nch):
    def _gather_body(table_hbm, idx_hbm, out_hbm, idx_v, buf0, buf1,
                     sem0, sem1):
        wid = lax.axis_index("s") * 2 + lax.axis_index("c")
        base = wid * rpw
        pltpu.sync_copy(idx_hbm.at[pl.ds(base, rpw)], idx_v)

        def _start(c, buf, sem):
            pltpu.make_async_copy(
                table_hbm.at[idx_v.at[pl.ds(c * CH, CH)]], buf, sem).start()

        def _wait(c, buf, sem):
            pltpu.make_async_copy(
                table_hbm.at[idx_v.at[pl.ds(c * CH, CH)]], buf, sem).wait()

        _start(0, buf0, sem0)

        def body(i, carry):
            c0 = 2 * i
            _start(c0 + 1, buf1, sem1)
            _wait(c0, buf0, sem0)
            pltpu.sync_copy(buf0, out_hbm.at[pl.ds(base + c0 * CH, CH)])

            @pl.when(c0 + 2 < nch)
            def _():
                _start(c0 + 2, buf0, sem0)

            _wait(c0 + 1, buf1, sem1)
            pltpu.sync_copy(buf1, out_hbm.at[pl.ds(base + (c0 + 1) * CH, CH)])
            return carry

        lax.fori_loop(0, nch // 2, body, 0)

    return _gather_body


@functools.cache
def _gather_k(rows):
    rpw = rows // NW
    nch = rpw // CH
    return pl.kernel(
        _make_gather_body(rpw, nch),
        out_type=jax.ShapeDtypeStruct((rows, TW), jnp.float32),
        mesh=plsc.VectorSubcoreMesh(core_axis_name="c", subcore_axis_name="s"),
        scratch_types=[
            pltpu.VMEM((rpw,), jnp.int32),
            pltpu.VMEM((CH, TW), jnp.float32),
            pltpu.VMEM((CH, TW), jnp.float32),
            pltpu.SemaphoreType.DMA,
            pltpu.SemaphoreType.DMA,
        ],
        compiler_params=pltpu.CompilerParams(use_tc_tiling_on_sc=False),
    )



def _wsum_body(x_ref, g_ref, out_ref):
    xb = x_ref[...][:, :3]
    g = g_ref[...]
    fk = g[..., 0:F]
    mk = g[..., F:F + 3]
    lk = g[..., F + 3:F + 6]
    diff = xb[:, None, :] - mk
    logw = -0.5 * jnp.sum(diff * diff / jnp.exp(lk), axis=-1)
    logw = logw - jnp.max(logw, axis=-1, keepdims=True)
    w = jnp.exp(logw)
    w = w / (jnp.sum(w, axis=-1, keepdims=True) + 1e-8)
    out_ref[...] = jnp.sum(w[..., None] * fk, axis=1)


def _wsum(xp, g3):
    return pl.pallas_call(
        _wsum_body,
        grid=(QTOT // BQ3,),
        in_specs=[
            pl.BlockSpec((BQ3, 8), lambda i: (i, 0)),
            pl.BlockSpec((BQ3, K, TW), lambda i: (i, 0, 0)),
        ],
        out_specs=pl.BlockSpec((BQ3, F), lambda i: (i, 0)),
        out_shape=jax.ShapeDtypeStruct((QTOT, F), jnp.float32),
        compiler_params=pltpu.CompilerParams(
            dimension_semantics=("parallel",),
        ),
    )(xp, g3)



def kernel(x, means, feats, log_covs):
    xp = jnp.pad(x, ((0, 0), (0, 5)))
    xa = jnp.pad(-2.0 * x, ((0, 0), (0, 5)))
    mpad = jnp.pad(means, ((0, NGP - NG), (0, 0)), constant_values=1000.0)
    mt = jnp.pad(mpad.T, ((0, 5), (0, 0)))
    table = jnp.concatenate(
        [feats, means, log_covs, jnp.zeros((NG, TW - F - 6), jnp.float32)],
        axis=1)

    half = QTOT // 2
    gs = []
    for h in range(2):
        idx = _topk(xa[h * half:(h + 1) * half], mt)
        gs.append(_gather_k(half * K)(table, idx.reshape(-1)))
    gath = jnp.concatenate(gs, axis=0)
    return _wsum(xp, gath.reshape(QTOT, K, TW))

# --- scband reference (transcript-rebuilt; emitter-appended) ---
"""Pipeline reference for scband-splash-encoding-52355651338845 (READ-ONLY COPY).

The authoritative reference and input builder live on the scoring server;
editing this copy changes nothing except your own understanding.
"""

import jax, jax.numpy as jnp
import numpy as np

N_GAUSS = 20000
N_FEAT = 32
K_NN = 8
Q = 32768
CHUNK = 4096


def setup_inputs(seed: int = 0) -> dict:
    key = jax.random.key(seed)
    k1, k2, k3 = jax.random.split(key, 3)
    # query points in the unit cube (ray samples)
    x = jax.random.uniform(k1, (Q, 3), dtype=jnp.float32)
    # gaussian means initialized inside unit sphere remapped to [0,1]^3 (init_mean)
    pts = jax.random.normal(k2, (N_GAUSS, 3), dtype=jnp.float32)
    r = jnp.sqrt(jax.random.uniform(jax.random.fold_in(k2, 1), (N_GAUSS, 1), dtype=jnp.float32))
    pts = pts / (jnp.linalg.norm(pts, axis=1, keepdims=True) + 1e-12) * r
    means = pts * 0.5 + 0.5
    # per-gaussian hash features (register_buffer 'feats' = means_hash(means))
    feats = jax.random.normal(k3, (N_GAUSS, N_FEAT), dtype=jnp.float32) * 0.1
    # log covariances: log(1e-4) as in the module
    log_covs = jnp.log(jnp.ones((N_GAUSS, 3), dtype=jnp.float32) * 1e-4)
    return {"x": x, "means": means, "feats": feats, "log_covs": log_covs}


def reference(x, means, feats, log_covs):
    # Brute-force kNN over gaussian means, gather per-gaussian features,
    # weight by anisotropic gaussian density and normalize (splash encoding).
    m_sq = jnp.sum(means * means, axis=1)  # [K]
    outs = []
    for i in range(0, x.shape[0], CHUNK):
        xc = x[i:i + CHUNK]  # [c,3]
        d2 = jnp.sum(xc * xc, axis=1, keepdims=True) - 2.0 * (xc @ means.T) + m_sq[None, :]  # [c,K]
        _, idx = jax.lax.top_k(-d2, K_NN)  # [c,k] nearest gaussian indices
        mk = jnp.take(means, idx, axis=0)      # [c,k,3]
        lk = jnp.take(log_covs, idx, axis=0)   # [c,k,3]
        fk = jnp.take(feats, idx, axis=0)      # [c,k,F]
        diff = xc[:, None, :] - mk             # [c,k,3]
        logw = -0.5 * jnp.sum(diff * diff / jnp.exp(lk), axis=-1)  # [c,k]
        # normalized gaussian weights (numerically stable)
        logw = logw - jnp.max(logw, axis=-1, keepdims=True)
        w = jnp.exp(logw)
        w = w / (jnp.sum(w, axis=-1, keepdims=True) + 1e-8)
        outs.append(jnp.sum(w[..., None] * fk, axis=1))  # [c,F]
    return jnp.concatenate(outs, axis=0)  # [Q,F]

if __name__ == "__main__":
    import jax
    _d = setup_inputs()
    print(jax.jit(kernel)(*tuple(_d.values())))

</pallas_src>

<mosaic_0001>
#map = affine_map<(d0, d1) -> (0, 0)>
#map1 = affine_map<(d0, d1) -> (0)>
module attributes {stable_mosaic.version = 14 : i64} {
  func.func @_gather_body(%arg0: i32, %arg1: i32, %arg2: memref<20000x48xf32, #tpu.memory_space<hbm>>, %arg3: memref<131072xi32, #tpu.memory_space<hbm>>, %arg4: memref<131072x48xf32, #tpu.memory_space<hbm>>, %arg5: memref<4096xi32, #tpu.memory_space<vmem>>, %arg6: memref<128x48xf32, #tpu.memory_space<vmem>>, %arg7: memref<128x48xf32, #tpu.memory_space<vmem>>, %arg8: memref<!tpu.dma_semaphore, #tpu.memory_space<semaphore_mem>>, %arg9: memref<!tpu.dma_semaphore, #tpu.memory_space<semaphore_mem>>) attributes {dimension_semantics = [#tpu.dimension_semantics<core_parallel>, #tpu.dimension_semantics<subcore_parallel>], iteration_bounds = array<i64: 2, 16>, scalar_prefetch = 0 : i64, scratch_operands = 5 : i64, tpu.core_type = #tpu.core_type<sc_vector_subcore>, window_params = [{transform_indices = #map}, {transform_indices = #map1}, {transform_indices = #map}]} {
    %mul3A = arith.constant 2 : i32
    %mul3A_0 = arith.muli %arg1, %mul3A : i32
    %add3A = arith.addi %mul3A_0, %arg0 : i32
    %mul3A_1 = arith.constant 4096 : i32
    %mul3A_2 = arith.muli %add3A, %mul3A_1 : i32
    "tpu.region"() ({
      %run_scoped3A = tpu.sem_alloc : memref<!tpu.dma_semaphore, #tpu.memory_space<semaphore_mem>>
      %dma_start3A_12 = tpu.memref_slice %arg3[%mul3A_2] : memref<131072xi32, #tpu.memory_space<hbm>> -> memref<4096xi32, #tpu.memory_space<hbm>>
      %dma_start3A_13 = tpu.memref_slice %arg3[%mul3A_2] : memref<131072xi32, #tpu.memory_space<hbm>> -> memref<4096xi32, #tpu.memory_space<hbm>>
      tpu.enqueue_dma source(%dma_start3A_13 : memref<4096xi32, #tpu.memory_space<hbm>>) target(%arg5 : memref<4096xi32, #tpu.memory_space<vmem>>) target_semaphore(%run_scoped3A : memref<!tpu.dma_semaphore, #tpu.memory_space<semaphore_mem>>)
      %dma_wait3A = tpu.memref_slice %arg3[%mul3A_2] : memref<131072xi32, #tpu.memory_space<hbm>> -> memref<4096xi32, #tpu.memory_space<hbm>>
      %dma_wait3A_14 = tpu.memref_slice %arg3[%mul3A_2] : memref<131072xi32, #tpu.memory_space<hbm>> -> memref<4096xi32, #tpu.memory_space<hbm>>
      tpu.wait_dma2 semaphore(%run_scoped3A : memref<!tpu.dma_semaphore, #tpu.memory_space<semaphore_mem>>) src(%dma_wait3A_14 : memref<4096xi32, #tpu.memory_space<hbm>>) dst(%arg5 : memref<4096xi32, #tpu.memory_space<vmem>>)
      tpu.yield
    }) : () -> ()
    %dma_start3A = arith.constant 0 : i32
    %dma_start3A_3 = tpu.memref_slice %arg5[%dma_start3A] : memref<4096xi32, #tpu.memory_space<vmem>> -> memref<128xi32, #tpu.memory_space<vmem>>
    %dma_start3A_4 = arith.constant 0 : i32
    %dma_start3A_5 = arith.constant 0 : i32
    %dma_start3A_6 = tpu.memref_slice %arg2[%dma_start3A_4, %dma_start3A_5] : memref<20000x48xf32, #tpu.memory_space<hbm>> -> memref<20000x48xf32, #tpu.memory_space<hbm>>
    tpu.enqueue_indirect_dma source(%dma_start3A_6 : memref<20000x48xf32, #tpu.memory_space<hbm>>) target(%arg6 : memref<128x48xf32, #tpu.memory_space<vmem>>) offsets(%dma_start3A_3 : memref<128xi32, #tpu.memory_space<vmem>>) semaphore(%arg8 : memref<!tpu.dma_semaphore, #tpu.memory_space<semaphore_mem>>)
    %scan3A = arith.constant 0 : i32
    %scan3A_7 = arith.constant 0 : i32
    %scan3A_8 = arith.constant 16 : i32
    %scan3A_9 = arith.addi %scan3A_7, %scan3A_8 : i32
    %scan3A_10 = arith.constant 1 : i32
    scf.for %scan3A_12 = %scan3A_7 to %scan3A_9 step %scan3A_10  : i32 {
      %mul3A_13 = arith.constant 2 : i32
      %mul3A_14 = arith.muli %mul3A_13, %scan3A_12 : i32
      %add3A_15 = arith.constant 1 : i32
      %add3A_16 = arith.addi %mul3A_14, %add3A_15 : i32
      %mul3A_17 = arith.constant 128 : i32
      %mul3A_18 = arith.muli %add3A_16, %mul3A_17 : i32
      %dma_start3A_19 = tpu.memref_slice %arg5[%mul3A_18] : memref<4096xi32, #tpu.memory_space<vmem>> -> memref<128xi32, #tpu.memory_space<vmem>>
      %dma_start3A_20 = arith.constant 0 : i32
      %dma_start3A_21 = arith.constant 0 : i32
      %dma_start3A_22 = tpu.memref_slice %arg2[%dma_start3A_20, %dma_start3A_21] : memref<20000x48xf32, #tpu.memory_space<hbm>> -> memref<20000x48xf32, #tpu.memory_space<hbm>>
      tpu.enqueue_indirect_dma source(%dma_start3A_22 : memref<20000x48xf32, #tpu.memory_space<hbm>>) target(%arg7 : memref<128x48xf32, #tpu.memory_space<vmem>>) offsets(%dma_start3A_19 : memref<128xi32, #tpu.memory_space<vmem>>) semaphore(%arg9 : memref<!tpu.dma_semaphore, #tpu.memory_space<semaphore_mem>>)
      %mul3A_23 = arith.constant 128 : i32
      %mul3A_24 = arith.muli %mul3A_14, %mul3A_23 : i32
      %dma_wait3A = tpu.memref_slice %arg5[%mul3A_24] : memref<4096xi32, #tpu.memory_space<vmem>> -> memref<128xi32, #tpu.memory_space<vmem>>
      %dma_wait3A_25 = arith.constant 0 : i32
      %dma_wait3A_26 = arith.constant 0 : i32
      %dma_wait3A_27 = tpu.memref_slice %arg2[%dma_wait3A_25, %dma_wait3A_26] : memref<20000x48xf32, #tpu.memory_space<hbm>> -> memref<20000x48xf32, #tpu.memory_space<hbm>>
      tpu.wait_indirect_dma semaphore(%arg8 : memref<!tpu.dma_semaphore, #tpu.memory_space<semaphore_mem>>) src(%dma_wait3A_27 : memref<20000x48xf32, #tpu.memory_space<hbm>>) dst(%arg6 : memref<128x48xf32, #tpu.memory_space<vmem>>)
      %mul3A_28 = arith.constant 128 : i32
      %mul3A_29 = arith.muli %mul3A_14, %mul3A_28 : i32
      %add3A_30 = arith.addi %mul3A_2, %mul3A_29 : i32
      "tpu.region"() ({
        %run_scoped3A = tpu.sem_alloc : memref<!tpu.dma_semaphore, #tpu.memory_space<semaphore_mem>>
        %dma_start3A_48 = arith.constant 0 : i32
        %dma_start3A_49 = tpu.memref_slice %arg4[%add3A_30, %dma_start3A_48] : memref<131072x48xf32, #tpu.memory_space<hbm>> -> memref<128x48xf32, #tpu.memory_space<hbm>>
        %dma_start3A_50 = arith.constant 0 : i32
        %dma_start3A_51 = tpu.memref_slice %arg4[%add3A_30, %dma_start3A_50] : memref<131072x48xf32, #tpu.memory_space<hbm>> -> memref<128x48xf32, #tpu.memory_space<hbm>>
        tpu.enqueue_dma source(%arg6 : memref<128x48xf32, #tpu.memory_space<vmem>>) target(%dma_start3A_51 : memref<128x48xf32, #tpu.memory_space<hbm>>) target_semaphore(%run_scoped3A : memref<!tpu.dma_semaphore, #tpu.memory_space<semaphore_mem>>)
        %dma_wait3A_52 = arith.constant 0 : i32
        %dma_wait3A_53 = tpu.memref_slice %arg4[%add3A_30, %dma_wait3A_52] : memref<131072x48xf32, #tpu.memory_space<hbm>> -> memref<128x48xf32, #tpu.memory_space<hbm>>
        %dma_wait3A_54 = arith.constant 0 : i32
        %dma_wait3A_55 = tpu.memref_slice %arg4[%add3A_30, %dma_wait3A_54] : memref<131072x48xf32, #tpu.memory_space<hbm>> -> memref<128x48xf32, #tpu.memory_space<hbm>>
        tpu.wait_dma2 semaphore(%run_scoped3A : memref<!tpu.dma_semaphore, #tpu.memory_space<semaphore_mem>>) src(%arg6 : memref<128x48xf32, #tpu.memory_space<vmem>>) dst(%dma_wait3A_55 : memref<128x48xf32, #tpu.memory_space<hbm>>)
        tpu.yield
      }) : () -> ()
      %add3A_31 = arith.constant 2 : i32
      %add3A_32 = arith.addi %mul3A_14, %add3A_31 : i32
      %lt3A = arith.constant 32 : i32
      %lt3A_33 = arith.cmpi slt, %add3A_32, %lt3A : i32
      %convert_element_type3A = arith.extui %lt3A_33 : i1 to i32
      %cond3A = arith.constant 0 : i32
      %cond3A_34 = arith.cmpi ne, %convert_element_type3A, %cond3A : i32
      scf.if %cond3A_34 {
        %add3A_48 = arith.constant 2 : i32
        %add3A_49 = arith.addi %mul3A_14, %add3A_48 : i32
        %mul3A_50 = arith.constant 128 : i32
        %mul3A_51 = arith.muli %add3A_49, %mul3A_50 : i32
        %dma_start3A_52 = tpu.memref_slice %arg5[%mul3A_51] : memref<4096xi32, #tpu.memory_space<vmem>> -> memref<128xi32, #tpu.memory_space<vmem>>
        %dma_start3A_53 = arith.constant 0 : i32
        %dma_start3A_54 = arith.constant 0 : i32
        %dma_start3A_55 = tpu.memref_slice %arg2[%dma_start3A_53, %dma_start3A_54] : memref<20000x48xf32, #tpu.memory_space<hbm>> -> memref<20000x48xf32, #tpu.memory_space<hbm>>
        tpu.enqueue_indirect_dma source(%dma_start3A_55 : memref<20000x48xf32, #tpu.memory_space<hbm>>) target(%arg6 : memref<128x48xf32, #tpu.memory_space<vmem>>) offsets(%dma_start3A_52 : memref<128xi32, #tpu.memory_space<vmem>>) semaphore(%arg8 : memref<!tpu.dma_semaphore, #tpu.memory_space<semaphore_mem>>)
      } else {
      }
      %add3A_35 = arith.constant 1 : i32
      %add3A_36 = arith.addi %mul3A_14, %add3A_35 : i32
      %mul3A_37 = arith.constant 128 : i32
      %mul3A_38 = arith.muli %add3A_36, %mul3A_37 : i32
      %dma_wait3A_39 = tpu.memref_slice %arg5[%mul3A_38] : memref<4096xi32, #tpu.memory_space<vmem>> -> memref<128xi32, #tpu.memory_space<vmem>>
      %dma_wait3A_40 = arith.constant 0 : i32
      %dma_wait3A_41 = arith.constant 0 : i32
      %dma_wait3A_42 = tpu.memref_slice %arg2[%dma_wait3A_40, %dma_wait3A_41] : memref<20000x48xf32, #tpu.memory_space<hbm>> -> memref<20000x48xf32, #tpu.memory_space<hbm>>
      tpu.wait_indirect_dma semaphore(%arg9 : memref<!tpu.dma_semaphore, #tpu.memory_space<semaphore_mem>>) src(%dma_wait3A_42 : memref<20000x48xf32, #tpu.memory_space<hbm>>) dst(%arg7 : memref<128x48xf32, #tpu.memory_space<vmem>>)
      %add3A_43 = arith.constant 1 : i32
      %add3A_44 = arith.addi %mul3A_14, %add3A_43 : i32
      %mul3A_45 = arith.constant 128 : i32
      %mul3A_46 = arith.muli %add3A_44, %mul3A_45 : i32
      %add3A_47 = arith.addi %mul3A_2, %mul3A_46 : i32
      "tpu.region"() ({
        %run_scoped3A = tpu.sem_alloc : memref<!tpu.dma_semaphore, #tpu.memory_space<semaphore_mem>>
        %dma_start3A_48 = arith.constant 0 : i32
        %dma_start3A_49 = tpu.memref_slice %arg4[%add3A_47, %dma_start3A_48] : memref<131072x48xf32, #tpu.memory_space<hbm>> -> memref<128x48xf32, #tpu.memory_space<hbm>>
        %dma_start3A_50 = arith.constant 0 : i32
        %dma_start3A_51 = tpu.memref_slice %arg4[%add3A_47, %dma_start3A_50] : memref<131072x48xf32, #tpu.memory_space<hbm>> -> memref<128x48xf32, #tpu.memory_space<hbm>>
        tpu.enqueue_dma source(%arg7 : memref<128x48xf32, #tpu.memory_space<vmem>>) target(%dma_start3A_51 : memref<128x48xf32, #tpu.memory_space<hbm>>) target_semaphore(%run_scoped3A : memref<!tpu.dma_semaphore, #tpu.memory_space<semaphore_mem>>)
        %dma_wait3A_52 = arith.constant 0 : i32
        %dma_wait3A_53 = tpu.memref_slice %arg4[%add3A_47, %dma_wait3A_52] : memref<131072x48xf32, #tpu.memory_space<hbm>> -> memref<128x48xf32, #tpu.memory_space<hbm>>
        %dma_wait3A_54 = arith.constant 0 : i32
        %dma_wait3A_55 = tpu.memref_slice %arg4[%add3A_47, %dma_wait3A_54] : memref<131072x48xf32, #tpu.memory_space<hbm>> -> memref<128x48xf32, #tpu.memory_space<hbm>>
        tpu.wait_dma2 semaphore(%run_scoped3A : memref<!tpu.dma_semaphore, #tpu.memory_space<semaphore_mem>>) src(%arg7 : memref<128x48xf32, #tpu.memory_space<vmem>>) dst(%dma_wait3A_55 : memref<128x48xf32, #tpu.memory_space<hbm>>)
        tpu.yield
      }) : () -> ()
    }
    %scan3A_11 = arith.constant 16 : i32
    return
  }
}

#map = affine_map<(d0, d1) -> (0, 0)>
#map1 = affine_map<(d0, d1) -> (0)>
module attributes {stable_mosaic.version = 14 : i64} {
  func.func @_gather_body(%arg0: i32, %arg1: i32, %arg2: memref<20000x48xf32, #tpu.memory_space<hbm>>, %arg3: memref<131072xi32, #tpu.memory_space<hbm>>, %arg4: memref<131072x48xf32, #tpu.memory_space<hbm>>, %arg5: memref<4096xi32, #tpu.memory_space<vmem>>, %arg6: memref<128x48xf32, #tpu.memory_space<vmem>>, %arg7: memref<128x48xf32, #tpu.memory_space<vmem>>, %arg8: memref<!tpu.dma_semaphore, #tpu.memory_space<semaphore_mem>>, %arg9: memref<!tpu.dma_semaphore, #tpu.memory_space<semaphore_mem>>) attributes {dimension_semantics = [#tpu.dimension_semantics<core_parallel>, #tpu.dimension_semantics<subcore_parallel>], iteration_bounds = array<i64: 2, 16>, scalar_prefetch = 0 : i64, scratch_operands = 5 : i64, tpu.core_type = #tpu.core_type<sc_vector_subcore>, window_params = [{transform_indices = #map}, {transform_indices = #map1}, {transform_indices = #map}]} {
    %mul3A = arith.constant 2 : i32
    %mul3A_0 = arith.muli %arg1, %mul3A : i32
    %add3A = arith.addi %mul3A_0, %arg0 : i32
    %mul3A_1 = arith.constant 4096 : i32
    %mul3A_2 = arith.muli %add3A, %mul3A_1 : i32
    "tpu.region"() ({
      %run_scoped3A = tpu.sem_alloc : memref<!tpu.dma_semaphore, #tpu.memory_space<semaphore_mem>>
      %dma_start3A_12 = tpu.memref_slice %arg3[%mul3A_2] : memref<131072xi32, #tpu.memory_space<hbm>> -> memref<4096xi32, #tpu.memory_space<hbm>>
      %dma_start3A_13 = tpu.memref_slice %arg3[%mul3A_2] : memref<131072xi32, #tpu.memory_space<hbm>> -> memref<4096xi32, #tpu.memory_space<hbm>>
      tpu.enqueue_dma source(%dma_start3A_13 : memref<4096xi32, #tpu.memory_space<hbm>>) target(%arg5 : memref<4096xi32, #tpu.memory_space<vmem>>) target_semaphore(%run_scoped3A : memref<!tpu.dma_semaphore, #tpu.memory_space<semaphore_mem>>)
      %dma_wait3A = tpu.memref_slice %arg3[%mul3A_2] : memref<131072xi32, #tpu.memory_space<hbm>> -> memref<4096xi32, #tpu.memory_space<hbm>>
      %dma_wait3A_14 = tpu.memref_slice %arg3[%mul3A_2] : memref<131072xi32, #tpu.memory_space<hbm>> -> memref<4096xi32, #tpu.memory_space<hbm>>
      tpu.wait_dma2 semaphore(%run_scoped3A : memref<!tpu.dma_semaphore, #tpu.memory_space<semaphore_mem>>) src(%dma_wait3A_14 : memref<4096xi32, #tpu.memory_space<hbm>>) dst(%arg5 : memref<4096xi32, #tpu.memory_space<vmem>>)
      tpu.yield
    }) : () -> ()
    %dma_start3A = arith.constant 0 : i32
    %dma_start3A_3 = tpu.memref_slice %arg5[%dma_start3A] : memref<4096xi32, #tpu.memory_space<vmem>> -> memref<128xi32, #tpu.memory_space<vmem>>
    %dma_start3A_4 = arith.constant 0 : i32
    %dma_start3A_5 = arith.constant 0 : i32
    %dma_start3A_6 = tpu.memref_slice %arg2[%dma_start3A_4, %dma_start3A_5] : memref<20000x48xf32, #tpu.memory_space<hbm>> -> memref<20000x48xf32, #tpu.memory_space<hbm>>
    tpu.enqueue_indirect_dma source(%dma_start3A_6 : memref<20000x48xf32, #tpu.memory_space<hbm>>) target(%arg6 : memref<128x48xf32, #tpu.memory_space<vmem>>) offsets(%dma_start3A_3 : memref<128xi32, #tpu.memory_space<vmem>>) semaphore(%arg8 : memref<!tpu.dma_semaphore, #tpu.memory_space<semaphore_mem>>)
    %scan3A = arith.constant 0 : i32
    %scan3A_7 = arith.constant 0 : i32
    %scan3A_8 = arith.constant 16 : i32
    %scan3A_9 = arith.addi %scan3A_7, %scan3A_8 : i32
    %scan3A_10 = arith.constant 1 : i32
    scf.for %scan3A_12 = %scan3A_7 to %scan3A_9 step %scan3A_10  : i32 {
      %mul3A_13 = arith.constant 2 : i32
      %mul3A_14 = arith.muli %mul3A_13, %scan3A_12 : i32
      %add3A_15 = arith.constant 1 : i32
      %add3A_16 = arith.addi %mul3A_14, %add3A_15 : i32
      %mul3A_17 = arith.constant 128 : i32
      %mul3A_18 = arith.muli %add3A_16, %mul3A_17 : i32
      %dma_start3A_19 = tpu.memref_slice %arg5[%mul3A_18] : memref<4096xi32, #tpu.memory_space<vmem>> -> memref<128xi32, #tpu.memory_space<vmem>>
      %dma_start3A_20 = arith.constant 0 : i32
      %dma_start3A_21 = arith.constant 0 : i32
      %dma_start3A_22 = tpu.memref_slice %arg2[%dma_start3A_20, %dma_start3A_21] : memref<20000x48xf32, #tpu.memory_space<hbm>> -> memref<20000x48xf32, #tpu.memory_space<hbm>>
      tpu.enqueue_indirect_dma source(%dma_start3A_22 : memref<20000x48xf32, #tpu.memory_space<hbm>>) target(%arg7 : memref<128x48xf32, #tpu.memory_space<vmem>>) offsets(%dma_start3A_19 : memref<128xi32, #tpu.memory_space<vmem>>) semaphore(%arg9 : memref<!tpu.dma_semaphore, #tpu.memory_space<semaphore_mem>>)
      %mul3A_23 = arith.constant 128 : i32
      %mul3A_24 = arith.muli %mul3A_14, %mul3A_23 : i32
      %dma_wait3A = tpu.memref_slice %arg5[%mul3A_24] : memref<4096xi32, #tpu.memory_space<vmem>> -> memref<128xi32, #tpu.memory_space<vmem>>
      %dma_wait3A_25 = arith.constant 0 : i32
      %dma_wait3A_26 = arith.constant 0 : i32
      %dma_wait3A_27 = tpu.memref_slice %arg2[%dma_wait3A_25, %dma_wait3A_26] : memref<20000x48xf32, #tpu.memory_space<hbm>> -> memref<20000x48xf32, #tpu.memory_space<hbm>>
      tpu.wait_indirect_dma semaphore(%arg8 : memref<!tpu.dma_semaphore, #tpu.memory_space<semaphore_mem>>) src(%dma_wait3A_27 : memref<20000x48xf32, #tpu.memory_space<hbm>>) dst(%arg6 : memref<128x48xf32, #tpu.memory_space<vmem>>)
      %mul3A_28 = arith.constant 128 : i32
      %mul3A_29 = arith.muli %mul3A_14, %mul3A_28 : i32
      %add3A_30 = arith.addi %mul3A_2, %mul3A_29 : i32
      "tpu.region"() ({
        %run_scoped3A = tpu.sem_alloc : memref<!tpu.dma_semaphore, #tpu.memory_space<semaphore_mem>>
        %dma_start3A_48 = arith.constant 0 : i32
        %dma_start3A_49 = tpu.memref_slice %arg4[%add3A_30, %dma_start3A_48] : memref<131072x48xf32, #tpu.memory_space<hbm>> -> memref<128x48xf32, #tpu.memory_space<hbm>>
        %dma_start3A_50 = arith.constant 0 : i32
        %dma_start3A_51 = tpu.memref_slice %arg4[%add3A_30, %dma_start3A_50] : memref<131072x48xf32, #tpu.memory_space<hbm>> -> memref<128x48xf32, #tpu.memory_space<hbm>>
        tpu.enqueue_dma source(%arg6 : memref<128x48xf32, #tpu.memory_space<vmem>>) target(%dma_start3A_51 : memref<128x48xf32, #tpu.memory_space<hbm>>) target_semaphore(%run_scoped3A : memref<!tpu.dma_semaphore, #tpu.memory_space<semaphore_mem>>)
        %dma_wait3A_52 = arith.constant 0 : i32
        %dma_wait3A_53 = tpu.memref_slice %arg4[%add3A_30, %dma_wait3A_52] : memref<131072x48xf32, #tpu.memory_space<hbm>> -> memref<128x48xf32, #tpu.memory_space<hbm>>
        %dma_wait3A_54 = arith.constant 0 : i32
        %dma_wait3A_55 = tpu.memref_slice %arg4[%add3A_30, %dma_wait3A_54] : memref<131072x48xf32, #tpu.memory_space<hbm>> -> memref<128x48xf32, #tpu.memory_space<hbm>>
        tpu.wait_dma2 semaphore(%run_scoped3A : memref<!tpu.dma_semaphore, #tpu.memory_space<semaphore_mem>>) src(%arg6 : memref<128x48xf32, #tpu.memory_space<vmem>>) dst(%dma_wait3A_55 : memref<128x48xf32, #tpu.memory_space<hbm>>)
        tpu.yield
      }) : () -> ()
      %add3A_31 = arith.constant 2 : i32
      %add3A_32 = arith.addi %mul3A_14, %add3A_31 : i32
      %lt3A = arith.constant 32 : i32
      %lt3A_33 = arith.cmpi slt, %add3A_32, %lt3A : i32
      %convert_element_type3A = arith.extui %lt3A_33 : i1 to i32
      %cond3A = arith.constant 0 : i32
      %cond3A_34 = arith.cmpi ne, %convert_element_type3A, %cond3A : i32
      scf.if %cond3A_34 {
        %add3A_48 = arith.constant 2 : i32
        %add3A_49 = arith.addi %mul3A_14, %add3A_48 : i32
        %mul3A_50 = arith.constant 128 : i32
        %mul3A_51 = arith.muli %add3A_49, %mul3A_50 : i32
        %dma_start3A_52 = tpu.memref_slice %arg5[%mul3A_51] : memref<4096xi32, #tpu.memory_space<vmem>> -> memref<128xi32, #tpu.memory_space<vmem>>
        %dma_start3A_53 = arith.constant 0 : i32
        %dma_start3A_54 = arith.constant 0 : i32
        %dma_start3A_55 = tpu.memref_slice %arg2[%dma_start3A_53, %dma_start3A_54] : memref<20000x48xf32, #tpu.memory_space<hbm>> -> memref<20000x48xf32, #tpu.memory_space<hbm>>
        tpu.enqueue_indirect_dma source(%dma_start3A_55 : memref<20000x48xf32, #tpu.memory_space<hbm>>) target(%arg6 : memref<128x48xf32, #tpu.memory_space<vmem>>) offsets(%dma_start3A_52 : memref<128xi32, #tpu.memory_space<vmem>>) semaphore(%arg8 : memref<!tpu.dma_semaphore, #tpu.memory_space<semaphore_mem>>)
      } else {
      }
      %add3A_35 = arith.constant 1 : i32
      %add3A_36 = arith.addi %mul3A_14, %add3A_35 : i32
      %mul3A_37 = arith.constant 128 : i32
      %mul3A_38 = arith.muli %add3A_36, %mul3A_37 : i32
      %dma_wait3A_39 = tpu.memref_slice %arg5[%mul3A_38] : memref<4096xi32, #tpu.memory_space<vmem>> -> memref<128xi32, #tpu.memory_space<vmem>>
      %dma_wait3A_40 = arith.constant 0 : i32
      %dma_wait3A_41 = arith.constant 0 : i32
      %dma_wait3A_42 = tpu.memref_slice %arg2[%dma_wait3A_40, %dma_wait3A_41] : memref<20000x48xf32, #tpu.memory_space<hbm>> -> memref<20000x48xf32, #tpu.memory_space<hbm>>
      tpu.wait_indirect_dma semaphore(%arg9 : memref<!tpu.dma_semaphore, #tpu.memory_space<semaphore_mem>>) src(%dma_wait3A_42 : memref<20000x48xf32, #tpu.memory_space<hbm>>) dst(%arg7 : memref<128x48xf32, #tpu.memory_space<vmem>>)
      %add3A_43 = arith.constant 1 : i32
      %add3A_44 = arith.addi %mul3A_14, %add3A_43 : i32
      %mul3A_45 = arith.constant 128 : i32
      %mul3A_46 = arith.muli %add3A_44, %mul3A_45 : i32
      %add3A_47 = arith.addi %mul3A_2, %mul3A_46 : i32
      "tpu.region"() ({
        %run_scoped3A = tpu.sem_alloc : memref<!tpu.dma_semaphore, #tpu.memory_space<semaphore_mem>>
        %dma_start3A_48 = arith.constant 0 : i32
        %dma_start3A_49 = tpu.memref_slice %arg4[%add3A_47, %dma_start3A_48] : memref<131072x48xf32, #tpu.memory_space<hbm>> -> memref<128x48xf32, #tpu.memory_space<hbm>>
        %dma_start3A_50 = arith.constant 0 : i32
        %dma_start3A_51 = tpu.memref_slice %arg4[%add3A_47, %dma_start3A_50] : memref<131072x48xf32, #tpu.memory_space<hbm>> -> memref<128x48xf32, #tpu.memory_space<hbm>>
        tpu.enqueue_dma source(%arg7 : memref<128x48xf32, #tpu.memory_space<vmem>>) target(%dma_start3A_51 : memref<128x48xf32, #tpu.memory_space<hbm>>) target_semaphore(%run_scoped3A : memref<!tpu.dma_semaphore, #tpu.memory_space<semaphore_mem>>)
        %dma_wait3A_52 = arith.constant 0 : i32
        %dma_wait3A_53 = tpu.memref_slice %arg4[%add3A_47, %dma_wait3A_52] : memref<131072x48xf32, #tpu.memory_space<hbm>> -> memref<128x48xf32, #tpu.memory_space<hbm>>
        %dma_wait3A_54 = arith.constant 0 : i32
        %dma_wait3A_55 = tpu.memref_slice %arg4[%add3A_47, %dma_wait3A_54] : memref<131072x48xf32, #tpu.memory_space<hbm>> -> memref<128x48xf32, #tpu.memory_space<hbm>>
        tpu.wait_dma2 semaphore(%run_scoped3A : memref<!tpu.dma_semaphore, #tpu.memory_space<semaphore_mem>>) src(%arg7 : memref<128x48xf32, #tpu.memory_space<vmem>>) dst(%dma_wait3A_55 : memref<128x48xf32, #tpu.memory_space<hbm>>)
        tpu.yield
      }) : () -> ()
    }
    %scan3A_11 = arith.constant 16 : i32
    return
  }
}

module attributes {stable_mosaic.version = 14 : i64} {
  func.func @_topk_body(%arg0: i32, %arg1: memref<128x8xf32, #tpu.memory_space<vmem>>, %arg2: memref<8x20480xf32, #tpu.memory_space<vmem>>, %arg3: memref<128x8xi32, #tpu.memory_space<vmem>>) attributes {dimension_semantics = [#tpu.dimension_semantics<parallel>], iteration_bounds = array<i64: 128>, scalar_prefetch = 0 : i64, scratch_operands = 0 : i64, tpu.core_type = #tpu.core_type<tc>, window_params = [{transform_indices = @transform_0, window_bounds = array<i64: 128, 8>}, {pipeline_mode = #tpu.pipeline_mode<synchronous>, transform_indices = @transform_1, window_bounds = array<i64: 8, 20480>}, {transform_indices = @transform_2, window_bounds = array<i64: 128, 8>}]} {
    %get3A = arith.constant 0 : index
    %get3A_0 = arith.constant 0 : index
    %get3A_1 = vector.load %arg1[%get3A, %get3A_0] : memref<128x8xf32, #tpu.memory_space<vmem>>, vector<128x8xf32>
    %get3A_2 = arith.constant 0 : index
    %get3A_3 = arith.constant 0 : index
    %get3A_4 = vector.load %arg2[%get3A_2, %get3A_3] : memref<8x20480xf32, #tpu.memory_space<vmem>>, vector<8x20480xf32>
    %mul3A = arith.mulf %get3A_4, %get3A_4 : vector<8x20480xf32>
    %reduce_sum3A = arith.constant dense<0.000000e+00> : vector<20480xf32>
    %reduce_sum3A_5 = vector.multi_reduction <add>, %mul3A, %reduce_sum3A [0] : vector<8x20480xf32> to vector<20480xf32>
    %broadcast_in_dim3A = vector.shape_cast %reduce_sum3A_5 : vector<20480xf32> to vector<1x20480xf32>
    %dot_general3A = arith.constant dense<0.000000e+00> : vector<128x20480xf32>
    %dot_general3A_6 = tpu.matmul %get3A_1, %get3A_4, %dot_general3A {dimension_numbers = #tpu.dot_dimension_numbers<[1], [0], [0], [1], [0, 0, 1, 1], [], []>, transpose_lhs_hint = false} : vector<128x8xf32>, vector<8x20480xf32>, vector<128x20480xf32> -> vector<128x20480xf32>
    %add3A = vector.broadcast %broadcast_in_dim3A : vector<1x20480xf32> to vector<128x20480xf32>
    %add3A_7 = arith.addf %add3A, %dot_general3A_6 : vector<128x20480xf32>
    %iota3A = tpu.iota {dimensions = array<i32: 1>} : vector<128x2560xi32>
    %slice3A = vector.extract_strided_slice %add3A_7 {offsets = [0, 0], sizes = [128, 2560], strides = [1, 1]} : vector<128x20480xf32> to vector<128x2560xf32>
    %add3A_8 = arith.constant 0 : i32
    %add3A_9 = vector.broadcast %add3A_8 : i32 to vector<128x2560xi32>
    %add3A_10 = arith.addi %iota3A, %add3A_9 : vector<128x2560xi32>
    %slice3A_11 = vector.extract_strided_slice %add3A_7 {offsets = [0, 2560], sizes = [128, 2560], strides = [1, 1]} : vector<128x20480xf32> to vector<128x2560xf32>
    %add3A_12 = arith.constant 2560 : i32
    %add3A_13 = vector.broadcast %add3A_12 : i32 to vector<128x2560xi32>
    %add3A_14 = arith.addi %iota3A, %add3A_13 : vector<128x2560xi32>
    %slice3A_15 = vector.extract_strided_slice %add3A_7 {offsets = [0, 5120], sizes = [128, 2560], strides = [1, 1]} : vector<128x20480xf32> to vector<128x2560xf32>
    %add3A_16 = arith.constant 5120 : i32
    %add3A_17 = vector.broadcast %add3A_16 : i32 to vector<128x2560xi32>
    %add3A_18 = arith.addi %iota3A, %add3A_17 : vector<128x2560xi32>
    %slice3A_19 = vector.extract_strided_slice %add3A_7 {offsets = [0, 7680], sizes = [128, 2560], strides = [1, 1]} : vector<128x20480xf32> to vector<128x2560xf32>
    %add3A_20 = arith.constant 7680 : i32
    %add3A_21 = vector.broadcast %add3A_20 : i32 to vector<128x2560xi32>
    %add3A_22 = arith.addi %iota3A, %add3A_21 : vector<128x2560xi32>
    %slice3A_23 = vector.extract_strided_slice %add3A_7 {offsets = [0, 10240], sizes = [128, 2560], strides = [1, 1]} : vector<128x20480xf32> to vector<128x2560xf32>
    %add3A_24 = arith.constant 10240 : i32
    %add3A_25 = vector.broadcast %add3A_24 : i32 to vector<128x2560xi32>
    %add3A_26 = arith.addi %iota3A, %add3A_25 : vector<128x2560xi32>
    %slice3A_27 = vector.extract_strided_slice %add3A_7 {offsets = [0, 12800], sizes = [128, 2560], strides = [1, 1]} : vector<128x20480xf32> to vector<128x2560xf32>
    %add3A_28 = arith.constant 12800 : i32
    %add3A_29 = vector.broadcast %add3A_28 : i32 to vector<128x2560xi32>
    %add3A_30 = arith.addi %iota3A, %add3A_29 : vector<128x2560xi32>
    %slice3A_31 = vector.extract_strided_slice %add3A_7 {offsets = [0, 15360], sizes = [128, 2560], strides = [1, 1]} : vector<128x20480xf32> to vector<128x2560xf32>
    %add3A_32 = arith.constant 15360 : i32
    %add3A_33 = vector.broadcast %add3A_32 : i32 to vector<128x2560xi32>
    %add3A_34 = arith.addi %iota3A, %add3A_33 : vector<128x2560xi32>
    %slice3A_35 = vector.extract_strided_slice %add3A_7 {offsets = [0, 17920], sizes = [128, 2560], strides = [1, 1]} : vector<128x20480xf32> to vector<128x2560xf32>
    %add3A_36 = arith.constant 17920 : i32
    %add3A_37 = vector.broadcast %add3A_36 : i32 to vector<128x2560xi32>
    %add3A_38 = arith.addi %iota3A, %add3A_37 : vector<128x2560xi32>
    %le3A = arith.cmpf ole, %slice3A, %slice3A_11 : vector<128x2560xf32>
    %min3A = arith.minimumf %slice3A, %slice3A_11 : vector<128x2560xf32>
    %select_n3A = arith.select %le3A, %add3A_10, %add3A_14 : vector<128x2560xi1>, vector<128x2560xi32>
    %max3A = arith.maximumf %slice3A, %slice3A_11 : vector<128x2560xf32>
    %select_n3A_39 = arith.select %le3A, %add3A_14, %add3A_10 : vector<128x2560xi1>, vector<128x2560xi32>
    %le3A_40 = arith.cmpf ole, %slice3A_15, %slice3A_19 : vector<128x2560xf32>
    %min3A_41 = arith.minimumf %slice3A_15, %slice3A_19 : vector<128x2560xf32>
    %select_n3A_42 = arith.select %le3A_40, %add3A_18, %add3A_22 : vector<128x2560xi1>, vector<128x2560xi32>
    %max3A_43 = arith.maximumf %slice3A_15, %slice3A_19 : vector<128x2560xf32>
    %select_n3A_44 = arith.select %le3A_40, %add3A_22, %add3A_18 : vector<128x2560xi1>, vector<128x2560xi32>
    %le3A_45 = arith.cmpf ole, %slice3A_23, %slice3A_27 : vector<128x2560xf32>
    %min3A_46 = arith.minimumf %slice3A_23, %slice3A_27 : vector<128x2560xf32>
    %select_n3A_47 = arith.select %le3A_45, %add3A_26, %add3A_30 : vector<128x2560xi1>, vector<128x2560xi32>
    %max3A_48 = arith.maximumf %slice3A_23, %slice3A_27 : vector<128x2560xf32>
    %select_n3A_49 = arith.select %le3A_45, %add3A_30, %add3A_26 : vector<128x2560xi1>, vector<128x2560xi32>
    %le3A_50 = arith.cmpf ole, %slice3A_31, %slice3A_35 : vector<128x2560xf32>
    %min3A_51 = arith.minimumf %slice3A_31, %slice3A_35 : vector<128x2560xf32>
    %select_n3A_52 = arith.select %le3A_50, %add3A_34, %add3A_38 : vector<128x2560xi1>, vector<128x2560xi32>
    %max3A_53 = arith.maximumf %slice3A_31, %slice3A_35 : vector<128x2560xf32>
    %select_n3A_54 = arith.select %le3A_50, %add3A_38, %add3A_34 : vector<128x2560xi1>, vector<128x2560xi32>
    %le3A_55 = arith.cmpf ole, %min3A, %min3A_41 : vector<128x2560xf32>
    %min3A_56 = arith.minimumf %min3A, %min3A_41 : vector<128x2560xf32>
    %select_n3A_57 = arith.select %le3A_55, %select_n3A, %select_n3A_42 : vector<128x2560xi1>, vector<128x2560xi32>
    %max3A_58 = arith.maximumf %min3A, %min3A_41 : vector<128x2560xf32>
    %select_n3A_59 = arith.select %le3A_55, %select_n3A_42, %select_n3A : vector<128x2560xi1>, vector<128x2560xi32>
    %le3A_60 = arith.cmpf ole, %max3A, %max3A_43 : vector<128x2560xf32>
    %min3A_61 = arith.minimumf %max3A, %max3A_43 : vector<128x2560xf32>
    %select_n3A_62 = arith.select %le3A_60, %select_n3A_39, %select_n3A_44 : vector<128x2560xi1>, vector<128x2560xi32>
    %max3A_63 = arith.maximumf %max3A, %max3A_43 : vector<128x2560xf32>
    %select_n3A_64 = arith.select %le3A_60, %select_n3A_44, %select_n3A_39 : vector<128x2560xi1>, vector<128x2560xi32>
    %le3A_65 = arith.cmpf ole, %min3A_46, %min3A_51 : vector<128x2560xf32>
    %min3A_66 = arith.minimumf %min3A_46, %min3A_51 : vector<128x2560xf32>
    %select_n3A_67 = arith.select %le3A_65, %select_n3A_47, %select_n3A_52 : vector<128x2560xi1>, vector<128x2560xi32>
    %max3A_68 = arith.maximumf %min3A_46, %min3A_51 : vector<128x2560xf32>
    %select_n3A_69 = arith.select %le3A_65, %select_n3A_52, %select_n3A_47 : vector<128x2560xi1>, vector<128x2560xi32>
    %le3A_70 = arith.cmpf ole, %max3A_48, %max3A_53 : vector<128x2560xf32>
    %min3A_71 = arith.minimumf %max3A_48, %max3A_53 : vector<128x2560xf32>
    %select_n3A_72 = arith.select %le3A_70, %select_n3A_49, %select_n3A_54 : vector<128x2560xi1>, vector<128x2560xi32>
    %max3A_73 = arith.maximumf %max3A_48, %max3A_53 : vector<128x2560xf32>
    %select_n3A_74 = arith.select %le3A_70, %select_n3A_54, %select_n3A_49 : vector<128x2560xi1>, vector<128x2560xi32>
    %le3A_75 = arith.cmpf ole, %min3A_61, %max3A_58 : vector<128x2560xf32>
    %min3A_76 = arith.minimumf %min3A_61, %max3A_58 : vector<128x2560xf32>
    %select_n3A_77 = arith.select %le3A_75, %select_n3A_62, %select_n3A_59 : vector<128x2560xi1>, vector<128x2560xi32>
    %max3A_78 = arith.maximumf %min3A_61, %max3A_58 : vector<128x2560xf32>
    %select_n3A_79 = arith.select %le3A_75, %select_n3A_59, %select_n3A_62 : vector<128x2560xi1>, vector<128x2560xi32>
    %le3A_80 = arith.cmpf ole, %min3A_71, %max3A_68 : vector<128x2560xf32>
    %min3A_81 = arith.minimumf %min3A_71, %max3A_68 : vector<128x2560xf32>
    %select_n3A_82 = arith.select %le3A_80, %select_n3A_72, %select_n3A_69 : vector<128x2560xi1>, vector<128x2560xi32>
    %max3A_83 = arith.maximumf %min3A_71, %max3A_68 : vector<128x2560xf32>
    %select_n3A_84 = arith.select %le3A_80, %select_n3A_69, %select_n3A_72 : vector<128x2560xi1>, vector<128x2560xi32>
    %le3A_85 = arith.cmpf ole, %min3A_56, %min3A_66 : vector<128x2560xf32>
    %min3A_86 = arith.minimumf %min3A_56, %min3A_66 : vector<128x2560xf32>
    %select_n3A_87 = arith.select %le3A_85, %select_n3A_57, %select_n3A_67 : vector<128x2560xi1>, vector<128x2560xi32>
    %max3A_88 = arith.maximumf %min3A_56, %min3A_66 : vector<128x2560xf32>
    %select_n3A_89 = arith.select %le3A_85, %select_n3A_67, %select_n3A_57 : vector<128x2560xi1>, vector<128x2560xi32>
    %le3A_90 = arith.cmpf ole, %min3A_76, %min3A_81 : vector<128x2560xf32>
    %min3A_91 = arith.minimumf %min3A_76, %min3A_81 : vector<128x2560xf32>
    %select_n3A_92 = arith.select %le3A_90, %select_n3A_77, %select_n3A_82 : vector<128x2560xi1>, vector<128x2560xi32>
    %max3A_93 = arith.maximumf %min3A_76, %min3A_81 : vector<128x2560xf32>
    %select_n3A_94 = arith.select %le3A_90, %select_n3A_82, %select_n3A_77 : vector<128x2560xi1>, vector<128x2560xi32>
    %le3A_95 = arith.cmpf ole, %max3A_78, %max3A_83 : vector<128x2560xf32>
    %min3A_96 = arith.minimumf %max3A_78, %max3A_83 : vector<128x2560xf32>
    %select_n3A_97 = arith.select %le3A_95, %select_n3A_79, %select_n3A_84 : vector<128x2560xi1>, vector<128x2560xi32>
    %max3A_98 = arith.maximumf %max3A_78, %max3A_83 : vector<128x2560xf32>
    %select_n3A_99 = arith.select %le3A_95, %select_n3A_84, %select_n3A_79 : vector<128x2560xi1>, vector<128x2560xi32>
    %le3A_100 = arith.cmpf ole, %max3A_63, %max3A_73 : vector<128x2560xf32>
    %min3A_101 = arith.minimumf %max3A_63, %max3A_73 : vector<128x2560xf32>
    %select_n3A_102 = arith.select %le3A_100, %select_n3A_64, %select_n3A_74 : vector<128x2560xi1>, vector<128x2560xi32>
    %max3A_103 = arith.maximumf %max3A_63, %max3A_73 : vector<128x2560xf32>
    %select_n3A_104 = arith.select %le3A_100, %select_n3A_74, %select_n3A_64 : vector<128x2560xi1>, vector<128x2560xi32>
    %le3A_105 = arith.cmpf ole, %min3A_96, %max3A_88 : vector<128x2560xf32>
    %min3A_106 = arith.minimumf %min3A_96, %max3A_88 : vector<128x2560xf32>
    %select_n3A_107 = arith.select %le3A_105, %select_n3A_97, %select_n3A_89 : vector<128x2560xi1>, vector<128x2560xi32>
    %max3A_108 = arith.maximumf %min3A_96, %max3A_88 : vector<128x2560xf32>
    %select_n3A_109 = arith.select %le3A_105, %select_n3A_89, %select_n3A_97 : vector<128x2560xi1>, vector<128x2560xi32>
    %le3A_110 = arith.cmpf ole, %min3A_101, %max3A_93 : vector<128x2560xf32>
    %min3A_111 = arith.minimumf %min3A_101, %max3A_93 : vector<128x2560xf32>
    %select_n3A_112 = arith.select %le3A_110, %select_n3A_102, %select_n3A_94 : vector<128x2560xi1>, vector<128x2560xi32>
    %max3A_113 = arith.maximumf %min3A_101, %max3A_93 : vector<128x2560xf32>
    %select_n3A_114 = arith.select %le3A_110, %select_n3A_94, %select_n3A_102 : vector<128x2560xi1>, vector<128x2560xi32>
    %le3A_115 = arith.cmpf ole, %min3A_91, %min3A_106 : vector<128x2560xf32>
    %min3A_116 = arith.minimumf %min3A_91, %min3A_106 : vector<128x2560xf32>
    %select_n3A_117 = arith.select %le3A_115, %select_n3A_92, %select_n3A_107 : vector<128x2560xi1>, vector<128x2560xi32>
    %max3A_118 = arith.maximumf %min3A_91, %min3A_106 : vector<128x2560xf32>
    %select_n3A_119 = arith.select %le3A_115, %select_n3A_107, %select_n3A_92 : vector<128x2560xi1>, vector<128x2560xi32>
    %le3A_120 = arith.cmpf ole, %min3A_111, %max3A_108 : vector<128x2560xf32>
    %min3A_121 = arith.minimumf %min3A_111, %max3A_108 : vector<128x2560xf32>
    %select_n3A_122 = arith.select %le3A_120, %select_n3A_112, %select_n3A_109 : vector<128x2560xi1>, vector<128x2560xi32>
    %max3A_123 = arith.maximumf %min3A_111, %max3A_108 : vector<128x2560xf32>
    %select_n3A_124 = arith.select %le3A_120, %select_n3A_109, %select_n3A_112 : vector<128x2560xi1>, vector<128x2560xi32>
    %le3A_125 = arith.cmpf ole, %max3A_113, %max3A_98 : vector<128x2560xf32>
    %min3A_126 = arith.minimumf %max3A_113, %max3A_98 : vector<128x2560xf32>
    %select_n3A_127 = arith.select %le3A_125, %select_n3A_114, %select_n3A_99 : vector<128x2560xi1>, vector<128x2560xi32>
    %max3A_128 = arith.maximumf %max3A_113, %max3A_98 : vector<128x2560xf32>
    %select_n3A_129 = arith.select %le3A_125, %select_n3A_99, %select_n3A_114 : vector<128x2560xi1>, vector<128x2560xi32>
    %slice3A_130 = vector.extract_strided_slice %min3A_86 {offsets = [0, 0], sizes = [128, 1280], strides = [1, 1]} : vector<128x2560xf32> to vector<128x1280xf32>
    %slice3A_131 = vector.extract_strided_slice %select_n3A_87 {offsets = [0, 0], sizes = [128, 1280], strides = [1, 1]} : vector<128x2560xi32> to vector<128x1280xi32>
    %slice3A_132 = vector.extract_strided_slice %min3A_116 {offsets = [0, 0], sizes = [128, 1280], strides = [1, 1]} : vector<128x2560xf32> to vector<128x1280xf32>
    %slice3A_133 = vector.extract_strided_slice %select_n3A_117 {offsets = [0, 0], sizes = [128, 1280], strides = [1, 1]} : vector<128x2560xi32> to vector<128x1280xi32>
    %slice3A_134 = vector.extract_strided_slice %max3A_118 {offsets = [0, 0], sizes = [128, 1280], strides = [1, 1]} : vector<128x2560xf32> to vector<128x1280xf32>
    %slice3A_135 = vector.extract_strided_slice %select_n3A_119 {offsets = [0, 0], sizes = [128, 1280], strides = [1, 1]} : vector<128x2560xi32> to vector<128x1280xi32>
    %slice3A_136 = vector.extract_strided_slice %min3A_121 {offsets = [0, 0], sizes = [128, 1280], strides = [1, 1]} : vector<128x2560xf32> to vector<128x1280xf32>
    %slice3A_137 = vector.extract_strided_slice %select_n3A_122 {offsets = [0, 0], sizes = [128, 1280], strides = [1, 1]} : vector<128x2560xi32> to vector<128x1280xi32>
    %slice3A_138 = vector.extract_strided_slice %max3A_123 {offsets = [0, 0], sizes = [128, 1280], strides = [1, 1]} : vector<128x2560xf32> to vector<128x1280xf32>
    %slice3A_139 = vector.extract_strided_slice %select_n3A_124 {offsets = [0, 0], sizes = [128, 1280], strides = [1, 1]} : vector<128x2560xi32> to vector<128x1280xi32>
    %slice3A_140 = vector.extract_strided_slice %min3A_126 {offsets = [0, 0], sizes = [128, 1280], strides = [1, 1]} : vector<128x2560xf32> to vector<128x1280xf32>
    %slice3A_141 = vector.extract_strided_slice %select_n3A_127 {offsets = [0, 0], sizes = [128, 1280], strides = [1, 1]} : vector<128x2560xi32> to vector<128x1280xi32>
    %slice3A_142 = vector.extract_strided_slice %max3A_128 {offsets = [0, 0], sizes = [128, 1280], strides = [1, 1]} : vector<128x2560xf32> to vector<128x1280xf32>
    %slice3A_143 = vector.extract_strided_slice %select_n3A_129 {offsets = [0, 0], sizes = [128, 1280], strides = [1, 1]} : vector<128x2560xi32> to vector<128x1280xi32>
    %slice3A_144 = vector.extract_strided_slice %max3A_103 {offsets = [0, 0], sizes = [128, 1280], strides = [1, 1]} : vector<128x2560xf32> to vector<128x1280xf32>
    %slice3A_145 = vector.extract_strided_slice %select_n3A_104 {offsets = [0, 0], sizes = [128, 1280], strides = [1, 1]} : vector<128x2560xi32> to vector<128x1280xi32>
    %slice3A_146 = vector.extract_strided_slice %min3A_86 {offsets = [0, 1280], sizes = [128, 1280], strides = [1, 1]} : vector<128x2560xf32> to vector<128x1280xf32>
    %slice3A_147 = vector.extract_strided_slice %select_n3A_87 {offsets = [0, 1280], sizes = [128, 1280], strides = [1, 1]} : vector<128x2560xi32> to vector<128x1280xi32>
    %slice3A_148 = vector.extract_strided_slice %min3A_116 {offsets = [0, 1280], sizes = [128, 1280], strides = [1, 1]} : vector<128x2560xf32> to vector<128x1280xf32>
    %slice3A_149 = vector.extract_strided_slice %select_n3A_117 {offsets = [0, 1280], sizes = [128, 1280], strides = [1, 1]} : vector<128x2560xi32> to vector<128x1280xi32>
    %slice3A_150 = vector.extract_strided_slice %max3A_118 {offsets = [0, 1280], sizes = [128, 1280], strides = [1, 1]} : vector<128x2560xf32> to vector<128x1280xf32>
    %slice3A_151 = vector.extract_strided_slice %select_n3A_119 {offsets = [0, 1280], sizes = [128, 1280], strides = [1, 1]} : vector<128x2560xi32> to vector<128x1280xi32>
    %slice3A_152 = vector.extract_strided_slice %min3A_121 {offsets = [0, 1280], sizes = [128, 1280], strides = [1, 1]} : vector<128x2560xf32> to vector<128x1280xf32>
    %slice3A_153 = vector.extract_strided_slice %select_n3A_122 {offsets = [0, 1280], sizes = [128, 1280], strides = [1, 1]} : vector<128x2560xi32> to vector<128x1280xi32>
    %slice3A_154 = vector.extract_strided_slice %max3A_123 {offsets = [0, 1280], sizes = [128, 1280], strides = [1, 1]} : vector<128x2560xf32> to vector<128x1280xf32>
    %slice3A_155 = vector.extract_strided_slice %select_n3A_124 {offsets = [0, 1280], sizes = [128, 1280], strides = [1, 1]} : vector<128x2560xi32> to vector<128x1280xi32>
    %slice3A_156 = vector.extract_strided_slice %min3A_126 {offsets = [0, 1280], sizes = [128, 1280], strides = [1, 1]} : vector<128x2560xf32> to vector<128x1280xf32>
    %slice3A_157 = vector.extract_strided_slice %select_n3A_127 {offsets = [0, 1280], sizes = [128, 1280], strides = [1, 1]} : vector<128x2560xi32> to vector<128x1280xi32>
    %slice3A_158 = vector.extract_strided_slice %max3A_128 {offsets = [0, 1280], sizes = [128, 1280], strides = [1, 1]} : vector<128x2560xf32> to vector<128x1280xf32>
    %slice3A_159 = vector.extract_strided_slice %select_n3A_129 {offsets = [0, 1280], sizes = [128, 1280], strides = [1, 1]} : vector<128x2560xi32> to vector<128x1280xi32>
    %slice3A_160 = vector.extract_strided_slice %max3A_103 {offsets = [0, 1280], sizes = [128, 1280], strides = [1, 1]} : vector<128x2560xf32> to vector<128x1280xf32>
    %slice3A_161 = vector.extract_strided_slice %select_n3A_104 {offsets = [0, 1280], sizes = [128, 1280], strides = [1, 1]} : vector<128x2560xi32> to vector<128x1280xi32>
    %le3A_162 = arith.cmpf ole, %slice3A_130, %slice3A_160 : vector<128x1280xf32>
    %min3A_163 = arith.minimumf %slice3A_130, %slice3A_160 : vector<128x1280xf32>
    %select_n3A_164 = arith.select %le3A_162, %slice3A_131, %slice3A_161 : vector<128x1280xi1>, vector<128x1280xi32>
    %le3A_165 = arith.cmpf ole, %slice3A_132, %slice3A_158 : vector<128x1280xf32>
    %min3A_166 = arith.minimumf %slice3A_132, %slice3A_158 : vector<128x1280xf32>
    %select_n3A_167 = arith.select %le3A_165, %slice3A_133, %slice3A_159 : vector<128x1280xi1>, vector<128x1280xi32>
    %le3A_168 = arith.cmpf ole, %slice3A_134, %slice3A_156 : vector<128x1280xf32>
    %min3A_169 = arith.minimumf %slice3A_134, %slice3A_156 : vector<128x1280xf32>
    %select_n3A_170 = arith.select %le3A_168, %slice3A_135, %slice3A_157 : vector<128x1280xi1>, vector<128x1280xi32>
    %le3A_171 = arith.cmpf ole, %slice3A_136, %slice3A_154 : vector<128x1280xf32>
    %min3A_172 = arith.minimumf %slice3A_136, %slice3A_154 : vector<128x1280xf32>
    %select_n3A_173 = arith.select %le3A_171, %slice3A_137, %slice3A_155 : vector<128x1280xi1>, vector<128x1280xi32>
    %le3A_174 = arith.cmpf ole, %slice3A_138, %slice3A_152 : vector<128x1280xf32>
    %min3A_175 = arith.minimumf %slice3A_138, %slice3A_152 : vector<128x1280xf32>
    %select_n3A_176 = arith.select %le3A_174, %slice3A_139, %slice3A_153 : vector<128x1280xi1>, vector<128x1280xi32>
    %le3A_177 = arith.cmpf ole, %slice3A_140, %slice3A_150 : vector<128x1280xf32>
    %min3A_178 = arith.minimumf %slice3A_140, %slice3A_150 : vector<128x1280xf32>
    %select_n3A_179 = arith.select %le3A_177, %slice3A_141, %slice3A_151 : vector<128x1280xi1>, vector<128x1280xi32>
    %le3A_180 = arith.cmpf ole, %slice3A_142, %slice3A_148 : vector<128x1280xf32>
    %min3A_181 = arith.minimumf %slice3A_142, %slice3A_148 : vector<128x1280xf32>
    %select_n3A_182 = arith.select %le3A_180, %slice3A_143, %slice3A_149 : vector<128x1280xi1>, vector<128x1280xi32>
    %le3A_183 = arith.cmpf ole, %slice3A_144, %slice3A_146 : vector<128x1280xf32>
    %min3A_184 = arith.minimumf %slice3A_144, %slice3A_146 : vector<128x1280xf32>
    %select_n3A_185 = arith.select %le3A_183, %slice3A_145, %slice3A_147 : vector<128x1280xi1>, vector<128x1280xi32>
    %le3A_186 = arith.cmpf ole, %min3A_163, %min3A_175 : vector<128x1280xf32>
    %min3A_187 = arith.minimumf %min3A_163, %min3A_175 : vector<128x1280xf32>
    %select_n3A_188 = arith.select %le3A_186, %select_n3A_164, %select_n3A_176 : vector<128x1280xi1>, vector<128x1280xi32>
    %max3A_189 = arith.maximumf %min3A_163, %min3A_175 : vector<128x1280xf32>
    %select_n3A_190 = arith.select %le3A_186, %select_n3A_176, %select_n3A_164 : vector<128x1280xi1>, vector<128x1280xi32>
    %le3A_191 = arith.cmpf ole, %min3A_166, %min3A_178 : vector<128x1280xf32>
    %min3A_192 = arith.minimumf %min3A_166, %min3A_178 : vector<128x1280xf32>
    %select_n3A_193 = arith.select %le3A_191, %select_n3A_167, %select_n3A_179 : vector<128x1280xi1>, vector<128x1280xi32>
    %max3A_194 = arith.maximumf %min3A_166, %min3A_178 : vector<128x1280xf32>
    %select_n3A_195 = arith.select %le3A_191, %select_n3A_179, %select_n3A_167 : vector<128x1280xi1>, vector<128x1280xi32>
    %le3A_196 = arith.cmpf ole, %min3A_169, %min3A_181 : vector<128x1280xf32>
    %min3A_197 = arith.minimumf %min3A_169, %min3A_181 : vector<128x1280xf32>
    %select_n3A_198 = arith.select %le3A_196, %select_n3A_170, %select_n3A_182 : vector<128x1280xi1>, vector<128x1280xi32>
    %max3A_199 = arith.maximumf %min3A_169, %min3A_181 : vector<128x1280xf32>
    %select_n3A_200 = arith.select %le3A_196, %select_n3A_182, %select_n3A_170 : vector<128x1280xi1>, vector<128x1280xi32>
    %le3A_201 = arith.cmpf ole, %min3A_172, %min3A_184 : vector<128x1280xf32>
    %min3A_202 = arith.minimumf %min3A_172, %min3A_184 : vector<128x1280xf32>
    %select_n3A_203 = arith.select %le3A_201, %select_n3A_173, %select_n3A_185 : vector<128x1280xi1>, vector<128x1280xi32>
    %max3A_204 = arith.maximumf %min3A_172, %min3A_184 : vector<128x1280xf32>
    %select_n3A_205 = arith.select %le3A_201, %select_n3A_185, %select_n3A_173 : vector<128x1280xi1>, vector<128x1280xi32>
    %le3A_206 = arith.cmpf ole, %min3A_187, %min3A_197 : vector<128x1280xf32>
    %min3A_207 = arith.minimumf %min3A_187, %min3A_197 : vector<128x1280xf32>
    %select_n3A_208 = arith.select %le3A_206, %select_n3A_188, %select_n3A_198 : vector<128x1280xi1>, vector<128x1280xi32>
    %max3A_209 = arith.maximumf %min3A_187, %min3A_197 : vector<128x1280xf32>
    %select_n3A_210 = arith.select %le3A_206, %select_n3A_198, %select_n3A_188 : vector<128x1280xi1>, vector<128x1280xi32>
    %le3A_211 = arith.cmpf ole, %min3A_192, %min3A_202 : vector<128x1280xf32>
    %min3A_212 = arith.minimumf %min3A_192, %min3A_202 : vector<128x1280xf32>
    %select_n3A_213 = arith.select %le3A_211, %select_n3A_193, %select_n3A_203 : vector<128x1280xi1>, vector<128x1280xi32>
    %max3A_214 = arith.maximumf %min3A_192, %min3A_202 : vector<128x1280xf32>
    %select_n3A_215 = arith.select %le3A_211, %select_n3A_203, %select_n3A_193 : vector<128x1280xi1>, vector<128x1280xi32>
    %le3A_216 = arith.cmpf ole, %max3A_189, %max3A_199 : vector<128x1280xf32>
    %min3A_217 = arith.minimumf %max3A_189, %max3A_199 : vector<128x1280xf32>
    %select_n3A_218 = arith.select %le3A_216, %select_n3A_190, %select_n3A_200 : vector<128x1280xi1>, vector<128x1280xi32>
    %max3A_219 = arith.maximumf %max3A_189, %max3A_199 : vector<128x1280xf32>
    %select_n3A_220 = arith.select %le3A_216, %select_n3A_200, %select_n3A_190 : vector<128x1280xi1>, vector<128x1280xi32>
    %le3A_221 = arith.cmpf ole, %max3A_194, %max3A_204 : vector<128x1280xf32>
    %min3A_222 = arith.minimumf %max3A_194, %max3A_204 : vector<128x1280xf32>
    %select_n3A_223 = arith.select %le3A_221, %select_n3A_195, %select_n3A_205 : vector<128x1280xi1>, vector<128x1280xi32>
    %max3A_224 = arith.maximumf %max3A_194, %max3A_204 : vector<128x1280xf32>
    %select_n3A_225 = arith.select %le3A_221, %select_n3A_205, %select_n3A_195 : vector<128x1280xi1>, vector<128x1280xi32>
    %le3A_226 = arith.cmpf ole, %min3A_207, %min3A_212 : vector<128x1280xf32>
    %min3A_227 = arith.minimumf %min3A_207, %min3A_212 : vector<128x1280xf32>
    %select_n3A_228 = arith.select %le3A_226, %select_n3A_208, %select_n3A_213 : vector<128x1280xi1>, vector<128x1280xi32>
    %max3A_229 = arith.maximumf %min3A_207, %min3A_212 : vector<128x1280xf32>
    %select_n3A_230 = arith.select %le3A_226, %select_n3A_213, %select_n3A_208 : vector<128x1280xi1>, vector<128x1280xi32>
    %le3A_231 = arith.cmpf ole, %max3A_209, %max3A_214 : vector<128x1280xf32>
    %min3A_232 = arith.minimumf %max3A_209, %max3A_214 : vector<128x1280xf32>
    %select_n3A_233 = arith.select %le3A_231, %select_n3A_210, %select_n3A_215 : vector<128x1280xi1>, vector<128x1280xi32>
    %max3A_234 = arith.maximumf %max3A_209, %max3A_214 : vector<128x1280xf32>
    %select_n3A_235 = arith.select %le3A_231, %select_n3A_215, %select_n3A_210 : vector<128x1280xi1>, vector<128x1280xi32>
    %le3A_236 = arith.cmpf ole, %min3A_217, %min3A_222 : vector<128x1280xf32>
    %min3A_237 = arith.minimumf %min3A_217, %min3A_222 : vector<128x1280xf32>
    %select_n3A_238 = arith.select %le3A_236, %select_n3A_218, %select_n3A_223 : vector<128x1280xi1>, vector<128x1280xi32>
    %max3A_239 = arith.maximumf %min3A_217, %min3A_222 : vector<128x1280xf32>
    %select_n3A_240 = arith.select %le3A_236, %select_n3A_223, %select_n3A_218 : vector<128x1280xi1>, vector<128x1280xi32>
    %le3A_241 = arith.cmpf ole, %max3A_219, %max3A_224 : vector<128x1280xf32>
    %min3A_242 = arith.minimumf %max3A_219, %max3A_224 : vector<128x1280xf32>
    %select_n3A_243 = arith.select %le3A_241, %select_n3A_220, %select_n3A_225 : vector<128x1280xi1>, vector<128x1280xi32>
    %max3A_244 = arith.maximumf %max3A_219, %max3A_224 : vector<128x1280xf32>
    %select_n3A_245 = arith.select %le3A_241, %select_n3A_225, %select_n3A_220 : vector<128x1280xi1>, vector<128x1280xi32>
    %slice3A_246 = vector.extract_strided_slice %min3A_227 {offsets = [0, 0], sizes = [128, 640], strides = [1, 1]} : vector<128x1280xf32> to vector<128x640xf32>
    %slice3A_247 = vector.extract_strided_slice %select_n3A_228 {offsets = [0, 0], sizes = [128, 640], strides = [1, 1]} : vector<128x1280xi32> to vector<128x640xi32>
    %slice3A_248 = vector.extract_strided_slice %max3A_229 {offsets = [0, 0], sizes = [128, 640], strides = [1, 1]} : vector<128x1280xf32> to vector<128x640xf32>
    %slice3A_249 = vector.extract_strided_slice %select_n3A_230 {offsets = [0, 0], sizes = [128, 640], strides = [1, 1]} : vector<128x1280xi32> to vector<128x640xi32>
    %slice3A_250 = vector.extract_strided_slice %min3A_232 {offsets = [0, 0], sizes = [128, 640], strides = [1, 1]} : vector<128x1280xf32> to vector<128x640xf32>
    %slice3A_251 = vector.extract_strided_slice %select_n3A_233 {offsets = [0, 0], sizes = [128, 640], strides = [1, 1]} : vector<128x1280xi32> to vector<128x640xi32>
    %slice3A_252 = vector.extract_strided_slice %max3A_234 {offsets = [0, 0], sizes = [128, 640], strides = [1, 1]} : vector<128x1280xf32> to vector<128x640xf32>
    %slice3A_253 = vector.extract_strided_slice %select_n3A_235 {offsets = [0, 0], sizes = [128, 640], strides = [1, 1]} : vector<128x1280xi32> to vector<128x640xi32>
    %slice3A_254 = vector.extract_strided_slice %min3A_237 {offsets = [0, 0], sizes = [128, 640], strides = [1, 1]} : vector<128x1280xf32> to vector<128x640xf32>
    %slice3A_255 = vector.extract_strided_slice %select_n3A_238 {offsets = [0, 0], sizes = [128, 640], strides = [1, 1]} : vector<128x1280xi32> to vector<128x640xi32>
    %slice3A_256 = vector.extract_strided_slice %max3A_239 {offsets = [0, 0], sizes = [128, 640], strides = [1, 1]} : vector<128x1280xf32> to vector<128x640xf32>
    %slice3A_257 = vector.extract_strided_slice %select_n3A_240 {offsets = [0, 0], sizes = [128, 640], strides = [1, 1]} : vector<128x1280xi32> to vector<128x640xi32>
    %slice3A_258 = vector.extract_strided_slice %min3A_242 {offsets = [0, 0], sizes = [128, 640], strides = [1, 1]} : vector<128x1280xf32> to vector<128x640xf32>
    %slice3A_259 = vector.extract_strided_slice %select_n3A_243 {offsets = [0, 0], sizes = [128, 640], strides = [1, 1]} : vector<128x1280xi32> to vector<128x640xi32>
    %slice3A_260 = vector.extract_strided_slice %max3A_244 {offsets = [0, 0], sizes = [128, 640], strides = [1, 1]} : vector<128x1280xf32> to vector<128x640xf32>
    %slice3A_261 = vector.extract_strided_slice %select_n3A_245 {offsets = [0, 0], sizes = [128, 640], strides = [1, 1]} : vector<128x1280xi32> to vector<128x640xi32>
    %slice3A_262 = vector.extract_strided_slice %min3A_227 {offsets = [0, 640], sizes = [128, 640], strides = [1, 1]} : vector<128x1280xf32> to vector<128x640xf32>
    %slice3A_263 = vector.extract_strided_slice %select_n3A_228 {offsets = [0, 640], sizes = [128, 640], strides = [1, 1]} : vector<128x1280xi32> to vector<128x640xi32>
    %slice3A_264 = vector.extract_strided_slice %max3A_229 {offsets = [0, 640], sizes = [128, 640], strides = [1, 1]} : vector<128x1280xf32> to vector<128x640xf32>
    %slice3A_265 = vector.extract_strided_slice %select_n3A_230 {offsets = [0, 640], sizes = [128, 640], strides = [1, 1]} : vector<128x1280xi32> to vector<128x640xi32>
    %slice3A_266 = vector.extract_strided_slice %min3A_232 {offsets = [0, 640], sizes = [128, 640], strides = [1, 1]} : vector<128x1280xf32> to vector<128x640xf32>
    %slice3A_267 = vector.extract_strided_slice %select_n3A_233 {offsets = [0, 640], sizes = [128, 640], strides = [1, 1]} : vector<128x1280xi32> to vector<128x640xi32>
    %slice3A_268 = vector.extract_strided_slice %max3A_234 {offsets = [0, 640], sizes = [128, 640], strides = [1, 1]} : vector<128x1280xf32> to vector<128x640xf32>
    %slice3A_269 = vector.extract_strided_slice %select_n3A_235 {offsets = [0, 640], sizes = [128, 640], strides = [1, 1]} : vector<128x1280xi32> to vector<128x640xi32>
    %slice3A_270 = vector.extract_strided_slice %min3A_237 {offsets = [0, 640], sizes = [128, 640], strides = [1, 1]} : vector<128x1280xf32> to vector<128x640xf32>
    %slice3A_271 = vector.extract_strided_slice %select_n3A_238 {offsets = [0, 640], sizes = [128, 640], strides = [1, 1]} : vector<128x1280xi32> to vector<128x640xi32>
    %slice3A_272 = vector.extract_strided_slice %max3A_239 {offsets = [0, 640], sizes = [128, 640], strides = [1, 1]} : vector<128x1280xf32> to vector<128x640xf32>
    %slice3A_273 = vector.extract_strided_slice %select_n3A_240 {offsets = [0, 640], sizes = [128, 640], strides = [1, 1]} : vector<128x1280xi32> to vector<128x640xi32>
    %slice3A_274 = vector.extract_strided_slice %min3A_242 {offsets = [0, 640], sizes = [128, 640], strides = [1, 1]} : vector<128x1280xf32> to vector<128x640xf32>
    %slice3A_275 = vector.extract_strided_slice %select_n3A_243 {offsets = [0, 640], sizes = [128, 640], strides = [1, 1]} : vector<128x1280xi32> to vector<128x640xi32>
    %slice3A_276 = vector.extract_strided_slice %max3A_244 {offsets = [0, 640], sizes = [128, 640], strides = [1, 1]} : vector<128x1280xf32> to vector<128x640xf32>
    %slice3A_277 = vector.extract_strided_slice %select_n3A_245 {offsets = [0, 640], sizes = [128, 640], strides = [1, 1]} : vector<128x1280xi32> to vector<128x640xi32>
    %le3A_278 = arith.cmpf ole, %slice3A_246, %slice3A_276 : vector<128x640xf32>
    %min3A_279 = arith.minimumf %slice3A_246, %slice3A_276 : vector<128x640xf32>
    %select_n3A_280 = arith.select %le3A_278, %slice3A_247, %slice3A_277 : vector<128x640xi1>, vector<128x640xi32>
    %le3A_281 = arith.cmpf ole, %slice3A_248, %slice3A_274 : vector<128x640xf32>
    %min3A_282 = arith.minimumf %slice3A_248, %slice3A_274 : vector<128x640xf32>
    %select_n3A_283 = arith.select %le3A_281, %slice3A_249, %slice3A_275 : vector<128x640xi1>, vector<128x640xi32>
    %le3A_284 = arith.cmpf ole, %slice3A_250, %slice3A_272 : vector<128x640xf32>
    %min3A_285 = arith.minimumf %slice3A_250, %slice3A_272 : vector<128x640xf32>
    %select_n3A_286 = arith.select %le3A_284, %slice3A_251, %slice3A_273 : vector<128x640xi1>, vector<128x640xi32>
    %le3A_287 = arith.cmpf ole, %slice3A_252, %slice3A_270 : vector<128x640xf32>
    %min3A_288 = arith.minimumf %slice3A_252, %slice3A_270 : vector<128x640xf32>
    %select_n3A_289 = arith.select %le3A_287, %slice3A_253, %slice3A_271 : vector<128x640xi1>, vector<128x640xi32>
    %le3A_290 = arith.cmpf ole, %slice3A_254, %slice3A_268 : vector<128x640xf32>
    %min3A_291 = arith.minimumf %slice3A_254, %slice3A_268 : vector<128x640xf32>
    %select_n3A_292 = arith.select %le3A_290, %slice3A_255, %slice3A_269 : vector<128x640xi1>, vector<128x640xi32>
    %le3A_293 = arith.cmpf ole, %slice3A_256, %slice3A_266 : vector<128x640xf32>
    %min3A_294 = arith.minimumf %slice3A_256, %slice3A_266 : vector<128x640xf32>
    %select_n3A_295 = arith.select %le3A_293, %slice3A_257, %slice3A_267 : vector<128x640xi1>, vector<128x640xi32>
    %le3A_296 = arith.cmpf ole, %slice3A_258, %slice3A_264 : vector<128x640xf32>
    %min3A_297 = arith.minimumf %slice3A_258, %slice3A_264 : vector<128x640xf32>
    %select_n3A_298 = arith.select %le3A_296, %slice3A_259, %slice3A_265 : vector<128x640xi1>, vector<128x640xi32>
    %le3A_299 = arith.cmpf ole, %slice3A_260, %slice3A_262 : vector<128x640xf32>
    %min3A_300 = arith.minimumf %slice3A_260, %slice3A_262 : vector<128x640xf32>
    %select_n3A_301 = arith.select %le3A_299, %slice3A_261, %slice3A_263 : vector<128x640xi1>, vector<128x640xi32>
    %le3A_302 = arith.cmpf ole, %min3A_279, %min3A_291 : vector<128x640xf32>
    %min3A_303 = arith.minimumf %min3A_279, %min3A_291 : vector<128x640xf32>
    %select_n3A_304 = arith.select %le3A_302, %select_n3A_280, %select_n3A_292 : vector<128x640xi1>, vector<128x640xi32>
    %max3A_305 = arith.maximumf %min3A_279, %min3A_291 : vector<128x640xf32>
    %select_n3A_306 = arith.select %le3A_302, %select_n3A_292, %select_n3A_280 : vector<128x640xi1>, vector<128x640xi32>
    %le3A_307 = arith.cmpf ole, %min3A_282, %min3A_294 : vector<128x640xf32>
    %min3A_308 = arith.minimumf %min3A_282, %min3A_294 : vector<128x640xf32>
    %select_n3A_309 = arith.select %le3A_307, %select_n3A_283, %select_n3A_295 : vector<128x640xi1>, vector<128x640xi32>
    %max3A_310 = arith.maximumf %min3A_282, %min3A_294 : vector<128x640xf32>
    %select_n3A_311 = arith.select %le3A_307, %select_n3A_295, %select_n3A_283 : vector<128x640xi1>, vector<128x640xi32>
    %le3A_312 = arith.cmpf ole, %min3A_285, %min3A_297 : vector<128x640xf32>
    %min3A_313 = arith.minimumf %min3A_285, %min3A_297 : vector<128x640xf32>
    %select_n3A_314 = arith.select %le3A_312, %select_n3A_286, %select_n3A_298 : vector<128x640xi1>, vector<128x640xi32>
    %max3A_315 = arith.maximumf %min3A_285, %min3A_297 : vector<128x640xf32>
    %select_n3A_316 = arith.select %le3A_312, %select_n3A_298, %select_n3A_286 : vector<128x640xi1>, vector<128x640xi32>
    %le3A_317 = arith.cmpf ole, %min3A_288, %min3A_300 : vector<128x640xf32>
    %min3A_318 = arith.minimumf %min3A_288, %min3A_300 : vector<128x640xf32>
    %select_n3A_319 = arith.select %le3A_317, %select_n3A_289, %select_n3A_301 : vector<128x640xi1>, vector<128x640xi32>
    %max3A_320 = arith.maximumf %min3A_288, %min3A_300 : vector<128x640xf32>
    %select_n3A_321 = arith.select %le3A_317, %select_n3A_301, %select_n3A_289 : vector<128x640xi1>, vector<128x640xi32>
    %le3A_322 = arith.cmpf ole, %min3A_303, %min3A_313 : vector<128x640xf32>
    %min3A_323 = arith.minimumf %min3A_303, %min3A_313 : vector<128x640xf32>
    %select_n3A_324 = arith.select %le3A_322, %select_n3A_304, %select_n3A_314 : vector<128x640xi1>, vector<128x640xi32>
    %max3A_325 = arith.maximumf %min3A_303, %min3A_313 : vector<128x640xf32>
    %select_n3A_326 = arith.select %le3A_322, %select_n3A_314, %select_n3A_304 : vector<128x640xi1>, vector<128x640xi32>
    %le3A_327 = arith.cmpf ole, %min3A_308, %min3A_318 : vector<128x640xf32>
    %min3A_328 = arith.minimumf %min3A_308, %min3A_318 : vector<128x640xf32>
    %select_n3A_329 = arith.select %le3A_327, %select_n3A_309, %select_n3A_319 : vector<128x640xi1>, vector<128x640xi32>
    %max3A_330 = arith.maximumf %min3A_308, %min3A_318 : vector<128x640xf32>
    %select_n3A_331 = arith.select %le3A_327, %select_n3A_319, %select_n3A_309 : vector<128x640xi1>, vector<128x640xi32>
    %le3A_332 = arith.cmpf ole, %max3A_305, %max3A_315 : vector<128x640xf32>
    %min3A_333 = arith.minimumf %max3A_305, %max3A_315 : vector<128x640xf32>
    %select_n3A_334 = arith.select %le3A_332, %select_n3A_306, %select_n3A_316 : vector<128x640xi1>, vector<128x640xi32>
    %max3A_335 = arith.maximumf %max3A_305, %max3A_315 : vector<128x640xf32>
    %select_n3A_336 = arith.select %le3A_332, %select_n3A_316, %select_n3A_306 : vector<128x640xi1>, vector<128x640xi32>
    %le3A_337 = arith.cmpf ole, %max3A_310, %max3A_320 : vector<128x640xf32>
    %min3A_338 = arith.minimumf %max3A_310, %max3A_320 : vector<128x640xf32>
    %select_n3A_339 = arith.select %le3A_337, %select_n3A_311, %select_n3A_321 : vector<128x640xi1>, vector<128x640xi32>
    %max3A_340 = arith.maximumf %max3A_310, %max3A_320 : vector<128x640xf32>
    %select_n3A_341 = arith.select %le3A_337, %select_n3A_321, %select_n3A_311 : vector<128x640xi1>, vector<128x640xi32>
    %le3A_342 = arith.cmpf ole, %min3A_323, %min3A_328 : vector<128x640xf32>
    %min3A_343 = arith.minimumf %min3A_323, %min3A_328 : vector<128x640xf32>
    %select_n3A_344 = arith.select %le3A_342, %select_n3A_324, %select_n3A_329 : vector<128x640xi1>, vector<128x640xi32>
    %max3A_345 = arith.maximumf %min3A_323, %min3A_328 : vector<128x640xf32>
    %select_n3A_346 = arith.select %le3A_342, %select_n3A_329, %select_n3A_324 : vector<128x640xi1>, vector<128x640xi32>
    %le3A_347 = arith.cmpf ole, %max3A_325, %max3A_330 : vector<128x640xf32>
    %min3A_348 = arith.minimumf %max3A_325, %max3A_330 : vector<128x640xf32>
    %select_n3A_349 = arith.select %le3A_347, %select_n3A_326, %select_n3A_331 : vector<128x640xi1>, vector<128x640xi32>
    %max3A_350 = arith.maximumf %max3A_325, %max3A_330 : vector<128x640xf32>
    %select_n3A_351 = arith.select %le3A_347, %select_n3A_331, %select_n3A_326 : vector<128x640xi1>, vector<128x640xi32>
    %le3A_352 = arith.cmpf ole, %min3A_333, %min3A_338 : vector<128x640xf32>
    %min3A_353 = arith.minimumf %min3A_333, %min3A_338 : vector<128x640xf32>
    %select_n3A_354 = arith.select %le3A_352, %select_n3A_334, %select_n3A_339 : vector<128x640xi1>, vector<128x640xi32>
    %max3A_355 = arith.maximumf %min3A_333, %min3A_338 : vector<128x640xf32>
    %select_n3A_356 = arith.select %le3A_352, %select_n3A_339, %select_n3A_334 : vector<128x640xi1>, vector<128x640xi32>
    %le3A_357 = arith.cmpf ole, %max3A_335, %max3A_340 : vector<128x640xf32>
    %min3A_358 = arith.minimumf %max3A_335, %max3A_340 : vector<128x640xf32>
    %select_n3A_359 = arith.select %le3A_357, %select_n3A_336, %select_n3A_341 : vector<128x640xi1>, vector<128x640xi32>
    %max3A_360 = arith.maximumf %max3A_335, %max3A_340 : vector<128x640xf32>
    %select_n3A_361 = arith.select %le3A_357, %select_n3A_341, %select_n3A_336 : vector<128x640xi1>, vector<128x640xi32>
    %slice3A_362 = vector.extract_strided_slice %min3A_343 {offsets = [0, 0], sizes = [128, 320], strides = [1, 1]} : vector<128x640xf32> to vector<128x320xf32>
    %slice3A_363 = vector.extract_strided_slice %select_n3A_344 {offsets = [0, 0], sizes = [128, 320], strides = [1, 1]} : vector<128x640xi32> to vector<128x320xi32>
    %slice3A_364 = vector.extract_strided_slice %max3A_345 {offsets = [0, 0], sizes = [128, 320], strides = [1, 1]} : vector<128x640xf32> to vector<128x320xf32>
    %slice3A_365 = vector.extract_strided_slice %select_n3A_346 {offsets = [0, 0], sizes = [128, 320], strides = [1, 1]} : vector<128x640xi32> to vector<128x320xi32>
    %slice3A_366 = vector.extract_strided_slice %min3A_348 {offsets = [0, 0], sizes = [128, 320], strides = [1, 1]} : vector<128x640xf32> to vector<128x320xf32>
    %slice3A_367 = vector.extract_strided_slice %select_n3A_349 {offsets = [0, 0], sizes = [128, 320], strides = [1, 1]} : vector<128x640xi32> to vector<128x320xi32>
    %slice3A_368 = vector.extract_strided_slice %max3A_350 {offsets = [0, 0], sizes = [128, 320], strides = [1, 1]} : vector<128x640xf32> to vector<128x320xf32>
    %slice3A_369 = vector.extract_strided_slice %select_n3A_351 {offsets = [0, 0], sizes = [128, 320], strides = [1, 1]} : vector<128x640xi32> to vector<128x320xi32>
    %slice3A_370 = vector.extract_strided_slice %min3A_353 {offsets = [0, 0], sizes = [128, 320], strides = [1, 1]} : vector<128x640xf32> to vector<128x320xf32>
    %slice3A_371 = vector.extract_strided_slice %select_n3A_354 {offsets = [0, 0], sizes = [128, 320], strides = [1, 1]} : vector<128x640xi32> to vector<128x320xi32>
    %slice3A_372 = vector.extract_strided_slice %max3A_355 {offsets = [0, 0], sizes = [128, 320], strides = [1, 1]} : vector<128x640xf32> to vector<128x320xf32>
    %slice3A_373 = vector.extract_strided_slice %select_n3A_356 {offsets = [0, 0], sizes = [128, 320], strides = [1, 1]} : vector<128x640xi32> to vector<128x320xi32>
    %slice3A_374 = vector.extract_strided_slice %min3A_358 {offsets = [0, 0], sizes = [128, 320], strides = [1, 1]} : vector<128x640xf32> to vector<128x320xf32>
    %slice3A_375 = vector.extract_strided_slice %select_n3A_359 {offsets = [0, 0], sizes = [128, 320], strides = [1, 1]} : vector<128x640xi32> to vector<128x320xi32>
    %slice3A_376 = vector.extract_strided_slice %max3A_360 {offsets = [0, 0], sizes = [128, 320], strides = [1, 1]} : vector<128x640xf32> to vector<128x320xf32>
    %slice3A_377 = vector.extract_strided_slice %select_n3A_361 {offsets = [0, 0], sizes = [128, 320], strides = [1, 1]} : vector<128x640xi32> to vector<128x320xi32>
    %slice3A_378 = vector.extract_strided_slice %min3A_343 {offsets = [0, 320], sizes = [128, 320], strides = [1, 1]} : vector<128x640xf32> to vector<128x320xf32>
    %slice3A_379 = vector.extract_strided_slice %select_n3A_344 {offsets = [0, 320], sizes = [128, 320], strides = [1, 1]} : vector<128x640xi32> to vector<128x320xi32>
    %slice3A_380 = vector.extract_strided_slice %max3A_345 {offsets = [0, 320], sizes = [128, 320], strides = [1, 1]} : vector<128x640xf32> to vector<128x320xf32>
    %slice3A_381 = vector.extract_strided_slice %select_n3A_346 {offsets = [0, 320], sizes = [128, 320], strides = [1, 1]} : vector<128x640xi32> to vector<128x320xi32>
    %slice3A_382 = vector.extract_strided_slice %min3A_348 {offsets = [0, 320], sizes = [128, 320], strides = [1, 1]} : vector<128x640xf32> to vector<128x320xf32>
    %slice3A_383 = vector.extract_strided_slice %select_n3A_349 {offsets = [0, 320], sizes = [128, 320], strides = [1, 1]} : vector<128x640xi32> to vector<128x320xi32>
    %slice3A_384 = vector.extract_strided_slice %max3A_350 {offsets = [0, 320], sizes = [128, 320], strides = [1, 1]} : vector<128x640xf32> to vector<128x320xf32>
    %slice3A_385 = vector.extract_strided_slice %select_n3A_351 {offsets = [0, 320], sizes = [128, 320], strides = [1, 1]} : vector<128x640xi32> to vector<128x320xi32>
    %slice3A_386 = vector.extract_strided_slice %min3A_353 {offsets = [0, 320], sizes = [128, 320], strides = [1, 1]} : vector<128x640xf32> to vector<128x320xf32>
    %slice3A_387 = vector.extract_strided_slice %select_n3A_354 {offsets = [0, 320], sizes = [128, 320], strides = [1, 1]} : vector<128x640xi32> to vector<128x320xi32>
    %slice3A_388 = vector.extract_strided_slice %max3A_355 {offsets = [0, 320], sizes = [128, 320], strides = [1, 1]} : vector<128x640xf32> to vector<128x320xf32>
    %slice3A_389 = vector.extract_strided_slice %select_n3A_356 {offsets = [0, 320], sizes = [128, 320], strides = [1, 1]} : vector<128x640xi32> to vector<128x320xi32>
    %slice3A_390 = vector.extract_strided_slice %min3A_358 {offsets = [0, 320], sizes = [128, 320], strides = [1, 1]} : vector<128x640xf32> to vector<128x320xf32>
    %slice3A_391 = vector.extract_strided_slice %select_n3A_359 {offsets = [0, 320], sizes = [128, 320], strides = [1, 1]} : vector<128x640xi32> to vector<128x320xi32>
    %slice3A_392 = vector.extract_strided_slice %max3A_360 {offsets = [0, 320], sizes = [128, 320], strides = [1, 1]} : vector<128x640xf32> to vector<128x320xf32>
    %slice3A_393 = vector.extract_strided_slice %select_n3A_361 {offsets = [0, 320], sizes = [128, 320], strides = [1, 1]} : vector<128x640xi32> to vector<128x320xi32>
    %le3A_394 = arith.cmpf ole, %slice3A_362, %slice3A_392 : vector<128x320xf32>
    %min3A_395 = arith.minimumf %slice3A_362, %slice3A_392 : vector<128x320xf32>
    %select_n3A_396 = arith.select %le3A_394, %slice3A_363, %slice3A_393 : vector<128x320xi1>, vector<128x320xi32>
    %le3A_397 = arith.cmpf ole, %slice3A_364, %slice3A_390 : vector<128x320xf32>
    %min3A_398 = arith.minimumf %slice3A_364, %slice3A_390 : vector<128x320xf32>
    %select_n3A_399 = arith.select %le3A_397, %slice3A_365, %slice3A_391 : vector<128x320xi1>, vector<128x320xi32>
    %le3A_400 = arith.cmpf ole, %slice3A_366, %slice3A_388 : vector<128x320xf32>
    %min3A_401 = arith.minimumf %slice3A_366, %slice3A_388 : vector<128x320xf32>
    %select_n3A_402 = arith.select %le3A_400, %slice3A_367, %slice3A_389 : vector<128x320xi1>, vector<128x320xi32>
    %le3A_403 = arith.cmpf ole, %slice3A_368, %slice3A_386 : vector<128x320xf32>
    %min3A_404 = arith.minimumf %slice3A_368, %slice3A_386 : vector<128x320xf32>
    %select_n3A_405 = arith.select %le3A_403, %slice3A_369, %slice3A_387 : vector<128x320xi1>, vector<128x320xi32>
    %le3A_406 = arith.cmpf ole, %slice3A_370, %slice3A_384 : vector<128x320xf32>
    %min3A_407 = arith.minimumf %slice3A_370, %slice3A_384 : vector<128x320xf32>
    %select_n3A_408 = arith.select %le3A_406, %slice3A_371, %slice3A_385 : vector<128x320xi1>, vector<128x320xi32>
    %le3A_409 = arith.cmpf ole, %slice3A_372, %slice3A_382 : vector<128x320xf32>
    %min3A_410 = arith.minimumf %slice3A_372, %slice3A_382 : vector<128x320xf32>
    %select_n3A_411 = arith.select %le3A_409, %slice3A_373, %slice3A_383 : vector<128x320xi1>, vector<128x320xi32>
    %le3A_412 = arith.cmpf ole, %slice3A_374, %slice3A_380 : vector<128x320xf32>
    %min3A_413 = arith.minimumf %slice3A_374, %slice3A_380 : vector<128x320xf32>
    %select_n3A_414 = arith.select %le3A_412, %slice3A_375, %slice3A_381 : vector<128x320xi1>, vector<128x320xi32>
    %le3A_415 = arith.cmpf ole, %slice3A_376, %slice3A_378 : vector<128x320xf32>
    %min3A_416 = arith.minimumf %slice3A_376, %slice3A_378 : vector<128x320xf32>
    %select_n3A_417 = arith.select %le3A_415, %slice3A_377, %slice3A_379 : vector<128x320xi1>, vector<128x320xi32>
    %le3A_418 = arith.cmpf ole, %min3A_395, %min3A_407 : vector<128x320xf32>
    %min3A_419 = arith.minimumf %min3A_395, %min3A_407 : vector<128x320xf32>
    %select_n3A_420 = arith.select %le3A_418, %select_n3A_396, %select_n3A_408 : vector<128x320xi1>, vector<128x320xi32>
    %max3A_421 = arith.maximumf %min3A_395, %min3A_407 : vector<128x320xf32>
    %select_n3A_422 = arith.select %le3A_418, %select_n3A_408, %select_n3A_396 : vector<128x320xi1>, vector<128x320xi32>
    %le3A_423 = arith.cmpf ole, %min3A_398, %min3A_410 : vector<128x320xf32>
    %min3A_424 = arith.minimumf %min3A_398, %min3A_410 : vector<128x320xf32>
    %select_n3A_425 = arith.select %le3A_423, %select_n3A_399, %select_n3A_411 : vector<128x320xi1>, vector<128x320xi32>
    %max3A_426 = arith.maximumf %min3A_398, %min3A_410 : vector<128x320xf32>
    %select_n3A_427 = arith.select %le3A_423, %select_n3A_411, %select_n3A_399 : vector<128x320xi1>, vector<128x320xi32>
    %le3A_428 = arith.cmpf ole, %min3A_401, %min3A_413 : vector<128x320xf32>
    %min3A_429 = arith.minimumf %min3A_401, %min3A_413 : vector<128x320xf32>
    %select_n3A_430 = arith.select %le3A_428, %select_n3A_402, %select_n3A_414 : vector<128x320xi1>, vector<128x320xi32>
    %max3A_431 = arith.maximumf %min3A_401, %min3A_413 : vector<128x320xf32>
    %select_n3A_432 = arith.select %le3A_428, %select_n3A_414, %select_n3A_402 : vector<128x320xi1>, vector<128x320xi32>
    %le3A_433 = arith.cmpf ole, %min3A_404, %min3A_416 : vector<128x320xf32>
    %min3A_434 = arith.minimumf %min3A_404, %min3A_416 : vector<128x320xf32>
    %select_n3A_435 = arith.select %le3A_433, %select_n3A_405, %select_n3A_417 : vector<128x320xi1>, vector<128x320xi32>
    %max3A_436 = arith.maximumf %min3A_404, %min3A_416 : vector<128x320xf32>
    %select_n3A_437 = arith.select %le3A_433, %select_n3A_417, %select_n3A_405 : vector<128x320xi1>, vector<128x320xi32>
    %le3A_438 = arith.cmpf ole, %min3A_419, %min3A_429 : vector<128x320xf32>
    %min3A_439 = arith.minimumf %min3A_419, %min3A_429 : vector<128x320xf32>
    %select_n3A_440 = arith.select %le3A_438, %select_n3A_420, %select_n3A_430 : vector<128x320xi1>, vector<128x320xi32>
    %max3A_441 = arith.maximumf %min3A_419, %min3A_429 : vector<128x320xf32>
    %select_n3A_442 = arith.select %le3A_438, %select_n3A_430, %select_n3A_420 : vector<128x320xi1>, vector<128x320xi32>
    %le3A_443 = arith.cmpf ole, %min3A_424, %min3A_434 : vector<128x320xf32>
    %min3A_444 = arith.minimumf %min3A_424, %min3A_434 : vector<128x320xf32>
    %select_n3A_445 = arith.select %le3A_443, %select_n3A_425, %select_n3A_435 : vector<128x320xi1>, vector<128x320xi32>
    %max3A_446 = arith.maximumf %min3A_424, %min3A_434 : vector<128x320xf32>
    %select_n3A_447 = arith.select %le3A_443, %select_n3A_435, %select_n3A_425 : vector<128x320xi1>, vector<128x320xi32>
    %le3A_448 = arith.cmpf ole, %max3A_421, %max3A_431 : vector<128x320xf32>
    %min3A_449 = arith.minimumf %max3A_421, %max3A_431 : vector<128x320xf32>
    %select_n3A_450 = arith.select %le3A_448, %select_n3A_422, %select_n3A_432 : vector<128x320xi1>, vector<128x320xi32>
    %max3A_451 = arith.maximumf %max3A_421, %max3A_431 : vector<128x320xf32>
    %select_n3A_452 = arith.select %le3A_448, %select_n3A_432, %select_n3A_422 : vector<128x320xi1>, vector<128x320xi32>
    %le3A_453 = arith.cmpf ole, %max3A_426, %max3A_436 : vector<128x320xf32>
    %min3A_454 = arith.minimumf %max3A_426, %max3A_436 : vector<128x320xf32>
    %select_n3A_455 = arith.select %le3A_453, %select_n3A_427, %select_n3A_437 : vector<128x320xi1>, vector<128x320xi32>
    %max3A_456 = arith.maximumf %max3A_426, %max3A_436 : vector<128x320xf32>
    %select_n3A_457 = arith.select %le3A_453, %select_n3A_437, %select_n3A_427 : vector<128x320xi1>, vector<128x320xi32>
    %le3A_458 = arith.cmpf ole, %min3A_439, %min3A_444 : vector<128x320xf32>
    %min3A_459 = arith.minimumf %min3A_439, %min3A_444 : vector<128x320xf32>
    %select_n3A_460 = arith.select %le3A_458, %select_n3A_440, %select_n3A_445 : vector<128x320xi1>, vector<128x320xi32>
    %max3A_461 = arith.maximumf %min3A_439, %min3A_444 : vector<128x320xf32>
    %select_n3A_462 = arith.select %le3A_458, %select_n3A_445, %select_n3A_440 : vector<128x320xi1>, vector<128x320xi32>
    %le3A_463 = arith.cmpf ole, %max3A_441, %max3A_446 : vector<128x320xf32>
    %min3A_464 = arith.minimumf %max3A_441, %max3A_446 : vector<128x320xf32>
    %select_n3A_465 = arith.select %le3A_463, %select_n3A_442, %select_n3A_447 : vector<128x320xi1>, vector<128x320xi32>
    %max3A_466 = arith.maximumf %max3A_441, %max3A_446 : vector<128x320xf32>
    %select_n3A_467 = arith.select %le3A_463, %select_n3A_447, %select_n3A_442 : vector<128x320xi1>, vector<128x320xi32>
    %le3A_468 = arith.cmpf ole, %min3A_449, %min3A_454 : vector<128x320xf32>
    %min3A_469 = arith.minimumf %min3A_449, %min3A_454 : vector<128x320xf32>
    %select_n3A_470 = arith.select %le3A_468, %select_n3A_450, %select_n3A_455 : vector<128x320xi1>, vector<128x320xi32>
    %max3A_471 = arith.maximumf %min3A_449, %min3A_454 : vector<128x320xf32>
    %select_n3A_472 = arith.select %le3A_468, %select_n3A_455, %select_n3A_450 : vector<128x320xi1>, vector<128x320xi32>
    %le3A_473 = arith.cmpf ole, %max3A_451, %max3A_456 : vector<128x320xf32>
    %min3A_474 = arith.minimumf %max3A_451, %max3A_456 : vector<128x320xf32>
    %select_n3A_475 = arith.select %le3A_473, %select_n3A_452, %select_n3A_457 : vector<128x320xi1>, vector<128x320xi32>
    %max3A_476 = arith.maximumf %max3A_451, %max3A_456 : vector<128x320xf32>
    %select_n3A_477 = arith.select %le3A_473, %select_n3A_457, %select_n3A_452 : vector<128x320xi1>, vector<128x320xi32>
    %slice3A_478 = vector.extract_strided_slice %min3A_459 {offsets = [0, 0], sizes = [128, 160], strides = [1, 1]} : vector<128x320xf32> to vector<128x160xf32>
    %slice3A_479 = vector.extract_strided_slice %select_n3A_460 {offsets = [0, 0], sizes = [128, 160], strides = [1, 1]} : vector<128x320xi32> to vector<128x160xi32>
    %slice3A_480 = vector.extract_strided_slice %max3A_461 {offsets = [0, 0], sizes = [128, 160], strides = [1, 1]} : vector<128x320xf32> to vector<128x160xf32>
    %slice3A_481 = vector.extract_strided_slice %select_n3A_462 {offsets = [0, 0], sizes = [128, 160], strides = [1, 1]} : vector<128x320xi32> to vector<128x160xi32>
    %slice3A_482 = vector.extract_strided_slice %min3A_464 {offsets = [0, 0], sizes = [128, 160], strides = [1, 1]} : vector<128x320xf32> to vector<128x160xf32>
    %slice3A_483 = vector.extract_strided_slice %select_n3A_465 {offsets = [0, 0], sizes = [128, 160], strides = [1, 1]} : vector<128x320xi32> to vector<128x160xi32>
    %slice3A_484 = vector.extract_strided_slice %max3A_466 {offsets = [0, 0], sizes = [128, 160], strides = [1, 1]} : vector<128x320xf32> to vector<128x160xf32>
    %slice3A_485 = vector.extract_strided_slice %select_n3A_467 {offsets = [0, 0], sizes = [128, 160], strides = [1, 1]} : vector<128x320xi32> to vector<128x160xi32>
    %slice3A_486 = vector.extract_strided_slice %min3A_469 {offsets = [0, 0], sizes = [128, 160], strides = [1, 1]} : vector<128x320xf32> to vector<128x160xf32>
    %slice3A_487 = vector.extract_strided_slice %select_n3A_470 {offsets = [0, 0], sizes = [128, 160], strides = [1, 1]} : vector<128x320xi32> to vector<128x160xi32>
    %slice3A_488 = vector.extract_strided_slice %max3A_471 {offsets = [0, 0], sizes = [128, 160], strides = [1, 1]} : vector<128x320xf32> to vector<128x160xf32>
    %slice3A_489 = vector.extract_strided_slice %select_n3A_472 {offsets = [0, 0], sizes = [128, 160], strides = [1, 1]} : vector<128x320xi32> to vector<128x160xi32>
    %slice3A_490 = vector.extract_strided_slice %min3A_474 {offsets = [0, 0], sizes = [128, 160], strides = [1, 1]} : vector<128x320xf32> to vector<128x160xf32>
    %slice3A_491 = vector.extract_strided_slice %select_n3A_475 {offsets = [0, 0], sizes = [128, 160], strides = [1, 1]} : vector<128x320xi32> to vector<128x160xi32>
    %slice3A_492 = vector.extract_strided_slice %max3A_476 {offsets = [0, 0], sizes = [128, 160], strides = [1, 1]} : vector<128x320xf32> to vector<128x160xf32>
    %slice3A_493 = vector.extract_strided_slice %select_n3A_477 {offsets = [0, 0], sizes = [128, 160], strides = [1, 1]} : vector<128x320xi32> to vector<128x160xi32>
    %slice3A_494 = vector.extract_strided_slice %min3A_459 {offsets = [0, 160], sizes = [128, 160], strides = [1, 1]} : vector<128x320xf32> to vector<128x160xf32>
    %slice3A_495 = vector.extract_strided_slice %select_n3A_460 {offsets = [0, 160], sizes = [128, 160], strides = [1, 1]} : vector<128x320xi32> to vector<128x160xi32>
    %slice3A_496 = vector.extract_strided_slice %max3A_461 {offsets = [0, 160], sizes = [128, 160], strides = [1, 1]} : vector<128x320xf32> to vector<128x160xf32>
    %slice3A_497 = vector.extract_strided_slice %select_n3A_462 {offsets = [0, 160], sizes = [128, 160], strides = [1, 1]} : vector<128x320xi32> to vector<128x160xi32>
    %slice3A_498 = vector.extract_strided_slice %min3A_464 {offsets = [0, 160], sizes = [128, 160], strides = [1, 1]} : vector<128x320xf32> to vector<128x160xf32>
    %slice3A_499 = vector.extract_strided_slice %select_n3A_465 {offsets = [0, 160], sizes = [128, 160], strides = [1, 1]} : vector<128x320xi32> to vector<128x160xi32>
    %slice3A_500 = vector.extract_strided_slice %max3A_466 {offsets = [0, 160], sizes = [128, 160], strides = [1, 1]} : vector<128x320xf32> to vector<128x160xf32>
    %slice3A_501 = vector.extract_strided_slice %select_n3A_467 {offsets = [0, 160], sizes = [128, 160], strides = [1, 1]} : vector<128x320xi32> to vector<128x160xi32>
    %slice3A_502 = vector.extract_strided_slice %min3A_469 {offsets = [0, 160], sizes = [128, 160], strides = [1, 1]} : vector<128x320xf32> to vector<128x160xf32>
    %slice3A_503 = vector.extract_strided_slice %select_n3A_470 {offsets = [0, 160], sizes = [128, 160], strides = [1, 1]} : vector<128x320xi32> to vector<128x160xi32>
    %slice3A_504 = vector.extract_strided_slice %max3A_471 {offsets = [0, 160], sizes = [128, 160], strides = [1, 1]} : vector<128x320xf32> to vector<128x160xf32>
    %slice3A_505 = vector.extract_strided_slice %select_n3A_472 {offsets = [0, 160], sizes = [128, 160], strides = [1, 1]} : vector<128x320xi32> to vector<128x160xi32>
    %slice3A_506 = vector.extract_strided_slice %min3A_474 {offsets = [0, 160], sizes = [128, 160], strides = [1, 1]} : vector<128x320xf32> to vector<128x160xf32>
    %slice3A_507 = vector.extract_strided_slice %select_n3A_475 {offsets = [0, 160], sizes = [128, 160], strides = [1, 1]} : vector<128x320xi32> to vector<128x160xi32>
    %slice3A_508 = vector.extract_strided_slice %max3A_476 {offsets = [0, 160], sizes = [128, 160], strides = [1, 1]} : vector<128x320xf32> to vector<128x160xf32>
    %slice3A_509 = vector.extract_strided_slice %select_n3A_477 {offsets = [0, 160], sizes = [128, 160], strides = [1, 1]} : vector<128x320xi32> to vector<128x160xi32>
    %le3A_510 = arith.cmpf ole, %slice3A_478, %slice3A_508 : vector<128x160xf32>
    %min3A_511 = arith.minimumf %slice3A_478, %slice3A_508 : vector<128x160xf32>
    %select_n3A_512 = arith.select %le3A_510, %slice3A_479, %slice3A_509 : vector<128x160xi1>, vector<128x160xi32>
    %le3A_513 = arith.cmpf ole, %slice3A_480, %slice3A_506 : vector<128x160xf32>
    %min3A_514 = arith.minimumf %slice3A_480, %slice3A_506 : vector<128x160xf32>
    %select_n3A_515 = arith.select %le3A_513, %slice3A_481, %slice3A_507 : vector<128x160xi1>, vector<128x160xi32>
    %le3A_516 = arith.cmpf ole, %slice3A_482, %slice3A_504 : vector<128x160xf32>
    %min3A_517 = arith.minimumf %slice3A_482, %slice3A_504 : vector<128x160xf32>
    %select_n3A_518 = arith.select %le3A_516, %slice3A_483, %slice3A_505 : vector<128x160xi1>, vector<128x160xi32>
    %le3A_519 = arith.cmpf ole, %slice3A_484, %slice3A_502 : vector<128x160xf32>
    %min3A_520 = arith.minimumf %slice3A_484, %slice3A_502 : vector<128x160xf32>
    %select_n3A_521 = arith.select %le3A_519, %slice3A_485, %slice3A_503 : vector<128x160xi1>, vector<128x160xi32>
    %le3A_522 = arith.cmpf ole, %slice3A_486, %slice3A_500 : vector<128x160xf32>
    %min3A_523 = arith.minimumf %slice3A_486, %slice3A_500 : vector<128x160xf32>
    %select_n3A_524 = arith.select %le3A_522, %slice3A_487, %slice3A_501 : vector<128x160xi1>, vector<128x160xi32>
    %le3A_525 = arith.cmpf ole, %slice3A_488, %slice3A_498 : vector<128x160xf32>
    %min3A_526 = arith.minimumf %slice3A_488, %slice3A_498 : vector<128x160xf32>
    %select_n3A_527 = arith.select %le3A_525, %slice3A_489, %slice3A_499 : vector<128x160xi1>, vector<128x160xi32>
    %le3A_528 = arith.cmpf ole, %slice3A_490, %slice3A_496 : vector<128x160xf32>
    %min3A_529 = arith.minimumf %slice3A_490, %slice3A_496 : vector<128x160xf32>
    %select_n3A_530 = arith.select %le3A_528, %slice3A_491, %slice3A_497 : vector<128x160xi1>, vector<128x160xi32>
    %le3A_531 = arith.cmpf ole, %slice3A_492, %slice3A_494 : vector<128x160xf32>
    %min3A_532 = arith.minimumf %slice3A_492, %slice3A_494 : vector<128x160xf32>
    %select_n3A_533 = arith.select %le3A_531, %slice3A_493, %slice3A_495 : vector<128x160xi1>, vector<128x160xi32>
    %le3A_534 = arith.cmpf ole, %min3A_511, %min3A_523 : vector<128x160xf32>
    %min3A_535 = arith.minimumf %min3A_511, %min3A_523 : vector<128x160xf32>
    %select_n3A_536 = arith.select %le3A_534, %select_n3A_512, %select_n3A_524 : vector<128x160xi1>, vector<128x160xi32>
    %max3A_537 = arith.maximumf %min3A_511, %min3A_523 : vector<128x160xf32>
    %select_n3A_538 = arith.select %le3A_534, %select_n3A_524, %select_n3A_512 : vector<128x160xi1>, vector<128x160xi32>
    %le3A_539 = arith.cmpf ole, %min3A_514, %min3A_526 : vector<128x160xf32>
    %min3A_540 = arith.minimumf %min3A_514, %min3A_526 : vector<128x160xf32>
    %select_n3A_541 = arith.select %le3A_539, %select_n3A_515, %select_n3A_527 : vector<128x160xi1>, vector<128x160xi32>
    %max3A_542 = arith.maximumf %min3A_514, %min3A_526 : vector<128x160xf32>
    %select_n3A_543 = arith.select %le3A_539, %select_n3A_527, %select_n3A_515 : vector<128x160xi1>, vector<128x160xi32>
    %le3A_544 = arith.cmpf ole, %min3A_517, %min3A_529 : vector<128x160xf32>
    %min3A_545 = arith.minimumf %min3A_517, %min3A_529 : vector<128x160xf32>
    %select_n3A_546 = arith.select %le3A_544, %select_n3A_518, %select_n3A_530 : vector<128x160xi1>, vector<128x160xi32>
    %max3A_547 = arith.maximumf %min3A_517, %min3A_529 : vector<128x160xf32>
    %select_n3A_548 = arith.select %le3A_544, %select_n3A_530, %select_n3A_518 : vector<128x160xi1>, vector<128x160xi32>
    %le3A_549 = arith.cmpf ole, %min3A_520, %min3A_532 : vector<128x160xf32>
    %min3A_550 = arith.minimumf %min3A_520, %min3A_532 : vector<128x160xf32>
    %select_n3A_551 = arith.select %le3A_549, %select_n3A_521, %select_n3A_533 : vector<128x160xi1>, vector<128x160xi32>
    %max3A_552 = arith.maximumf %min3A_520, %min3A_532 : vector<128x160xf32>
    %select_n3A_553 = arith.select %le3A_549, %select_n3A_533, %select_n3A_521 : vector<128x160xi1>, vector<128x160xi32>
    %le3A_554 = arith.cmpf ole, %min3A_535, %min3A_545 : vector<128x160xf32>
    %min3A_555 = arith.minimumf %min3A_535, %min3A_545 : vector<128x160xf32>
    %select_n3A_556 = arith.select %le3A_554, %select_n3A_536, %select_n3A_546 : vector<128x160xi1>, vector<128x160xi32>
    %max3A_557 = arith.maximumf %min3A_535, %min3A_545 : vector<128x160xf32>
    %select_n3A_558 = arith.select %le3A_554, %select_n3A_546, %select_n3A_536 : vector<128x160xi1>, vector<128x160xi32>
    %le3A_559 = arith.cmpf ole, %min3A_540, %min3A_550 : vector<128x160xf32>
    %min3A_560 = arith.minimumf %min3A_540, %min3A_550 : vector<128x160xf32>
    %select_n3A_561 = arith.select %le3A_559, %select_n3A_541, %select_n3A_551 : vector<128x160xi1>, vector<128x160xi32>
    %max3A_562 = arith.maximumf %min3A_540, %min3A_550 : vector<128x160xf32>
    %select_n3A_563 = arith.select %le3A_559, %select_n3A_551, %select_n3A_541 : vector<128x160xi1>, vector<128x160xi32>
    %le3A_564 = arith.cmpf ole, %max3A_537, %max3A_547 : vector<128x160xf32>
    %min3A_565 = arith.minimumf %max3A_537, %max3A_547 : vector<128x160xf32>
    %select_n3A_566 = arith.select %le3A_564, %select_n3A_538, %select_n3A_548 : vector<128x160xi1>, vector<128x160xi32>
    %max3A_567 = arith.maximumf %max3A_537, %max3A_547 : vector<128x160xf32>
    %select_n3A_568 = arith.select %le3A_564, %select_n3A_548, %select_n3A_538 : vector<128x160xi1>, vector<128x160xi32>
    %le3A_569 = arith.cmpf ole, %max3A_542, %max3A_552 : vector<128x160xf32>
    %min3A_570 = arith.minimumf %max3A_542, %max3A_552 : vector<128x160xf32>
    %select_n3A_571 = arith.select %le3A_569, %select_n3A_543, %select_n3A_553 : vector<128x160xi1>, vector<128x160xi32>
    %max3A_572 = arith.maximumf %max3A_542, %max3A_552 : vector<128x160xf32>
    %select_n3A_573 = arith.select %le3A_569, %select_n3A_553, %select_n3A_543 : vector<128x160xi1>, vector<128x160xi32>
    %le3A_574 = arith.cmpf ole, %min3A_555, %min3A_560 : vector<128x160xf32>
    %min3A_575 = arith.minimumf %min3A_555, %min3A_560 : vector<128x160xf32>
    %select_n3A_576 = arith.select %le3A_574, %select_n3A_556, %select_n3A_561 : vector<128x160xi1>, vector<128x160xi32>
    %max3A_577 = arith.maximumf %min3A_555, %min3A_560 : vector<128x160xf32>
    %select_n3A_578 = arith.select %le3A_574, %select_n3A_561, %select_n3A_556 : vector<128x160xi1>, vector<128x160xi32>
    %le3A_579 = arith.cmpf ole, %max3A_557, %max3A_562 : vector<128x160xf32>
    %min3A_580 = arith.minimumf %max3A_557, %max3A_562 : vector<128x160xf32>
    %select_n3A_581 = arith.select %le3A_579, %select_n3A_558, %select_n3A_563 : vector<128x160xi1>, vector<128x160xi32>
    %max3A_582 = arith.maximumf %max3A_557, %max3A_562 : vector<128x160xf32>
    %select_n3A_583 = arith.select %le3A_579, %select_n3A_563, %select_n3A_558 : vector<128x160xi1>, vector<128x160xi32>
    %le3A_584 = arith.cmpf ole, %min3A_565, %min3A_570 : vector<128x160xf32>
    %min3A_585 = arith.minimumf %min3A_565, %min3A_570 : vector<128x160xf32>
    %select_n3A_586 = arith.select %le3A_584, %select_n3A_566, %select_n3A_571 : vector<128x160xi1>, vector<128x160xi32>
    %max3A_587 = arith.maximumf %min3A_565, %min3A_570 : vector<128x160xf32>
    %select_n3A_588 = arith.select %le3A_584, %select_n3A_571, %select_n3A_566 : vector<128x160xi1>, vector<128x160xi32>
    %le3A_589 = arith.cmpf ole, %max3A_567, %max3A_572 : vector<128x160xf32>
    %min3A_590 = arith.minimumf %max3A_567, %max3A_572 : vector<128x160xf32>
    %select_n3A_591 = arith.select %le3A_589, %select_n3A_568, %select_n3A_573 : vector<128x160xi1>, vector<128x160xi32>
    %max3A_592 = arith.maximumf %max3A_567, %max3A_572 : vector<128x160xf32>
    %select_n3A_593 = arith.select %le3A_589, %select_n3A_573, %select_n3A_568 : vector<128x160xi1>, vector<128x160xi32>
    %slice3A_594 = vector.extract_strided_slice %min3A_575 {offsets = [0, 0], sizes = [128, 80], strides = [1, 1]} : vector<128x160xf32> to vector<128x80xf32>
    %slice3A_595 = vector.extract_strided_slice %select_n3A_576 {offsets = [0, 0], sizes = [128, 80], strides = [1, 1]} : vector<128x160xi32> to vector<128x80xi32>
    %slice3A_596 = vector.extract_strided_slice %max3A_577 {offsets = [0, 0], sizes = [128, 80], strides = [1, 1]} : vector<128x160xf32> to vector<128x80xf32>
    %slice3A_597 = vector.extract_strided_slice %select_n3A_578 {offsets = [0, 0], sizes = [128, 80], strides = [1, 1]} : vector<128x160xi32> to vector<128x80xi32>
    %slice3A_598 = vector.extract_strided_slice %min3A_580 {offsets = [0, 0], sizes = [128, 80], strides = [1, 1]} : vector<128x160xf32> to vector<128x80xf32>
    %slice3A_599 = vector.extract_strided_slice %select_n3A_581 {offsets = [0, 0], sizes = [128, 80], strides = [1, 1]} : vector<128x160xi32> to vector<128x80xi32>
    %slice3A_600 = vector.extract_strided_slice %max3A_582 {offsets = [0, 0], sizes = [128, 80], strides = [1, 1]} : vector<128x160xf32> to vector<128x80xf32>
    %slice3A_601 = vector.extract_strided_slice %select_n3A_583 {offsets = [0, 0], sizes = [128, 80], strides = [1, 1]} : vector<128x160xi32> to vector<128x80xi32>
    %slice3A_602 = vector.extract_strided_slice %min3A_585 {offsets = [0, 0], sizes = [128, 80], strides = [1, 1]} : vector<128x160xf32> to vector<128x80xf32>
    %slice3A_603 = vector.extract_strided_slice %select_n3A_586 {offsets = [0, 0], sizes = [128, 80], strides = [1, 1]} : vector<128x160xi32> to vector<128x80xi32>
    %slice3A_604 = vector.extract_strided_slice %max3A_587 {offsets = [0, 0], sizes = [128, 80], strides = [1, 1]} : vector<128x160xf32> to vector<128x80xf32>
    %slice3A_605 = vector.extract_strided_slice %select_n3A_588 {offsets = [0, 0], sizes = [128, 80], strides = [1, 1]} : vector<128x160xi32> to vector<128x80xi32>
    %slice3A_606 = vector.extract_strided_slice %min3A_590 {offsets = [0, 0], sizes = [128, 80], strides = [1, 1]} : vector<128x160xf32> to vector<128x80xf32>
    %slice3A_607 = vector.extract_strided_slice %select_n3A_591 {offsets = [0, 0], sizes = [128, 80], strides = [1, 1]} : vector<128x160xi32> to vector<128x80xi32>
    %slice3A_608 = vector.extract_strided_slice %max3A_592 {offsets = [0, 0], sizes = [128, 80], strides = [1, 1]} : vector<128x160xf32> to vector<128x80xf32>
    %slice3A_609 = vector.extract_strided_slice %select_n3A_593 {offsets = [0, 0], sizes = [128, 80], strides = [1, 1]} : vector<128x160xi32> to vector<128x80xi32>
    %slice3A_610 = vector.extract_strided_slice %min3A_575 {offsets = [0, 80], sizes = [128, 80], strides = [1, 1]} : vector<128x160xf32> to vector<128x80xf32>
    %slice3A_611 = vector.extract_strided_slice %select_n3A_576 {offsets = [0, 80], sizes = [128, 80], strides = [1, 1]} : vector<128x160xi32> to vector<128x80xi32>
    %slice3A_612 = vector.extract_strided_slice %max3A_577 {offsets = [0, 80], sizes = [128, 80], strides = [1, 1]} : vector<128x160xf32> to vector<128x80xf32>
    %slice3A_613 = vector.extract_strided_slice %select_n3A_578 {offsets = [0, 80], sizes = [128, 80], strides = [1, 1]} : vector<128x160xi32> to vector<128x80xi32>
    %slice3A_614 = vector.extract_strided_slice %min3A_580 {offsets = [0, 80], sizes = [128, 80], strides = [1, 1]} : vector<128x160xf32> to vector<128x80xf32>
    %slice3A_615 = vector.extract_strided_slice %select_n3A_581 {offsets = [0, 80], sizes = [128, 80], strides = [1, 1]} : vector<128x160xi32> to vector<128x80xi32>
    %slice3A_616 = vector.extract_strided_slice %max3A_582 {offsets = [0, 80], sizes = [128, 80], strides = [1, 1]} : vector<128x160xf32> to vector<128x80xf32>
    %slice3A_617 = vector.extract_strided_slice %select_n3A_583 {offsets = [0, 80], sizes = [128, 80], strides = [1, 1]} : vector<128x160xi32> to vector<128x80xi32>
    %slice3A_618 = vector.extract_strided_slice %min3A_585 {offsets = [0, 80], sizes = [128, 80], strides = [1, 1]} : vector<128x160xf32> to vector<128x80xf32>
    %slice3A_619 = vector.extract_strided_slice %select_n3A_586 {offsets = [0, 80], sizes = [128, 80], strides = [1, 1]} : vector<128x160xi32> to vector<128x80xi32>
    %slice3A_620 = vector.extract_strided_slice %max3A_587 {offsets = [0, 80], sizes = [128, 80], strides = [1, 1]} : vector<128x160xf32> to vector<128x80xf32>
    %slice3A_621 = vector.extract_strided_slice %select_n3A_588 {offsets = [0, 80], sizes = [128, 80], strides = [1, 1]} : vector<128x160xi32> to vector<128x80xi32>
    %slice3A_622 = vector.extract_strided_slice %min3A_590 {offsets = [0, 80], sizes = [128, 80], strides = [1, 1]} : vector<128x160xf32> to vector<128x80xf32>
    %slice3A_623 = vector.extract_strided_slice %select_n3A_591 {offsets = [0, 80], sizes = [128, 80], strides = [1, 1]} : vector<128x160xi32> to vector<128x80xi32>
    %slice3A_624 = vector.extract_strided_slice %max3A_592 {offsets = [0, 80], sizes = [128, 80], strides = [1, 1]} : vector<128x160xf32> to vector<128x80xf32>
    %slice3A_625 = vector.extract_strided_slice %select_n3A_593 {offsets = [0, 80], sizes = [128, 80], strides = [1, 1]} : vector<128x160xi32> to vector<128x80xi32>
    %le3A_626 = arith.cmpf ole, %slice3A_594, %slice3A_624 : vector<128x80xf32>
    %min3A_627 = arith.minimumf %slice3A_594, %slice3A_624 : vector<128x80xf32>
    %select_n3A_628 = arith.select %le3A_626, %slice3A_595, %slice3A_625 : vector<128x80xi1>, vector<128x80xi32>
    %le3A_629 = arith.cmpf ole, %slice3A_596, %slice3A_622 : vector<128x80xf32>
    %min3A_630 = arith.minimumf %slice3A_596, %slice3A_622 : vector<128x80xf32>
    %select_n3A_631 = arith.select %le3A_629, %slice3A_597, %slice3A_623 : vector<128x80xi1>, vector<128x80xi32>
    %le3A_632 = arith.cmpf ole, %slice3A_598, %slice3A_620 : vector<128x80xf32>
    %min3A_633 = arith.minimumf %slice3A_598, %slice3A_620 : vector<128x80xf32>
    %select_n3A_634 = arith.select %le3A_632, %slice3A_599, %slice3A_621 : vector<128x80xi1>, vector<128x80xi32>
    %le3A_635 = arith.cmpf ole, %slice3A_600, %slice3A_618 : vector<128x80xf32>
    %min3A_636 = arith.minimumf %slice3A_600, %slice3A_618 : vector<128x80xf32>
    %select_n3A_637 = arith.select %le3A_635, %slice3A_601, %slice3A_619 : vector<128x80xi1>, vector<128x80xi32>
    %le3A_638 = arith.cmpf ole, %slice3A_602, %slice3A_616 : vector<128x80xf32>
    %min3A_639 = arith.minimumf %slice3A_602, %slice3A_616 : vector<128x80xf32>
    %select_n3A_640 = arith.select %le3A_638, %slice3A_603, %slice3A_617 : vector<128x80xi1>, vector<128x80xi32>
    %le3A_641 = arith.cmpf ole, %slice3A_604, %slice3A_614 : vector<128x80xf32>
    %min3A_642 = arith.minimumf %slice3A_604, %slice3A_614 : vector<128x80xf32>
    %select_n3A_643 = arith.select %le3A_641, %slice3A_605, %slice3A_615 : vector<128x80xi1>, vector<128x80xi32>
    %le3A_644 = arith.cmpf ole, %slice3A_606, %slice3A_612 : vector<128x80xf32>
    %min3A_645 = arith.minimumf %slice3A_606, %slice3A_612 : vector<128x80xf32>
    %select_n3A_646 = arith.select %le3A_644, %slice3A_607, %slice3A_613 : vector<128x80xi1>, vector<128x80xi32>
    %le3A_647 = arith.cmpf ole, %slice3A_608, %slice3A_610 : vector<128x80xf32>
    %min3A_648 = arith.minimumf %slice3A_608, %slice3A_610 : vector<128x80xf32>
    %select_n3A_649 = arith.select %le3A_647, %slice3A_609, %slice3A_611 : vector<128x80xi1>, vector<128x80xi32>
    %le3A_650 = arith.cmpf ole, %min3A_627, %min3A_639 : vector<128x80xf32>
    %min3A_651 = arith.minimumf %min3A_627, %min3A_639 : vector<128x80xf32>
    %select_n3A_652 = arith.select %le3A_650, %select_n3A_628, %select_n3A_640 : vector<128x80xi1>, vector<128x80xi32>
    %max3A_653 = arith.maximumf %min3A_627, %min3A_639 : vector<128x80xf32>
    %select_n3A_654 = arith.select %le3A_650, %select_n3A_640, %select_n3A_628 : vector<128x80xi1>, vector<128x80xi32>
    %le3A_655 = arith.cmpf ole, %min3A_630, %min3A_642 : vector<128x80xf32>
    %min3A_656 = arith.minimumf %min3A_630, %min3A_642 : vector<128x80xf32>
    %select_n3A_657 = arith.select %le3A_655, %select_n3A_631, %select_n3A_643 : vector<128x80xi1>, vector<128x80xi32>
    %max3A_658 = arith.maximumf %min3A_630, %min3A_642 : vector<128x80xf32>
    %select_n3A_659 = arith.select %le3A_655, %select_n3A_643, %select_n3A_631 : vector<128x80xi1>, vector<128x80xi32>
    %le3A_660 = arith.cmpf ole, %min3A_633, %min3A_645 : vector<128x80xf32>
    %min3A_661 = arith.minimumf %min3A_633, %min3A_645 : vector<128x80xf32>
    %select_n3A_662 = arith.select %le3A_660, %select_n3A_634, %select_n3A_646 : vector<128x80xi1>, vector<128x80xi32>
    %max3A_663 = arith.maximumf %min3A_633, %min3A_645 : vector<128x80xf32>
    %select_n3A_664 = arith.select %le3A_660, %select_n3A_646, %select_n3A_634 : vector<128x80xi1>, vector<128x80xi32>
    %le3A_665 = arith.cmpf ole, %min3A_636, %min3A_648 : vector<128x80xf32>
    %min3A_666 = arith.minimumf %min3A_636, %min3A_648 : vector<128x80xf32>
    %select_n3A_667 = arith.select %le3A_665, %select_n3A_637, %select_n3A_649 : vector<128x80xi1>, vector<128x80xi32>
    %max3A_668 = arith.maximumf %min3A_636, %min3A_648 : vector<128x80xf32>
    %select_n3A_669 = arith.select %le3A_665, %select_n3A_649, %select_n3A_637 : vector<128x80xi1>, vector<128x80xi32>
    %le3A_670 = arith.cmpf ole, %min3A_651, %min3A_661 : vector<128x80xf32>
    %min3A_671 = arith.minimumf %min3A_651, %min3A_661 : vector<128x80xf32>
    %select_n3A_672 = arith.select %le3A_670, %select_n3A_652, %select_n3A_662 : vector<128x80xi1>, vector<128x80xi32>
    %max3A_673 = arith.maximumf %min3A_651, %min3A_661 : vector<128x80xf32>
    %select_n3A_674 = arith.select %le3A_670, %select_n3A_662, %select_n3A_652 : vector<128x80xi1>, vector<128x80xi32>
    %le3A_675 = arith.cmpf ole, %min3A_656, %min3A_666 : vector<128x80xf32>
    %min3A_676 = arith.minimumf %min3A_656, %min3A_666 : vector<128x80xf32>
    %select_n3A_677 = arith.select %le3A_675, %select_n3A_657, %select_n3A_667 : vector<128x80xi1>, vector<128x80xi32>
    %max3A_678 = arith.maximumf %min3A_656, %min3A_666 : vector<128x80xf32>
    %select_n3A_679 = arith.select %le3A_675, %select_n3A_667, %select_n3A_657 : vector<128x80xi1>, vector<128x80xi32>
    %le3A_680 = arith.cmpf ole, %max3A_653, %max3A_663 : vector<128x80xf32>
    %min3A_681 = arith.minimumf %max3A_653, %max3A_663 : vector<128x80xf32>
    %select_n3A_682 = arith.select %le3A_680, %select_n3A_654, %select_n3A_664 : vector<128x80xi1>, vector<128x80xi32>
    %max3A_683 = arith.maximumf %max3A_653, %max3A_663 : vector<128x80xf32>
    %select_n3A_684 = arith.select %le3A_680, %select_n3A_664, %select_n3A_654 : vector<128x80xi1>, vector<128x80xi32>
    %le3A_685 = arith.cmpf ole, %max3A_658, %max3A_668 : vector<128x80xf32>
    %min3A_686 = arith.minimumf %max3A_658, %max3A_668 : vector<128x80xf32>
    %select_n3A_687 = arith.select %le3A_685, %select_n3A_659, %select_n3A_669 : vector<128x80xi1>, vector<128x80xi32>
    %max3A_688 = arith.maximumf %max3A_658, %max3A_668 : vector<128x80xf32>
    %select_n3A_689 = arith.select %le3A_685, %select_n3A_669, %select_n3A_659 : vector<128x80xi1>, vector<128x80xi32>
    %le3A_690 = arith.cmpf ole, %min3A_671, %min3A_676 : vector<128x80xf32>
    %min3A_691 = arith.minimumf %min3A_671, %min3A_676 : vector<128x80xf32>
    %select_n3A_692 = arith.select %le3A_690, %select_n3A_672, %select_n3A_677 : vector<128x80xi1>, vector<128x80xi32>
    %max3A_693 = arith.maximumf %min3A_671, %min3A_676 : vector<128x80xf32>
    %select_n3A_694 = arith.select %le3A_690, %select_n3A_677, %select_n3A_672 : vector<128x80xi1>, vector<128x80xi32>
    %le3A_695 = arith.cmpf ole, %max3A_673, %max3A_678 : vector<128x80xf32>
    %min3A_696 = arith.minimumf %max3A_673, %max3A_678 : vector<128x80xf32>
    %select_n3A_697 = arith.select %le3A_695, %select_n3A_674, %select_n3A_679 : vector<128x80xi1>, vector<128x80xi32>
    %max3A_698 = arith.maximumf %max3A_673, %max3A_678 : vector<128x80xf32>
    %select_n3A_699 = arith.select %le3A_695, %select_n3A_679, %select_n3A_674 : vector<128x80xi1>, vector<128x80xi32>
    %le3A_700 = arith.cmpf ole, %min3A_681, %min3A_686 : vector<128x80xf32>
    %min3A_701 = arith.minimumf %min3A_681, %min3A_686 : vector<128x80xf32>
    %select_n3A_702 = arith.select %le3A_700, %select_n3A_682, %select_n3A_687 : vector<128x80xi1>, vector<128x80xi32>
    %max3A_703 = arith.maximumf %min3A_681, %min3A_686 : vector<128x80xf32>
    %select_n3A_704 = arith.select %le3A_700, %select_n3A_687, %select_n3A_682 : vector<128x80xi1>, vector<128x80xi32>
    %le3A_705 = arith.cmpf ole, %max3A_683, %max3A_688 : vector<128x80xf32>
    %min3A_706 = arith.minimumf %max3A_683, %max3A_688 : vector<128x80xf32>
    %select_n3A_707 = arith.select %le3A_705, %select_n3A_684, %select_n3A_689 : vector<128x80xi1>, vector<128x80xi32>
    %max3A_708 = arith.maximumf %max3A_683, %max3A_688 : vector<128x80xf32>
    %select_n3A_709 = arith.select %le3A_705, %select_n3A_689, %select_n3A_684 : vector<128x80xi1>, vector<128x80xi32>
    %slice3A_710 = vector.extract_strided_slice %min3A_691 {offsets = [0, 0], sizes = [128, 40], strides = [1, 1]} : vector<128x80xf32> to vector<128x40xf32>
    %slice3A_711 = vector.extract_strided_slice %select_n3A_692 {offsets = [0, 0], sizes = [128, 40], strides = [1, 1]} : vector<128x80xi32> to vector<128x40xi32>
    %slice3A_712 = vector.extract_strided_slice %max3A_693 {offsets = [0, 0], sizes = [128, 40], strides = [1, 1]} : vector<128x80xf32> to vector<128x40xf32>
    %slice3A_713 = vector.extract_strided_slice %select_n3A_694 {offsets = [0, 0], sizes = [128, 40], strides = [1, 1]} : vector<128x80xi32> to vector<128x40xi32>
    %slice3A_714 = vector.extract_strided_slice %min3A_696 {offsets = [0, 0], sizes = [128, 40], strides = [1, 1]} : vector<128x80xf32> to vector<128x40xf32>
    %slice3A_715 = vector.extract_strided_slice %select_n3A_697 {offsets = [0, 0], sizes = [128, 40], strides = [1, 1]} : vector<128x80xi32> to vector<128x40xi32>
    %slice3A_716 = vector.extract_strided_slice %max3A_698 {offsets = [0, 0], sizes = [128, 40], strides = [1, 1]} : vector<128x80xf32> to vector<128x40xf32>
    %slice3A_717 = vector.extract_strided_slice %select_n3A_699 {offsets = [0, 0], sizes = [128, 40], strides = [1, 1]} : vector<128x80xi32> to vector<128x40xi32>
    %slice3A_718 = vector.extract_strided_slice %min3A_701 {offsets = [0, 0], sizes = [128, 40], strides = [1, 1]} : vector<128x80xf32> to vector<128x40xf32>
    %slice3A_719 = vector.extract_strided_slice %select_n3A_702 {offsets = [0, 0], sizes = [128, 40], strides = [1, 1]} : vector<128x80xi32> to vector<128x40xi32>
    %slice3A_720 = vector.extract_strided_slice %max3A_703 {offsets = [0, 0], sizes = [128, 40], strides = [1, 1]} : vector<128x80xf32> to vector<128x40xf32>
    %slice3A_721 = vector.extract_strided_slice %select_n3A_704 {offsets = [0, 0], sizes = [128, 40], strides = [1, 1]} : vector<128x80xi32> to vector<128x40xi32>
    %slice3A_722 = vector.extract_strided_slice %min3A_706 {offsets = [0, 0], sizes = [128, 40], strides = [1, 1]} : vector<128x80xf32> to vector<128x40xf32>
    %slice3A_723 = vector.extract_strided_slice %select_n3A_707 {offsets = [0, 0], sizes = [128, 40], strides = [1, 1]} : vector<128x80xi32> to vector<128x40xi32>
    %slice3A_724 = vector.extract_strided_slice %max3A_708 {offsets = [0, 0], sizes = [128, 40], strides = [1, 1]} : vector<128x80xf32> to vector<128x40xf32>
    %slice3A_725 = vector.extract_strided_slice %select_n3A_709 {offsets = [0, 0], sizes = [128, 40], strides = [1, 1]} : vector<128x80xi32> to vector<128x40xi32>
    %slice3A_726 = vector.extract_strided_slice %min3A_691 {offsets = [0, 40], sizes = [128, 40], strides = [1, 1]} : vector<128x80xf32> to vector<128x40xf32>
    %slice3A_727 = vector.extract_strided_slice %select_n3A_692 {offsets = [0, 40], sizes = [128, 40], strides = [1, 1]} : vector<128x80xi32> to vector<128x40xi32>
    %slice3A_728 = vector.extract_strided_slice %max3A_693 {offsets = [0, 40], sizes = [128, 40], strides = [1, 1]} : vector<128x80xf32> to vector<128x40xf32>
    %slice3A_729 = vector.extract_strided_slice %select_n3A_694 {offsets = [0, 40], sizes = [128, 40], strides = [1, 1]} : vector<128x80xi32> to vector<128x40xi32>
    %slice3A_730 = vector.extract_strided_slice %min3A_696 {offsets = [0, 40], sizes = [128, 40], strides = [1, 1]} : vector<128x80xf32> to vector<128x40xf32>
    %slice3A_731 = vector.extract_strided_slice %select_n3A_697 {offsets = [0, 40], sizes = [128, 40], strides = [1, 1]} : vector<128x80xi32> to vector<128x40xi32>
    %slice3A_732 = vector.extract_strided_slice %max3A_698 {offsets = [0, 40], sizes = [128, 40], strides = [1, 1]} : vector<128x80xf32> to vector<128x40xf32>
    %slice3A_733 = vector.extract_strided_slice %select_n3A_699 {offsets = [0, 40], sizes = [128, 40], strides = [1, 1]} : vector<128x80xi32> to vector<128x40xi32>
    %slice3A_734 = vector.extract_strided_slice %min3A_701 {offsets = [0, 40], sizes = [128, 40], strides = [1, 1]} : vector<128x80xf32> to vector<128x40xf32>
    %slice3A_735 = vector.extract_strided_slice %select_n3A_702 {offsets = [0, 40], sizes = [128, 40], strides = [1, 1]} : vector<128x80xi32> to vector<128x40xi32>
    %slice3A_736 = vector.extract_strided_slice %max3A_703 {offsets = [0, 40], sizes = [128, 40], strides = [1, 1]} : vector<128x80xf32> to vector<128x40xf32>
    %slice3A_737 = vector.extract_strided_slice %select_n3A_704 {offsets = [0, 40], sizes = [128, 40], strides = [1, 1]} : vector<128x80xi32> to vector<128x40xi32>
    %slice3A_738 = vector.extract_strided_slice %min3A_706 {offsets = [0, 40], sizes = [128, 40], strides = [1, 1]} : vector<128x80xf32> to vector<128x40xf32>
    %slice3A_739 = vector.extract_strided_slice %select_n3A_707 {offsets = [0, 40], sizes = [128, 40], strides = [1, 1]} : vector<128x80xi32> to vector<128x40xi32>
    %slice3A_740 = vector.extract_strided_slice %max3A_708 {offsets = [0, 40], sizes = [128, 40], strides = [1, 1]} : vector<128x80xf32> to vector<128x40xf32>
    %slice3A_741 = vector.extract_strided_slice %select_n3A_709 {offsets = [0, 40], sizes = [128, 40], strides = [1, 1]} : vector<128x80xi32> to vector<128x40xi32>
    %le3A_742 = arith.cmpf ole, %slice3A_710, %slice3A_740 : vector<128x40xf32>
    %min3A_743 = arith.minimumf %slice3A_710, %slice3A_740 : vector<128x40xf32>
    %select_n3A_744 = arith.select %le3A_742, %slice3A_711, %slice3A_741 : vector<128x40xi1>, vector<128x40xi32>
    %le3A_745 = arith.cmpf ole, %slice3A_712, %slice3A_738 : vector<128x40xf32>
    %min3A_746 = arith.minimumf %slice3A_712, %slice3A_738 : vector<128x40xf32>
    %select_n3A_747 = arith.select %le3A_745, %slice3A_713, %slice3A_739 : vector<128x40xi1>, vector<128x40xi32>
    %le3A_748 = arith.cmpf ole, %slice3A_714, %slice3A_736 : vector<128x40xf32>
    %min3A_749 = arith.minimumf %slice3A_714, %slice3A_736 : vector<128x40xf32>
    %select_n3A_750 = arith.select %le3A_748, %slice3A_715, %slice3A_737 : vector<128x40xi1>, vector<128x40xi32>
    %le3A_751 = arith.cmpf ole, %slice3A_716, %slice3A_734 : vector<128x40xf32>
    %min3A_752 = arith.minimumf %slice3A_716, %slice3A_734 : vector<128x40xf32>
    %select_n3A_753 = arith.select %le3A_751, %slice3A_717, %slice3A_735 : vector<128x40xi1>, vector<128x40xi32>
    %le3A_754 = arith.cmpf ole, %slice3A_718, %slice3A_732 : vector<128x40xf32>
    %min3A_755 = arith.minimumf %slice3A_718, %slice3A_732 : vector<128x40xf32>
    %select_n3A_756 = arith.select %le3A_754, %slice3A_719, %slice3A_733 : vector<128x40xi1>, vector<128x40xi32>
    %le3A_757 = arith.cmpf ole, %slice3A_720, %slice3A_730 : vector<128x40xf32>
    %min3A_758 = arith.minimumf %slice3A_720, %slice3A_730 : vector<128x40xf32>
    %select_n3A_759 = arith.select %le3A_757, %slice3A_721, %slice3A_731 : vector<128x40xi1>, vector<128x40xi32>
    %le3A_760 = arith.cmpf ole, %slice3A_722, %slice3A_728 : vector<128x40xf32>
    %min3A_761 = arith.minimumf %slice3A_722, %slice3A_728 : vector<128x40xf32>
    %select_n3A_762 = arith.select %le3A_760, %slice3A_723, %slice3A_729 : vector<128x40xi1>, vector<128x40xi32>
    %le3A_763 = arith.cmpf ole, %slice3A_724, %slice3A_726 : vector<128x40xf32>
    %min3A_764 = arith.minimumf %slice3A_724, %slice3A_726 : vector<128x40xf32>
    %select_n3A_765 = arith.select %le3A_763, %slice3A_725, %slice3A_727 : vector<128x40xi1>, vector<128x40xi32>
    %le3A_766 = arith.cmpf ole, %min3A_743, %min3A_755 : vector<128x40xf32>
    %min3A_767 = arith.minimumf %min3A_743, %min3A_755 : vector<128x40xf32>
    %select_n3A_768 = arith.select %le3A_766, %select_n3A_744, %select_n3A_756 : vector<128x40xi1>, vector<128x40xi32>
    %max3A_769 = arith.maximumf %min3A_743, %min3A_755 : vector<128x40xf32>
    %select_n3A_770 = arith.select %le3A_766, %select_n3A_756, %select_n3A_744 : vector<128x40xi1>, vector<128x40xi32>
    %le3A_771 = arith.cmpf ole, %min3A_746, %min3A_758 : vector<128x40xf32>
    %min3A_772 = arith.minimumf %min3A_746, %min3A_758 : vector<128x40xf32>
    %select_n3A_773 = arith.select %le3A_771, %select_n3A_747, %select_n3A_759 : vector<128x40xi1>, vector<128x40xi32>
    %max3A_774 = arith.maximumf %min3A_746, %min3A_758 : vector<128x40xf32>
    %select_n3A_775 = arith.select %le3A_771, %select_n3A_759, %select_n3A_747 : vector<128x40xi1>, vector<128x40xi32>
    %le3A_776 = arith.cmpf ole, %min3A_749, %min3A_761 : vector<128x40xf32>
    %min3A_777 = arith.minimumf %min3A_749, %min3A_761 : vector<128x40xf32>
    %select_n3A_778 = arith.select %le3A_776, %select_n3A_750, %select_n3A_762 : vector<128x40xi1>, vector<128x40xi32>
    %max3A_779 = arith.maximumf %min3A_749, %min3A_761 : vector<128x40xf32>
    %select_n3A_780 = arith.select %le3A_776, %select_n3A_762, %select_n3A_750 : vector<128x40xi1>, vector<128x40xi32>
    %le3A_781 = arith.cmpf ole, %min3A_752, %min3A_764 : vector<128x40xf32>
    %min3A_782 = arith.minimumf %min3A_752, %min3A_764 : vector<128x40xf32>
    %select_n3A_783 = arith.select %le3A_781, %select_n3A_753, %select_n3A_765 : vector<128x40xi1>, vector<128x40xi32>
    %max3A_784 = arith.maximumf %min3A_752, %min3A_764 : vector<128x40xf32>
    %select_n3A_785 = arith.select %le3A_781, %select_n3A_765, %select_n3A_753 : vector<128x40xi1>, vector<128x40xi32>
    %le3A_786 = arith.cmpf ole, %min3A_767, %min3A_777 : vector<128x40xf32>
    %min3A_787 = arith.minimumf %min3A_767, %min3A_777 : vector<128x40xf32>
    %select_n3A_788 = arith.select %le3A_786, %select_n3A_768, %select_n3A_778 : vector<128x40xi1>, vector<128x40xi32>
    %max3A_789 = arith.maximumf %min3A_767, %min3A_777 : vector<128x40xf32>
    %select_n3A_790 = arith.select %le3A_786, %select_n3A_778, %select_n3A_768 : vector<128x40xi1>, vector<128x40xi32>
    %le3A_791 = arith.cmpf ole, %min3A_772, %min3A_782 : vector<128x40xf32>
    %min3A_792 = arith.minimumf %min3A_772, %min3A_782 : vector<128x40xf32>
    %select_n3A_793 = arith.select %le3A_791, %select_n3A_773, %select_n3A_783 : vector<128x40xi1>, vector<128x40xi32>
    %max3A_794 = arith.maximumf %min3A_772, %min3A_782 : vector<128x40xf32>
    %select_n3A_795 = arith.select %le3A_791, %select_n3A_783, %select_n3A_773 : vector<128x40xi1>, vector<128x40xi32>
    %le3A_796 = arith.cmpf ole, %max3A_769, %max3A_779 : vector<128x40xf32>
    %min3A_797 = arith.minimumf %max3A_769, %max3A_779 : vector<128x40xf32>
    %select_n3A_798 = arith.select %le3A_796, %select_n3A_770, %select_n3A_780 : vector<128x40xi1>, vector<128x40xi32>
    %max3A_799 = arith.maximumf %max3A_769, %max3A_779 : vector<128x40xf32>
    %select_n3A_800 = arith.select %le3A_796, %select_n3A_780, %select_n3A_770 : vector<128x40xi1>, vector<128x40xi32>
    %le3A_801 = arith.cmpf ole, %max3A_774, %max3A_784 : vector<128x40xf32>
    %min3A_802 = arith.minimumf %max3A_774, %max3A_784 : vector<128x40xf32>
    %select_n3A_803 = arith.select %le3A_801, %select_n3A_775, %select_n3A_785 : vector<128x40xi1>, vector<128x40xi32>
    %max3A_804 = arith.maximumf %max3A_774, %max3A_784 : vector<128x40xf32>
    %select_n3A_805 = arith.select %le3A_801, %select_n3A_785, %select_n3A_775 : vector<128x40xi1>, vector<128x40xi32>
    %le3A_806 = arith.cmpf ole, %min3A_787, %min3A_792 : vector<128x40xf32>
    %min3A_807 = arith.minimumf %min3A_787, %min3A_792 : vector<128x40xf32>
    %select_n3A_808 = arith.select %le3A_806, %select_n3A_788, %select_n3A_793 : vector<128x40xi1>, vector<128x40xi32>
    %max3A_809 = arith.maximumf %min3A_787, %min3A_792 : vector<128x40xf32>
    %select_n3A_810 = arith.select %le3A_806, %select_n3A_793, %select_n3A_788 : vector<128x40xi1>, vector<128x40xi32>
    %le3A_811 = arith.cmpf ole, %max3A_789, %max3A_794 : vector<128x40xf32>
    %min3A_812 = arith.minimumf %max3A_789, %max3A_794 : vector<128x40xf32>
    %select_n3A_813 = arith.select %le3A_811, %select_n3A_790, %select_n3A_795 : vector<128x40xi1>, vector<128x40xi32>
    %max3A_814 = arith.maximumf %max3A_789, %max3A_794 : vector<128x40xf32>
    %select_n3A_815 = arith.select %le3A_811, %select_n3A_795, %select_n3A_790 : vector<128x40xi1>, vector<128x40xi32>
    %le3A_816 = arith.cmpf ole, %min3A_797, %min3A_802 : vector<128x40xf32>
    %min3A_817 = arith.minimumf %min3A_797, %min3A_802 : vector<128x40xf32>
    %select_n3A_818 = arith.select %le3A_816, %select_n3A_798, %select_n3A_803 : vector<128x40xi1>, vector<128x40xi32>
    %max3A_819 = arith.maximumf %min3A_797, %min3A_802 : vector<128x40xf32>
    %select_n3A_820 = arith.select %le3A_816, %select_n3A_803, %select_n3A_798 : vector<128x40xi1>, vector<128x40xi32>
    %le3A_821 = arith.cmpf ole, %max3A_799, %max3A_804 : vector<128x40xf32>
    %min3A_822 = arith.minimumf %max3A_799, %max3A_804 : vector<128x40xf32>
    %select_n3A_823 = arith.select %le3A_821, %select_n3A_800, %select_n3A_805 : vector<128x40xi1>, vector<128x40xi32>
    %max3A_824 = arith.maximumf %max3A_799, %max3A_804 : vector<128x40xf32>
    %select_n3A_825 = arith.select %le3A_821, %select_n3A_805, %select_n3A_800 : vector<128x40xi1>, vector<128x40xi32>
    %slice3A_826 = vector.extract_strided_slice %min3A_807 {offsets = [0, 0], sizes = [128, 20], strides = [1, 1]} : vector<128x40xf32> to vector<128x20xf32>
    %slice3A_827 = vector.extract_strided_slice %select_n3A_808 {offsets = [0, 0], sizes = [128, 20], strides = [1, 1]} : vector<128x40xi32> to vector<128x20xi32>
    %slice3A_828 = vector.extract_strided_slice %max3A_809 {offsets = [0, 0], sizes = [128, 20], strides = [1, 1]} : vector<128x40xf32> to vector<128x20xf32>
    %slice3A_829 = vector.extract_strided_slice %select_n3A_810 {offsets = [0, 0], sizes = [128, 20], strides = [1, 1]} : vector<128x40xi32> to vector<128x20xi32>
    %slice3A_830 = vector.extract_strided_slice %min3A_812 {offsets = [0, 0], sizes = [128, 20], strides = [1, 1]} : vector<128x40xf32> to vector<128x20xf32>
    %slice3A_831 = vector.extract_strided_slice %select_n3A_813 {offsets = [0, 0], sizes = [128, 20], strides = [1, 1]} : vector<128x40xi32> to vector<128x20xi32>
    %slice3A_832 = vector.extract_strided_slice %max3A_814 {offsets = [0, 0], sizes = [128, 20], strides = [1, 1]} : vector<128x40xf32> to vector<128x20xf32>
    %slice3A_833 = vector.extract_strided_slice %select_n3A_815 {offsets = [0, 0], sizes = [128, 20], strides = [1, 1]} : vector<128x40xi32> to vector<128x20xi32>
    %slice3A_834 = vector.extract_strided_slice %min3A_817 {offsets = [0, 0], sizes = [128, 20], strides = [1, 1]} : vector<128x40xf32> to vector<128x20xf32>
    %slice3A_835 = vector.extract_strided_slice %select_n3A_818 {offsets = [0, 0], sizes = [128, 20], strides = [1, 1]} : vector<128x40xi32> to vector<128x20xi32>
    %slice3A_836 = vector.extract_strided_slice %max3A_819 {offsets = [0, 0], sizes = [128, 20], strides = [1, 1]} : vector<128x40xf32> to vector<128x20xf32>
    %slice3A_837 = vector.extract_strided_slice %select_n3A_820 {offsets = [0, 0], sizes = [128, 20], strides = [1, 1]} : vector<128x40xi32> to vector<128x20xi32>
    %slice3A_838 = vector.extract_strided_slice %min3A_822 {offsets = [0, 0], sizes = [128, 20], strides = [1, 1]} : vector<128x40xf32> to vector<128x20xf32>
    %slice3A_839 = vector.extract_strided_slice %select_n3A_823 {offsets = [0, 0], sizes = [128, 20], strides = [1, 1]} : vector<128x40xi32> to vector<128x20xi32>
    %slice3A_840 = vector.extract_strided_slice %max3A_824 {offsets = [0, 0], sizes = [128, 20], strides = [1, 1]} : vector<128x40xf32> to vector<128x20xf32>
    %slice3A_841 = vector.extract_strided_slice %select_n3A_825 {offsets = [0, 0], sizes = [128, 20], strides = [1, 1]} : vector<128x40xi32> to vector<128x20xi32>
    %slice3A_842 = vector.extract_strided_slice %min3A_807 {offsets = [0, 20], sizes = [128, 20], strides = [1, 1]} : vector<128x40xf32> to vector<128x20xf32>
    %slice3A_843 = vector.extract_strided_slice %select_n3A_808 {offsets = [0, 20], sizes = [128, 20], strides = [1, 1]} : vector<128x40xi32> to vector<128x20xi32>
    %slice3A_844 = vector.extract_strided_slice %max3A_809 {offsets = [0, 20], sizes = [128, 20], strides = [1, 1]} : vector<128x40xf32> to vector<128x20xf32>
    %slice3A_845 = vector.extract_strided_slice %select_n3A_810 {offsets = [0, 20], sizes = [128, 20], strides = [1, 1]} : vector<128x40xi32> to vector<128x20xi32>
    %slice3A_846 = vector.extract_strided_slice %min3A_812 {offsets = [0, 20], sizes = [128, 20], strides = [1, 1]} : vector<128x40xf32> to vector<128x20xf32>
    %slice3A_847 = vector.extract_strided_slice %select_n3A_813 {offsets = [0, 20], sizes = [128, 20], strides = [1, 1]} : vector<128x40xi32> to vector<128x20xi32>
    %slice3A_848 = vector.extract_strided_slice %max3A_814 {offsets = [0, 20], sizes = [128, 20], strides = [1, 1]} : vector<128x40xf32> to vector<128x20xf32>
    %slice3A_849 = vector.extract_strided_slice %select_n3A_815 {offsets = [0, 20], sizes = [128, 20], strides = [1, 1]} : vector<128x40xi32> to vector<128x20xi32>
    %slice3A_850 = vector.extract_strided_slice %min3A_817 {offsets = [0, 20], sizes = [128, 20], strides = [1, 1]} : vector<128x40xf32> to vector<128x20xf32>
    %slice3A_851 = vector.extract_strided_slice %select_n3A_818 {offsets = [0, 20], sizes = [128, 20], strides = [1, 1]} : vector<128x40xi32> to vector<128x20xi32>
    %slice3A_852 = vector.extract_strided_slice %max3A_819 {offsets = [0, 20], sizes = [128, 20], strides = [1, 1]} : vector<128x40xf32> to vector<128x20xf32>
    %slice3A_853 = vector.extract_strided_slice %select_n3A_820 {offsets = [0, 20], sizes = [128, 20], strides = [1, 1]} : vector<128x40xi32> to vector<128x20xi32>
    %slice3A_854 = vector.extract_strided_slice %min3A_822 {offsets = [0, 20], sizes = [128, 20], strides = [1, 1]} : vector<128x40xf32> to vector<128x20xf32>
    %slice3A_855 = vector.extract_strided_slice %select_n3A_823 {offsets = [0, 20], sizes = [128, 20], strides = [1, 1]} : vector<128x40xi32> to vector<128x20xi32>
    %slice3A_856 = vector.extract_strided_slice %max3A_824 {offsets = [0, 20], sizes = [128, 20], strides = [1, 1]} : vector<128x40xf32> to vector<128x20xf32>
    %slice3A_857 = vector.extract_strided_slice %select_n3A_825 {offsets = [0, 20], sizes = [128, 20], strides = [1, 1]} : vector<128x40xi32> to vector<128x20xi32>
    %le3A_858 = arith.cmpf ole, %slice3A_826, %slice3A_856 : vector<128x20xf32>
    %min3A_859 = arith.minimumf %slice3A_826, %slice3A_856 : vector<128x20xf32>
    %select_n3A_860 = arith.select %le3A_858, %slice3A_827, %slice3A_857 : vector<128x20xi1>, vector<128x20xi32>
    %le3A_861 = arith.cmpf ole, %slice3A_828, %slice3A_854 : vector<128x20xf32>
    %min3A_862 = arith.minimumf %slice3A_828, %slice3A_854 : vector<128x20xf32>
    %select_n3A_863 = arith.select %le3A_861, %slice3A_829, %slice3A_855 : vector<128x20xi1>, vector<128x20xi32>
    %le3A_864 = arith.cmpf ole, %slice3A_830, %slice3A_852 : vector<128x20xf32>
    %min3A_865 = arith.minimumf %slice3A_830, %slice3A_852 : vector<128x20xf32>
    %select_n3A_866 = arith.select %le3A_864, %slice3A_831, %slice3A_853 : vector<128x20xi1>, vector<128x20xi32>
    %le3A_867 = arith.cmpf ole, %slice3A_832, %slice3A_850 : vector<128x20xf32>
    %min3A_868 = arith.minimumf %slice3A_832, %slice3A_850 : vector<128x20xf32>
    %select_n3A_869 = arith.select %le3A_867, %slice3A_833, %slice3A_851 : vector<128x20xi1>, vector<128x20xi32>
    %le3A_870 = arith.cmpf ole, %slice3A_834, %slice3A_848 : vector<128x20xf32>
    %min3A_871 = arith.minimumf %slice3A_834, %slice3A_848 : vector<128x20xf32>
    %select_n3A_872 = arith.select %le3A_870, %slice3A_835, %slice3A_849 : vector<128x20xi1>, vector<128x20xi32>
    %le3A_873 = arith.cmpf ole, %slice3A_836, %slice3A_846 : vector<128x20xf32>
    %min3A_874 = arith.minimumf %slice3A_836, %slice3A_846 : vector<128x20xf32>
    %select_n3A_875 = arith.select %le3A_873, %slice3A_837, %slice3A_847 : vector<128x20xi1>, vector<128x20xi32>
    %le3A_876 = arith.cmpf ole, %slice3A_838, %slice3A_844 : vector<128x20xf32>
    %min3A_877 = arith.minimumf %slice3A_838, %slice3A_844 : vector<128x20xf32>
    %select_n3A_878 = arith.select %le3A_876, %slice3A_839, %slice3A_845 : vector<128x20xi1>, vector<128x20xi32>
    %le3A_879 = arith.cmpf ole, %slice3A_840, %slice3A_842 : vector<128x20xf32>
    %min3A_880 = arith.minimumf %slice3A_840, %slice3A_842 : vector<128x20xf32>
    %select_n3A_881 = arith.select %le3A_879, %slice3A_841, %slice3A_843 : vector<128x20xi1>, vector<128x20xi32>
    %le3A_882 = arith.cmpf ole, %min3A_859, %min3A_871 : vector<128x20xf32>
    %min3A_883 = arith.minimumf %min3A_859, %min3A_871 : vector<128x20xf32>
    %select_n3A_884 = arith.select %le3A_882, %select_n3A_860, %select_n3A_872 : vector<128x20xi1>, vector<128x20xi32>
    %max3A_885 = arith.maximumf %min3A_859, %min3A_871 : vector<128x20xf32>
    %select_n3A_886 = arith.select %le3A_882, %select_n3A_872, %select_n3A_860 : vector<128x20xi1>, vector<128x20xi32>
    %le3A_887 = arith.cmpf ole, %min3A_862, %min3A_874 : vector<128x20xf32>
    %min3A_888 = arith.minimumf %min3A_862, %min3A_874 : vector<128x20xf32>
    %select_n3A_889 = arith.select %le3A_887, %select_n3A_863, %select_n3A_875 : vector<128x20xi1>, vector<128x20xi32>
    %max3A_890 = arith.maximumf %min3A_862, %min3A_874 : vector<128x20xf32>
    %select_n3A_891 = arith.select %le3A_887, %select_n3A_875, %select_n3A_863 : vector<128x20xi1>, vector<128x20xi32>
    %le3A_892 = arith.cmpf ole, %min3A_865, %min3A_877 : vector<128x20xf32>
    %min3A_893 = arith.minimumf %min3A_865, %min3A_877 : vector<128x20xf32>
    %select_n3A_894 = arith.select %le3A_892, %select_n3A_866, %select_n3A_878 : vector<128x20xi1>, vector<128x20xi32>
    %max3A_895 = arith.maximumf %min3A_865, %min3A_877 : vector<128x20xf32>
    %select_n3A_896 = arith.select %le3A_892, %select_n3A_878, %select_n3A_866 : vector<128x20xi1>, vector<128x20xi32>
    %le3A_897 = arith.cmpf ole, %min3A_868, %min3A_880 : vector<128x20xf32>
    %min3A_898 = arith.minimumf %min3A_868, %min3A_880 : vector<128x20xf32>
    %select_n3A_899 = arith.select %le3A_897, %select_n3A_869, %select_n3A_881 : vector<128x20xi1>, vector<128x20xi32>
    %max3A_900 = arith.maximumf %min3A_868, %min3A_880 : vector<128x20xf32>
    %select_n3A_901 = arith.select %le3A_897, %select_n3A_881, %select_n3A_869 : vector<128x20xi1>, vector<128x20xi32>
    %le3A_902 = arith.cmpf ole, %min3A_883, %min3A_893 : vector<128x20xf32>
    %min3A_903 = arith.minimumf %min3A_883, %min3A_893 : vector<128x20xf32>
    %select_n3A_904 = arith.select %le3A_902, %select_n3A_884, %select_n3A_894 : vector<128x20xi1>, vector<128x20xi32>
    %max3A_905 = arith.maximumf %min3A_883, %min3A_893 : vector<128x20xf32>
    %select_n3A_906 = arith.select %le3A_902, %select_n3A_894, %select_n3A_884 : vector<128x20xi1>, vector<128x20xi32>
    %le3A_907 = arith.cmpf ole, %min3A_888, %min3A_898 : vector<128x20xf32>
    %min3A_908 = arith.minimumf %min3A_888, %min3A_898 : vector<128x20xf32>
    %select_n3A_909 = arith.select %le3A_907, %select_n3A_889, %select_n3A_899 : vector<128x20xi1>, vector<128x20xi32>
    %max3A_910 = arith.maximumf %min3A_888, %min3A_898 : vector<128x20xf32>
    %select_n3A_911 = arith.select %le3A_907, %select_n3A_899, %select_n3A_889 : vector<128x20xi1>, vector<128x20xi32>
    %le3A_912 = arith.cmpf ole, %max3A_885, %max3A_895 : vector<128x20xf32>
    %min3A_913 = arith.minimumf %max3A_885, %max3A_895 : vector<128x20xf32>
    %select_n3A_914 = arith.select %le3A_912, %select_n3A_886, %select_n3A_896 : vector<128x20xi1>, vector<128x20xi32>
    %max3A_915 = arith.maximumf %max3A_885, %max3A_895 : vector<128x20xf32>
    %select_n3A_916 = arith.select %le3A_912, %select_n3A_896, %select_n3A_886 : vector<128x20xi1>, vector<128x20xi32>
    %le3A_917 = arith.cmpf ole, %max3A_890, %max3A_900 : vector<128x20xf32>
    %min3A_918 = arith.minimumf %max3A_890, %max3A_900 : vector<128x20xf32>
    %select_n3A_919 = arith.select %le3A_917, %select_n3A_891, %select_n3A_901 : vector<128x20xi1>, vector<128x20xi32>
    %max3A_920 = arith.maximumf %max3A_890, %max3A_900 : vector<128x20xf32>
    %select_n3A_921 = arith.select %le3A_917, %select_n3A_901, %select_n3A_891 : vector<128x20xi1>, vector<128x20xi32>
    %le3A_922 = arith.cmpf ole, %min3A_903, %min3A_908 : vector<128x20xf32>
    %min3A_923 = arith.minimumf %min3A_903, %min3A_908 : vector<128x20xf32>
    %select_n3A_924 = arith.select %le3A_922, %select_n3A_904, %select_n3A_909 : vector<128x20xi1>, vector<128x20xi32>
    %max3A_925 = arith.maximumf %min3A_903, %min3A_908 : vector<128x20xf32>
    %select_n3A_926 = arith.select %le3A_922, %select_n3A_909, %select_n3A_904 : vector<128x20xi1>, vector<128x20xi32>
    %le3A_927 = arith.cmpf ole, %max3A_905, %max3A_910 : vector<128x20xf32>
    %min3A_928 = arith.minimumf %max3A_905, %max3A_910 : vector<128x20xf32>
    %select_n3A_929 = arith.select %le3A_927, %select_n3A_906, %select_n3A_911 : vector<128x20xi1>, vector<128x20xi32>
    %max3A_930 = arith.maximumf %max3A_905, %max3A_910 : vector<128x20xf32>
    %select_n3A_931 = arith.select %le3A_927, %select_n3A_911, %select_n3A_906 : vector<128x20xi1>, vector<128x20xi32>
    %le3A_932 = arith.cmpf ole, %min3A_913, %min3A_918 : vector<128x20xf32>
    %min3A_933 = arith.minimumf %min3A_913, %min3A_918 : vector<128x20xf32>
    %select_n3A_934 = arith.select %le3A_932, %select_n3A_914, %select_n3A_919 : vector<128x20xi1>, vector<128x20xi32>
    %max3A_935 = arith.maximumf %min3A_913, %min3A_918 : vector<128x20xf32>
    %select_n3A_936 = arith.select %le3A_932, %select_n3A_919, %select_n3A_914 : vector<128x20xi1>, vector<128x20xi32>
    %le3A_937 = arith.cmpf ole, %max3A_915, %max3A_920 : vector<128x20xf32>
    %min3A_938 = arith.minimumf %max3A_915, %max3A_920 : vector<128x20xf32>
    %select_n3A_939 = arith.select %le3A_937, %select_n3A_916, %select_n3A_921 : vector<128x20xi1>, vector<128x20xi32>
    %max3A_940 = arith.maximumf %max3A_915, %max3A_920 : vector<128x20xf32>
    %select_n3A_941 = arith.select %le3A_937, %select_n3A_921, %select_n3A_916 : vector<128x20xi1>, vector<128x20xi32>
    %slice3A_942 = vector.extract_strided_slice %min3A_923 {offsets = [0, 0], sizes = [128, 10], strides = [1, 1]} : vector<128x20xf32> to vector<128x10xf32>
    %slice3A_943 = vector.extract_strided_slice %select_n3A_924 {offsets = [0, 0], sizes = [128, 10], strides = [1, 1]} : vector<128x20xi32> to vector<128x10xi32>
    %slice3A_944 = vector.extract_strided_slice %max3A_925 {offsets = [0, 0], sizes = [128, 10], strides = [1, 1]} : vector<128x20xf32> to vector<128x10xf32>
    %slice3A_945 = vector.extract_strided_slice %select_n3A_926 {offsets = [0, 0], sizes = [128, 10], strides = [1, 1]} : vector<128x20xi32> to vector<128x10xi32>
    %slice3A_946 = vector.extract_strided_slice %min3A_928 {offsets = [0, 0], sizes = [128, 10], strides = [1, 1]} : vector<128x20xf32> to vector<128x10xf32>
    %slice3A_947 = vector.extract_strided_slice %select_n3A_929 {offsets = [0, 0], sizes = [128, 10], strides = [1, 1]} : vector<128x20xi32> to vector<128x10xi32>
    %slice3A_948 = vector.extract_strided_slice %max3A_930 {offsets = [0, 0], sizes = [128, 10], strides = [1, 1]} : vector<128x20xf32> to vector<128x10xf32>
    %slice3A_949 = vector.extract_strided_slice %select_n3A_931 {offsets = [0, 0], sizes = [128, 10], strides = [1, 1]} : vector<128x20xi32> to vector<128x10xi32>
    %slice3A_950 = vector.extract_strided_slice %min3A_933 {offsets = [0, 0], sizes = [128, 10], strides = [1, 1]} : vector<128x20xf32> to vector<128x10xf32>
    %slice3A_951 = vector.extract_strided_slice %select_n3A_934 {offsets = [0, 0], sizes = [128, 10], strides = [1, 1]} : vector<128x20xi32> to vector<128x10xi32>
    %slice3A_952 = vector.extract_strided_slice %max3A_935 {offsets = [0, 0], sizes = [128, 10], strides = [1, 1]} : vector<128x20xf32> to vector<128x10xf32>
    %slice3A_953 = vector.extract_strided_slice %select_n3A_936 {offsets = [0, 0], sizes = [128, 10], strides = [1, 1]} : vector<128x20xi32> to vector<128x10xi32>
    %slice3A_954 = vector.extract_strided_slice %min3A_938 {offsets = [0, 0], sizes = [128, 10], strides = [1, 1]} : vector<128x20xf32> to vector<128x10xf32>
    %slice3A_955 = vector.extract_strided_slice %select_n3A_939 {offsets = [0, 0], sizes = [128, 10], strides = [1, 1]} : vector<128x20xi32> to vector<128x10xi32>
    %slice3A_956 = vector.extract_strided_slice %max3A_940 {offsets = [0, 0], sizes = [128, 10], strides = [1, 1]} : vector<128x20xf32> to vector<128x10xf32>
    %slice3A_957 = vector.extract_strided_slice %select_n3A_941 {offsets = [0, 0], sizes = [128, 10], strides = [1, 1]} : vector<128x20xi32> to vector<128x10xi32>
    %slice3A_958 = vector.extract_strided_slice %min3A_923 {offsets = [0, 10], sizes = [128, 10], strides = [1, 1]} : vector<128x20xf32> to vector<128x10xf32>
    %slice3A_959 = vector.extract_strided_slice %select_n3A_924 {offsets = [0, 10], sizes = [128, 10], strides = [1, 1]} : vector<128x20xi32> to vector<128x10xi32>
    %slice3A_960 = vector.extract_strided_slice %max3A_925 {offsets = [0, 10], sizes = [128, 10], strides = [1, 1]} : vector<128x20xf32> to vector<128x10xf32>
    %slice3A_961 = vector.extract_strided_slice %select_n3A_926 {offsets = [0, 10], sizes = [128, 10], strides = [1, 1]} : vector<128x20xi32> to vector<128x10xi32>
    %slice3A_962 = vector.extract_strided_slice %min3A_928 {offsets = [0, 10], sizes = [128, 10], strides = [1, 1]} : vector<128x20xf32> to vector<128x10xf32>
    %slice3A_963 = vector.extract_strided_slice %select_n3A_929 {offsets = [0, 10], sizes = [128, 10], strides = [1, 1]} : vector<128x20xi32> to vector<128x10xi32>
    %slice3A_964 = vector.extract_strided_slice %max3A_930 {offsets = [0, 10], sizes = [128, 10], strides = [1, 1]} : vector<128x20xf32> to vector<128x10xf32>
    %slice3A_965 = vector.extract_strided_slice %select_n3A_931 {offsets = [0, 10], sizes = [128, 10], strides = [1, 1]} : vector<128x20xi32> to vector<128x10xi32>
    %slice3A_966 = vector.extract_strided_slice %min3A_933 {offsets = [0, 10], sizes = [128, 10], strides = [1, 1]} : vector<128x20xf32> to vector<128x10xf32>
    %slice3A_967 = vector.extract_strided_slice %select_n3A_934 {offsets = [0, 10], sizes = [128, 10], strides = [1, 1]} : vector<128x20xi32> to vector<128x10xi32>
    %slice3A_968 = vector.extract_strided_slice %max3A_935 {offsets = [0, 10], sizes = [128, 10], strides = [1, 1]} : vector<128x20xf32> to vector<128x10xf32>
    %slice3A_969 = vector.extract_strided_slice %select_n3A_936 {offsets = [0, 10], sizes = [128, 10], strides = [1, 1]} : vector<128x20xi32> to vector<128x10xi32>
    %slice3A_970 = vector.extract_strided_slice %min3A_938 {offsets = [0, 10], sizes = [128, 10], strides = [1, 1]} : vector<128x20xf32> to vector<128x10xf32>
    %slice3A_971 = vector.extract_strided_slice %select_n3A_939 {offsets = [0, 10], sizes = [128, 10], strides = [1, 1]} : vector<128x20xi32> to vector<128x10xi32>
    %slice3A_972 = vector.extract_strided_slice %max3A_940 {offsets = [0, 10], sizes = [128, 10], strides = [1, 1]} : vector<128x20xf32> to vector<128x10xf32>
    %slice3A_973 = vector.extract_strided_slice %select_n3A_941 {offsets = [0, 10], sizes = [128, 10], strides = [1, 1]} : vector<128x20xi32> to vector<128x10xi32>
    %le3A_974 = arith.cmpf ole, %slice3A_942, %slice3A_972 : vector<128x10xf32>
    %min3A_975 = arith.minimumf %slice3A_942, %slice3A_972 : vector<128x10xf32>
    %select_n3A_976 = arith.select %le3A_974, %slice3A_943, %slice3A_973 : vector<128x10xi1>, vector<128x10xi32>
    %le3A_977 = arith.cmpf ole, %slice3A_944, %slice3A_970 : vector<128x10xf32>
    %min3A_978 = arith.minimumf %slice3A_944, %slice3A_970 : vector<128x10xf32>
    %select_n3A_979 = arith.select %le3A_977, %slice3A_945, %slice3A_971 : vector<128x10xi1>, vector<128x10xi32>
    %le3A_980 = arith.cmpf ole, %slice3A_946, %slice3A_968 : vector<128x10xf32>
    %min3A_981 = arith.minimumf %slice3A_946, %slice3A_968 : vector<128x10xf32>
    %select_n3A_982 = arith.select %le3A_980, %slice3A_947, %slice3A_969 : vector<128x10xi1>, vector<128x10xi32>
    %le3A_983 = arith.cmpf ole, %slice3A_948, %slice3A_966 : vector<128x10xf32>
    %min3A_984 = arith.minimumf %slice3A_948, %slice3A_966 : vector<128x10xf32>
    %select_n3A_985 = arith.select %le3A_983, %slice3A_949, %slice3A_967 : vector<128x10xi1>, vector<128x10xi32>
    %le3A_986 = arith.cmpf ole, %slice3A_950, %slice3A_964 : vector<128x10xf32>
    %min3A_987 = arith.minimumf %slice3A_950, %slice3A_964 : vector<128x10xf32>
    %select_n3A_988 = arith.select %le3A_986, %slice3A_951, %slice3A_965 : vector<128x10xi1>, vector<128x10xi32>
    %le3A_989 = arith.cmpf ole, %slice3A_952, %slice3A_962 : vector<128x10xf32>
    %min3A_990 = arith.minimumf %slice3A_952, %slice3A_962 : vector<128x10xf32>
    %select_n3A_991 = arith.select %le3A_989, %slice3A_953, %slice3A_963 : vector<128x10xi1>, vector<128x10xi32>
    %le3A_992 = arith.cmpf ole, %slice3A_954, %slice3A_960 : vector<128x10xf32>
    %min3A_993 = arith.minimumf %slice3A_954, %slice3A_960 : vector<128x10xf32>
    %select_n3A_994 = arith.select %le3A_992, %slice3A_955, %slice3A_961 : vector<128x10xi1>, vector<128x10xi32>
    %le3A_995 = arith.cmpf ole, %slice3A_956, %slice3A_958 : vector<128x10xf32>
    %min3A_996 = arith.minimumf %slice3A_956, %slice3A_958 : vector<128x10xf32>
    %select_n3A_997 = arith.select %le3A_995, %slice3A_957, %slice3A_959 : vector<128x10xi1>, vector<128x10xi32>
    %le3A_998 = arith.cmpf ole, %min3A_975, %min3A_987 : vector<128x10xf32>
    %min3A_999 = arith.minimumf %min3A_975, %min3A_987 : vector<128x10xf32>
    %select_n3A_1000 = arith.select %le3A_998, %select_n3A_976, %select_n3A_988 : vector<128x10xi1>, vector<128x10xi32>
    %max3A_1001 = arith.maximumf %min3A_975, %min3A_987 : vector<128x10xf32>
    %select_n3A_1002 = arith.select %le3A_998, %select_n3A_988, %select_n3A_976 : vector<128x10xi1>, vector<128x10xi32>
    %le3A_1003 = arith.cmpf ole, %min3A_978, %min3A_990 : vector<128x10xf32>
    %min3A_1004 = arith.minimumf %min3A_978, %min3A_990 : vector<128x10xf32>
    %select_n3A_1005 = arith.select %le3A_1003, %select_n3A_979, %select_n3A_991 : vector<128x10xi1>, vector<128x10xi32>
    %max3A_1006 = arith.maximumf %min3A_978, %min3A_990 : vector<128x10xf32>
    %select_n3A_1007 = arith.select %le3A_1003, %select_n3A_991, %select_n3A_979 : vector<128x10xi1>, vector<128x10xi32>
    %le3A_1008 = arith.cmpf ole, %min3A_981, %min3A_993 : vector<128x10xf32>
    %min3A_1009 = arith.minimumf %min3A_981, %min3A_993 : vector<128x10xf32>
    %select_n3A_1010 = arith.select %le3A_1008, %select_n3A_982, %select_n3A_994 : vector<128x10xi1>, vector<128x10xi32>
    %max3A_1011 = arith.maximumf %min3A_981, %min3A_993 : vector<128x10xf32>
    %select_n3A_1012 = arith.select %le3A_1008, %select_n3A_994, %select_n3A_982 : vector<128x10xi1>, vector<128x10xi32>
    %le3A_1013 = arith.cmpf ole, %min3A_984, %min3A_996 : vector<128x10xf32>
    %min3A_1014 = arith.minimumf %min3A_984, %min3A_996 : vector<128x10xf32>
    %select_n3A_1015 = arith.select %le3A_1013, %select_n3A_985, %select_n3A_997 : vector<128x10xi1>, vector<128x10xi32>
    %max3A_1016 = arith.maximumf %min3A_984, %min3A_996 : vector<128x10xf32>
    %select_n3A_1017 = arith.select %le3A_1013, %select_n3A_997, %select_n3A_985 : vector<128x10xi1>, vector<128x10xi32>
    %le3A_1018 = arith.cmpf ole, %min3A_999, %min3A_1009 : vector<128x10xf32>
    %min3A_1019 = arith.minimumf %min3A_999, %min3A_1009 : vector<128x10xf32>
    %select_n3A_1020 = arith.select %le3A_1018, %select_n3A_1000, %select_n3A_1010 : vector<128x10xi1>, vector<128x10xi32>
    %max3A_1021 = arith.maximumf %min3A_999, %min3A_1009 : vector<128x10xf32>
    %select_n3A_1022 = arith.select %le3A_1018, %select_n3A_1010, %select_n3A_1000 : vector<128x10xi1>, vector<128x10xi32>
    %le3A_1023 = arith.cmpf ole, %min3A_1004, %min3A_1014 : vector<128x10xf32>
    %min3A_1024 = arith.minimumf %min3A_1004, %min3A_1014 : vector<128x10xf32>
    %select_n3A_1025 = arith.select %le3A_1023, %select_n3A_1005, %select_n3A_1015 : vector<128x10xi1>, vector<128x10xi32>
    %max3A_1026 = arith.maximumf %min3A_1004, %min3A_1014 : vector<128x10xf32>
    %select_n3A_1027 = arith.select %le3A_1023, %select_n3A_1015, %select_n3A_1005 : vector<128x10xi1>, vector<128x10xi32>
    %le3A_1028 = arith.cmpf ole, %max3A_1001, %max3A_1011 : vector<128x10xf32>
    %min3A_1029 = arith.minimumf %max3A_1001, %max3A_1011 : vector<128x10xf32>
    %select_n3A_1030 = arith.select %le3A_1028, %select_n3A_1002, %select_n3A_1012 : vector<128x10xi1>, vector<128x10xi32>
    %max3A_1031 = arith.maximumf %max3A_1001, %max3A_1011 : vector<128x10xf32>
    %select_n3A_1032 = arith.select %le3A_1028, %select_n3A_1012, %select_n3A_1002 : vector<128x10xi1>, vector<128x10xi32>
    %le3A_1033 = arith.cmpf ole, %max3A_1006, %max3A_1016 : vector<128x10xf32>
    %min3A_1034 = arith.minimumf %max3A_1006, %max3A_1016 : vector<128x10xf32>
    %select_n3A_1035 = arith.select %le3A_1033, %select_n3A_1007, %select_n3A_1017 : vector<128x10xi1>, vector<128x10xi32>
    %max3A_1036 = arith.maximumf %max3A_1006, %max3A_1016 : vector<128x10xf32>
    %select_n3A_1037 = arith.select %le3A_1033, %select_n3A_1017, %select_n3A_1007 : vector<128x10xi1>, vector<128x10xi32>
    %le3A_1038 = arith.cmpf ole, %min3A_1019, %min3A_1024 : vector<128x10xf32>
    %min3A_1039 = arith.minimumf %min3A_1019, %min3A_1024 : vector<128x10xf32>
    %select_n3A_1040 = arith.select %le3A_1038, %select_n3A_1020, %select_n3A_1025 : vector<128x10xi1>, vector<128x10xi32>
    %max3A_1041 = arith.maximumf %min3A_1019, %min3A_1024 : vector<128x10xf32>
    %select_n3A_1042 = arith.select %le3A_1038, %select_n3A_1025, %select_n3A_1020 : vector<128x10xi1>, vector<128x10xi32>
    %le3A_1043 = arith.cmpf ole, %max3A_1021, %max3A_1026 : vector<128x10xf32>
    %min3A_1044 = arith.minimumf %max3A_1021, %max3A_1026 : vector<128x10xf32>
    %select_n3A_1045 = arith.select %le3A_1043, %select_n3A_1022, %select_n3A_1027 : vector<128x10xi1>, vector<128x10xi32>
    %max3A_1046 = arith.maximumf %max3A_1021, %max3A_1026 : vector<128x10xf32>
    %select_n3A_1047 = arith.select %le3A_1043, %select_n3A_1027, %select_n3A_1022 : vector<128x10xi1>, vector<128x10xi32>
    %le3A_1048 = arith.cmpf ole, %min3A_1029, %min3A_1034 : vector<128x10xf32>
    %min3A_1049 = arith.minimumf %min3A_1029, %min3A_1034 : vector<128x10xf32>
    %select_n3A_1050 = arith.select %le3A_1048, %select_n3A_1030, %select_n3A_1035 : vector<128x10xi1>, vector<128x10xi32>
    %max3A_1051 = arith.maximumf %min3A_1029, %min3A_1034 : vector<128x10xf32>
    %select_n3A_1052 = arith.select %le3A_1048, %select_n3A_1035, %select_n3A_1030 : vector<128x10xi1>, vector<128x10xi32>
    %le3A_1053 = arith.cmpf ole, %max3A_1031, %max3A_1036 : vector<128x10xf32>
    %min3A_1054 = arith.minimumf %max3A_1031, %max3A_1036 : vector<128x10xf32>
    %select_n3A_1055 = arith.select %le3A_1053, %select_n3A_1032, %select_n3A_1037 : vector<128x10xi1>, vector<128x10xi32>
    %max3A_1056 = arith.maximumf %max3A_1031, %max3A_1036 : vector<128x10xf32>
    %select_n3A_1057 = arith.select %le3A_1053, %select_n3A_1037, %select_n3A_1032 : vector<128x10xi1>, vector<128x10xi32>
    %slice3A_1058 = vector.extract_strided_slice %min3A_1039 {offsets = [0, 0], sizes = [128, 5], strides = [1, 1]} : vector<128x10xf32> to vector<128x5xf32>
    %slice3A_1059 = vector.extract_strided_slice %select_n3A_1040 {offsets = [0, 0], sizes = [128, 5], strides = [1, 1]} : vector<128x10xi32> to vector<128x5xi32>
    %slice3A_1060 = vector.extract_strided_slice %max3A_1041 {offsets = [0, 0], sizes = [128, 5], strides = [1, 1]} : vector<128x10xf32> to vector<128x5xf32>
    %slice3A_1061 = vector.extract_strided_slice %select_n3A_1042 {offsets = [0, 0], sizes = [128, 5], strides = [1, 1]} : vector<128x10xi32> to vector<128x5xi32>
    %slice3A_1062 = vector.extract_strided_slice %min3A_1044 {offsets = [0, 0], sizes = [128, 5], strides = [1, 1]} : vector<128x10xf32> to vector<128x5xf32>
    %slice3A_1063 = vector.extract_strided_slice %select_n3A_1045 {offsets = [0, 0], sizes = [128, 5], strides = [1, 1]} : vector<128x10xi32> to vector<128x5xi32>
    %slice3A_1064 = vector.extract_strided_slice %max3A_1046 {offsets = [0, 0], sizes = [128, 5], strides = [1, 1]} : vector<128x10xf32> to vector<128x5xf32>
    %slice3A_1065 = vector.extract_strided_slice %select_n3A_1047 {offsets = [0, 0], sizes = [128, 5], strides = [1, 1]} : vector<128x10xi32> to vector<128x5xi32>
    %slice3A_1066 = vector.extract_strided_slice %min3A_1049 {offsets = [0, 0], sizes = [128, 5], strides = [1, 1]} : vector<128x10xf32> to vector<128x5xf32>
    %slice3A_1067 = vector.extract_strided_slice %select_n3A_1050 {offsets = [0, 0], sizes = [128, 5], strides = [1, 1]} : vector<128x10xi32> to vector<128x5xi32>
    %slice3A_1068 = vector.extract_strided_slice %max3A_1051 {offsets = [0, 0], sizes = [128, 5], strides = [1, 1]} : vector<128x10xf32> to vector<128x5xf32>
    %slice3A_1069 = vector.extract_strided_slice %select_n3A_1052 {offsets = [0, 0], sizes = [128, 5], strides = [1, 1]} : vector<128x10xi32> to vector<128x5xi32>
    %slice3A_1070 = vector.extract_strided_slice %min3A_1054 {offsets = [0, 0], sizes = [128, 5], strides = [1, 1]} : vector<128x10xf32> to vector<128x5xf32>
    %slice3A_1071 = vector.extract_strided_slice %select_n3A_1055 {offsets = [0, 0], sizes = [128, 5], strides = [1, 1]} : vector<128x10xi32> to vector<128x5xi32>
    %slice3A_1072 = vector.extract_strided_slice %max3A_1056 {offsets = [0, 0], sizes = [128, 5], strides = [1, 1]} : vector<128x10xf32> to vector<128x5xf32>
    %slice3A_1073 = vector.extract_strided_slice %select_n3A_1057 {offsets = [0, 0], sizes = [128, 5], strides = [1, 1]} : vector<128x10xi32> to vector<128x5xi32>
    %slice3A_1074 = vector.extract_strided_slice %min3A_1039 {offsets = [0, 5], sizes = [128, 5], strides = [1, 1]} : vector<128x10xf32> to vector<128x5xf32>
    %slice3A_1075 = vector.extract_strided_slice %select_n3A_1040 {offsets = [0, 5], sizes = [128, 5], strides = [1, 1]} : vector<128x10xi32> to vector<128x5xi32>
    %slice3A_1076 = vector.extract_strided_slice %max3A_1041 {offsets = [0, 5], sizes = [128, 5], strides = [1, 1]} : vector<128x10xf32> to vector<128x5xf32>
    %slice3A_1077 = vector.extract_strided_slice %select_n3A_1042 {offsets = [0, 5], sizes = [128, 5], strides = [1, 1]} : vector<128x10xi32> to vector<128x5xi32>
    %slice3A_1078 = vector.extract_strided_slice %min3A_1044 {offsets = [0, 5], sizes = [128, 5], strides = [1, 1]} : vector<128x10xf32> to vector<128x5xf32>
    %slice3A_1079 = vector.extract_strided_slice %select_n3A_1045 {offsets = [0, 5], sizes = [128, 5], strides = [1, 1]} : vector<128x10xi32> to vector<128x5xi32>
    %slice3A_1080 = vector.extract_strided_slice %max3A_1046 {offsets = [0, 5], sizes = [128, 5], strides = [1, 1]} : vector<128x10xf32> to vector<128x5xf32>
    %slice3A_1081 = vector.extract_strided_slice %select_n3A_1047 {offsets = [0, 5], sizes = [128, 5], strides = [1, 1]} : vector<128x10xi32> to vector<128x5xi32>
    %slice3A_1082 = vector.extract_strided_slice %min3A_1049 {offsets = [0, 5], sizes = [128, 5], strides = [1, 1]} : vector<128x10xf32> to vector<128x5xf32>
    %slice3A_1083 = vector.extract_strided_slice %select_n3A_1050 {offsets = [0, 5], sizes = [128, 5], strides = [1, 1]} : vector<128x10xi32> to vector<128x5xi32>
    %slice3A_1084 = vector.extract_strided_slice %max3A_1051 {offsets = [0, 5], sizes = [128, 5], strides = [1, 1]} : vector<128x10xf32> to vector<128x5xf32>
    %slice3A_1085 = vector.extract_strided_slice %select_n3A_1052 {offsets = [0, 5], sizes = [128, 5], strides = [1, 1]} : vector<128x10xi32> to vector<128x5xi32>
    %slice3A_1086 = vector.extract_strided_slice %min3A_1054 {offsets = [0, 5], sizes = [128, 5], strides = [1, 1]} : vector<128x10xf32> to vector<128x5xf32>
    %slice3A_1087 = vector.extract_strided_slice %select_n3A_1055 {offsets = [0, 5], sizes = [128, 5], strides = [1, 1]} : vector<128x10xi32> to vector<128x5xi32>
    %slice3A_1088 = vector.extract_strided_slice %max3A_1056 {offsets = [0, 5], sizes = [128, 5], strides = [1, 1]} : vector<128x10xf32> to vector<128x5xf32>
    %slice3A_1089 = vector.extract_strided_slice %select_n3A_1057 {offsets = [0, 5], sizes = [128, 5], strides = [1, 1]} : vector<128x10xi32> to vector<128x5xi32>
    %le3A_1090 = arith.cmpf ole, %slice3A_1058, %slice3A_1088 : vector<128x5xf32>
    %min3A_1091 = arith.minimumf %slice3A_1058, %slice3A_1088 : vector<128x5xf32>
    %select_n3A_1092 = arith.select %le3A_1090, %slice3A_1059, %slice3A_1089 : vector<128x5xi1>, vector<128x5xi32>
    %le3A_1093 = arith.cmpf ole, %slice3A_1060, %slice3A_1086 : vector<128x5xf32>
    %min3A_1094 = arith.minimumf %slice3A_1060, %slice3A_1086 : vector<128x5xf32>
    %select_n3A_1095 = arith.select %le3A_1093, %slice3A_1061, %slice3A_1087 : vector<128x5xi1>, vector<128x5xi32>
    %le3A_1096 = arith.cmpf ole, %slice3A_1062, %slice3A_1084 : vector<128x5xf32>
    %min3A_1097 = arith.minimumf %slice3A_1062, %slice3A_1084 : vector<128x5xf32>
    %select_n3A_1098 = arith.select %le3A_1096, %slice3A_1063, %slice3A_1085 : vector<128x5xi1>, vector<128x5xi32>
    %le3A_1099 = arith.cmpf ole, %slice3A_1064, %slice3A_1082 : vector<128x5xf32>
    %min3A_1100 = arith.minimumf %slice3A_1064, %slice3A_1082 : vector<128x5xf32>
    %select_n3A_1101 = arith.select %le3A_1099, %slice3A_1065, %slice3A_1083 : vector<128x5xi1>, vector<128x5xi32>
    %le3A_1102 = arith.cmpf ole, %slice3A_1066, %slice3A_1080 : vector<128x5xf32>
    %min3A_1103 = arith.minimumf %slice3A_1066, %slice3A_1080 : vector<128x5xf32>
    %select_n3A_1104 = arith.select %le3A_1102, %slice3A_1067, %slice3A_1081 : vector<128x5xi1>, vector<128x5xi32>
    %le3A_1105 = arith.cmpf ole, %slice3A_1068, %slice3A_1078 : vector<128x5xf32>
    %min3A_1106 = arith.minimumf %slice3A_1068, %slice3A_1078 : vector<128x5xf32>
    %select_n3A_1107 = arith.select %le3A_1105, %slice3A_1069, %slice3A_1079 : vector<128x5xi1>, vector<128x5xi32>
    %le3A_1108 = arith.cmpf ole, %slice3A_1070, %slice3A_1076 : vector<128x5xf32>
    %min3A_1109 = arith.minimumf %slice3A_1070, %slice3A_1076 : vector<128x5xf32>
    %select_n3A_1110 = arith.select %le3A_1108, %slice3A_1071, %slice3A_1077 : vector<128x5xi1>, vector<128x5xi32>
    %le3A_1111 = arith.cmpf ole, %slice3A_1072, %slice3A_1074 : vector<128x5xf32>
    %min3A_1112 = arith.minimumf %slice3A_1072, %slice3A_1074 : vector<128x5xf32>
    %select_n3A_1113 = arith.select %le3A_1111, %slice3A_1073, %slice3A_1075 : vector<128x5xi1>, vector<128x5xi32>
    %le3A_1114 = arith.cmpf ole, %min3A_1091, %min3A_1103 : vector<128x5xf32>
    %min3A_1115 = arith.minimumf %min3A_1091, %min3A_1103 : vector<128x5xf32>
    %select_n3A_1116 = arith.select %le3A_1114, %select_n3A_1092, %select_n3A_1104 : vector<128x5xi1>, vector<128x5xi32>
    %max3A_1117 = arith.maximumf %min3A_1091, %min3A_1103 : vector<128x5xf32>
    %select_n3A_1118 = arith.select %le3A_1114, %select_n3A_1104, %select_n3A_1092 : vector<128x5xi1>, vector<128x5xi32>
    %le3A_1119 = arith.cmpf ole, %min3A_1094, %min3A_1106 : vector<128x5xf32>
    %min3A_1120 = arith.minimumf %min3A_1094, %min3A_1106 : vector<128x5xf32>
    %select_n3A_1121 = arith.select %le3A_1119, %select_n3A_1095, %select_n3A_1107 : vector<128x5xi1>, vector<128x5xi32>
    %max3A_1122 = arith.maximumf %min3A_1094, %min3A_1106 : vector<128x5xf32>
    %select_n3A_1123 = arith.select %le3A_1119, %select_n3A_1107, %select_n3A_1095 : vector<128x5xi1>, vector<128x5xi32>
    %le3A_1124 = arith.cmpf ole, %min3A_1097, %min3A_1109 : vector<128x5xf32>
    %min3A_1125 = arith.minimumf %min3A_1097, %min3A_1109 : vector<128x5xf32>
    %select_n3A_1126 = arith.select %le3A_1124, %select_n3A_1098, %select_n3A_1110 : vector<128x5xi1>, vector<128x5xi32>
    %max3A_1127 = arith.maximumf %min3A_1097, %min3A_1109 : vector<128x5xf32>
    %select_n3A_1128 = arith.select %le3A_1124, %select_n3A_1110, %select_n3A_1098 : vector<128x5xi1>, vector<128x5xi32>
    %le3A_1129 = arith.cmpf ole, %min3A_1100, %min3A_1112 : vector<128x5xf32>
    %min3A_1130 = arith.minimumf %min3A_1100, %min3A_1112 : vector<128x5xf32>
    %select_n3A_1131 = arith.select %le3A_1129, %select_n3A_1101, %select_n3A_1113 : vector<128x5xi1>, vector<128x5xi32>
    %max3A_1132 = arith.maximumf %min3A_1100, %min3A_1112 : vector<128x5xf32>
    %select_n3A_1133 = arith.select %le3A_1129, %select_n3A_1113, %select_n3A_1101 : vector<128x5xi1>, vector<128x5xi32>
    %le3A_1134 = arith.cmpf ole, %min3A_1115, %min3A_1125 : vector<128x5xf32>
    %min3A_1135 = arith.minimumf %min3A_1115, %min3A_1125 : vector<128x5xf32>
    %select_n3A_1136 = arith.select %le3A_1134, %select_n3A_1116, %select_n3A_1126 : vector<128x5xi1>, vector<128x5xi32>
    %max3A_1137 = arith.maximumf %min3A_1115, %min3A_1125 : vector<128x5xf32>
    %select_n3A_1138 = arith.select %le3A_1134, %select_n3A_1126, %select_n3A_1116 : vector<128x5xi1>, vector<128x5xi32>
    %le3A_1139 = arith.cmpf ole, %min3A_1120, %min3A_1130 : vector<128x5xf32>
    %min3A_1140 = arith.minimumf %min3A_1120, %min3A_1130 : vector<128x5xf32>
    %select_n3A_1141 = arith.select %le3A_1139, %select_n3A_1121, %select_n3A_1131 : vector<128x5xi1>, vector<128x5xi32>
    %max3A_1142 = arith.maximumf %min3A_1120, %min3A_1130 : vector<128x5xf32>
    %select_n3A_1143 = arith.select %le3A_1139, %select_n3A_1131, %select_n3A_1121 : vector<128x5xi1>, vector<128x5xi32>
    %le3A_1144 = arith.cmpf ole, %max3A_1117, %max3A_1127 : vector<128x5xf32>
    %min3A_1145 = arith.minimumf %max3A_1117, %max3A_1127 : vector<128x5xf32>
    %select_n3A_1146 = arith.select %le3A_1144, %select_n3A_1118, %select_n3A_1128 : vector<128x5xi1>, vector<128x5xi32>
    %max3A_1147 = arith.maximumf %max3A_1117, %max3A_1127 : vector<128x5xf32>
    %select_n3A_1148 = arith.select %le3A_1144, %select_n3A_1128, %select_n3A_1118 : vector<128x5xi1>, vector<128x5xi32>
    %le3A_1149 = arith.cmpf ole, %max3A_1122, %max3A_1132 : vector<128x5xf32>
    %min3A_1150 = arith.minimumf %max3A_1122, %max3A_1132 : vector<128x5xf32>
    %select_n3A_1151 = arith.select %le3A_1149, %select_n3A_1123, %select_n3A_1133 : vector<128x5xi1>, vector<128x5xi32>
    %max3A_1152 = arith.maximumf %max3A_1122, %max3A_1132 : vector<128x5xf32>
    %select_n3A_1153 = arith.select %le3A_1149, %select_n3A_1133, %select_n3A_1123 : vector<128x5xi1>, vector<128x5xi32>
    %le3A_1154 = arith.cmpf ole, %min3A_1135, %min3A_1140 : vector<128x5xf32>
    %min3A_1155 = arith.minimumf %min3A_1135, %min3A_1140 : vector<128x5xf32>
    %select_n3A_1156 = arith.select %le3A_1154, %select_n3A_1136, %select_n3A_1141 : vector<128x5xi1>, vector<128x5xi32>
    %max3A_1157 = arith.maximumf %min3A_1135, %min3A_1140 : vector<128x5xf32>
    %select_n3A_1158 = arith.select %le3A_1154, %select_n3A_1141, %select_n3A_1136 : vector<128x5xi1>, vector<128x5xi32>
    %le3A_1159 = arith.cmpf ole, %max3A_1137, %max3A_1142 : vector<128x5xf32>
    %min3A_1160 = arith.minimumf %max3A_1137, %max3A_1142 : vector<128x5xf32>
    %select_n3A_1161 = arith.select %le3A_1159, %select_n3A_1138, %select_n3A_1143 : vector<128x5xi1>, vector<128x5xi32>
    %max3A_1162 = arith.maximumf %max3A_1137, %max3A_1142 : vector<128x5xf32>
    %select_n3A_1163 = arith.select %le3A_1159, %select_n3A_1143, %select_n3A_1138 : vector<128x5xi1>, vector<128x5xi32>
    %le3A_1164 = arith.cmpf ole, %min3A_1145, %min3A_1150 : vector<128x5xf32>
    %min3A_1165 = arith.minimumf %min3A_1145, %min3A_1150 : vector<128x5xf32>
    %select_n3A_1166 = arith.select %le3A_1164, %select_n3A_1146, %select_n3A_1151 : vector<128x5xi1>, vector<128x5xi32>
    %max3A_1167 = arith.maximumf %min3A_1145, %min3A_1150 : vector<128x5xf32>
    %select_n3A_1168 = arith.select %le3A_1164, %select_n3A_1151, %select_n3A_1146 : vector<128x5xi1>, vector<128x5xi32>
    %le3A_1169 = arith.cmpf ole, %max3A_1147, %max3A_1152 : vector<128x5xf32>
    %min3A_1170 = arith.minimumf %max3A_1147, %max3A_1152 : vector<128x5xf32>
    %select_n3A_1171 = arith.select %le3A_1169, %select_n3A_1148, %select_n3A_1153 : vector<128x5xi1>, vector<128x5xi32>
    %max3A_1172 = arith.maximumf %max3A_1147, %max3A_1152 : vector<128x5xf32>
    %select_n3A_1173 = arith.select %le3A_1169, %select_n3A_1153, %select_n3A_1148 : vector<128x5xi1>, vector<128x5xi32>
    %slice3A_1174 = vector.extract_strided_slice %min3A_1155 {offsets = [0, 4], sizes = [128, 1], strides = [1, 1]} : vector<128x5xf32> to vector<128x1xf32>
    %slice3A_1175 = vector.extract_strided_slice %select_n3A_1156 {offsets = [0, 4], sizes = [128, 1], strides = [1, 1]} : vector<128x5xi32> to vector<128x1xi32>
    %slice3A_1176 = vector.extract_strided_slice %max3A_1157 {offsets = [0, 4], sizes = [128, 1], strides = [1, 1]} : vector<128x5xf32> to vector<128x1xf32>
    %slice3A_1177 = vector.extract_strided_slice %select_n3A_1158 {offsets = [0, 4], sizes = [128, 1], strides = [1, 1]} : vector<128x5xi32> to vector<128x1xi32>
    %slice3A_1178 = vector.extract_strided_slice %min3A_1160 {offsets = [0, 4], sizes = [128, 1], strides = [1, 1]} : vector<128x5xf32> to vector<128x1xf32>
    %slice3A_1179 = vector.extract_strided_slice %select_n3A_1161 {offsets = [0, 4], sizes = [128, 1], strides = [1, 1]} : vector<128x5xi32> to vector<128x1xi32>
    %slice3A_1180 = vector.extract_strided_slice %max3A_1162 {offsets = [0, 4], sizes = [128, 1], strides = [1, 1]} : vector<128x5xf32> to vector<128x1xf32>
    %slice3A_1181 = vector.extract_strided_slice %select_n3A_1163 {offsets = [0, 4], sizes = [128, 1], strides = [1, 1]} : vector<128x5xi32> to vector<128x1xi32>
    %slice3A_1182 = vector.extract_strided_slice %min3A_1165 {offsets = [0, 4], sizes = [128, 1], strides = [1, 1]} : vector<128x5xf32> to vector<128x1xf32>
    %slice3A_1183 = vector.extract_strided_slice %select_n3A_1166 {offsets = [0, 4], sizes = [128, 1], strides = [1, 1]} : vector<128x5xi32> to vector<128x1xi32>
    %slice3A_1184 = vector.extract_strided_slice %max3A_1167 {offsets = [0, 4], sizes = [128, 1], strides = [1, 1]} : vector<128x5xf32> to vector<128x1xf32>
    %slice3A_1185 = vector.extract_strided_slice %select_n3A_1168 {offsets = [0, 4], sizes = [128, 1], strides = [1, 1]} : vector<128x5xi32> to vector<128x1xi32>
    %slice3A_1186 = vector.extract_strided_slice %min3A_1170 {offsets = [0, 4], sizes = [128, 1], strides = [1, 1]} : vector<128x5xf32> to vector<128x1xf32>
    %slice3A_1187 = vector.extract_strided_slice %select_n3A_1171 {offsets = [0, 4], sizes = [128, 1], strides = [1, 1]} : vector<128x5xi32> to vector<128x1xi32>
    %slice3A_1188 = vector.extract_strided_slice %max3A_1172 {offsets = [0, 4], sizes = [128, 1], strides = [1, 1]} : vector<128x5xf32> to vector<128x1xf32>
    %slice3A_1189 = vector.extract_strided_slice %select_n3A_1173 {offsets = [0, 4], sizes = [128, 1], strides = [1, 1]} : vector<128x5xi32> to vector<128x1xi32>
    %slice3A_1190 = vector.extract_strided_slice %min3A_1155 {offsets = [0, 0], sizes = [128, 2], strides = [1, 1]} : vector<128x5xf32> to vector<128x2xf32>
    %slice3A_1191 = vector.extract_strided_slice %select_n3A_1156 {offsets = [0, 0], sizes = [128, 2], strides = [1, 1]} : vector<128x5xi32> to vector<128x2xi32>
    %slice3A_1192 = vector.extract_strided_slice %max3A_1157 {offsets = [0, 0], sizes = [128, 2], strides = [1, 1]} : vector<128x5xf32> to vector<128x2xf32>
    %slice3A_1193 = vector.extract_strided_slice %select_n3A_1158 {offsets = [0, 0], sizes = [128, 2], strides = [1, 1]} : vector<128x5xi32> to vector<128x2xi32>
    %slice3A_1194 = vector.extract_strided_slice %min3A_1160 {offsets = [0, 0], sizes = [128, 2], strides = [1, 1]} : vector<128x5xf32> to vector<128x2xf32>
    %slice3A_1195 = vector.extract_strided_slice %select_n3A_1161 {offsets = [0, 0], sizes = [128, 2], strides = [1, 1]} : vector<128x5xi32> to vector<128x2xi32>
    %slice3A_1196 = vector.extract_strided_slice %max3A_1162 {offsets = [0, 0], sizes = [128, 2], strides = [1, 1]} : vector<128x5xf32> to vector<128x2xf32>
    %slice3A_1197 = vector.extract_strided_slice %select_n3A_1163 {offsets = [0, 0], sizes = [128, 2], strides = [1, 1]} : vector<128x5xi32> to vector<128x2xi32>
    %slice3A_1198 = vector.extract_strided_slice %min3A_1165 {offsets = [0, 0], sizes = [128, 2], strides = [1, 1]} : vector<128x5xf32> to vector<128x2xf32>
    %slice3A_1199 = vector.extract_strided_slice %select_n3A_1166 {offsets = [0, 0], sizes = [128, 2], strides = [1, 1]} : vector<128x5xi32> to vector<128x2xi32>
    %slice3A_1200 = vector.extract_strided_slice %max3A_1167 {offsets = [0, 0], sizes = [128, 2], strides = [1, 1]} : vector<128x5xf32> to vector<128x2xf32>
    %slice3A_1201 = vector.extract_strided_slice %select_n3A_1168 {offsets = [0, 0], sizes = [128, 2], strides = [1, 1]} : vector<128x5xi32> to vector<128x2xi32>
    %slice3A_1202 = vector.extract_strided_slice %min3A_1170 {offsets = [0, 0], sizes = [128, 2], strides = [1, 1]} : vector<128x5xf32> to vector<128x2xf32>
    %slice3A_1203 = vector.extract_strided_slice %select_n3A_1171 {offsets = [0, 0], sizes = [128, 2], strides = [1, 1]} : vector<128x5xi32> to vector<128x2xi32>
    %slice3A_1204 = vector.extract_strided_slice %max3A_1172 {offsets = [0, 0], sizes = [128, 2], strides = [1, 1]} : vector<128x5xf32> to vector<128x2xf32>
    %slice3A_1205 = vector.extract_strided_slice %select_n3A_1173 {offsets = [0, 0], sizes = [128, 2], strides = [1, 1]} : vector<128x5xi32> to vector<128x2xi32>
    %slice3A_1206 = vector.extract_strided_slice %min3A_1155 {offsets = [0, 2], sizes = [128, 2], strides = [1, 1]} : vector<128x5xf32> to vector<128x2xf32>
    %slice3A_1207 = vector.extract_strided_slice %select_n3A_1156 {offsets = [0, 2], sizes = [128, 2], strides = [1, 1]} : vector<128x5xi32> to vector<128x2xi32>
    %slice3A_1208 = vector.extract_strided_slice %max3A_1157 {offsets = [0, 2], sizes = [128, 2], strides = [1, 1]} : vector<128x5xf32> to vector<128x2xf32>
    %slice3A_1209 = vector.extract_strided_slice %select_n3A_1158 {offsets = [0, 2], sizes = [128, 2], strides = [1, 1]} : vector<128x5xi32> to vector<128x2xi32>
    %slice3A_1210 = vector.extract_strided_slice %min3A_1160 {offsets = [0, 2], sizes = [128, 2], strides = [1, 1]} : vector<128x5xf32> to vector<128x2xf32>
    %slice3A_1211 = vector.extract_strided_slice %select_n3A_1161 {offsets = [0, 2], sizes = [128, 2], strides = [1, 1]} : vector<128x5xi32> to vector<128x2xi32>
    %slice3A_1212 = vector.extract_strided_slice %max3A_1162 {offsets = [0, 2], sizes = [128, 2], strides = [1, 1]} : vector<128x5xf32> to vector<128x2xf32>
    %slice3A_1213 = vector.extract_strided_slice %select_n3A_1163 {offsets = [0, 2], sizes = [128, 2], strides = [1, 1]} : vector<128x5xi32> to vector<128x2xi32>
    %slice3A_1214 = vector.extract_strided_slice %min3A_1165 {offsets = [0, 2], sizes = [128, 2], strides = [1, 1]} : vector<128x5xf32> to vector<128x2xf32>
    %slice3A_1215 = vector.extract_strided_slice %select_n3A_1166 {offsets = [0, 2], sizes = [128, 2], strides = [1, 1]} : vector<128x5xi32> to vector<128x2xi32>
    %slice3A_1216 = vector.extract_strided_slice %max3A_1167 {offsets = [0, 2], sizes = [128, 2], strides = [1, 1]} : vector<128x5xf32> to vector<128x2xf32>
    %slice3A_1217 = vector.extract_strided_slice %select_n3A_1168 {offsets = [0, 2], sizes = [128, 2], strides = [1, 1]} : vector<128x5xi32> to vector<128x2xi32>
    %slice3A_1218 = vector.extract_strided_slice %min3A_1170 {offsets = [0, 2], sizes = [128, 2], strides = [1, 1]} : vector<128x5xf32> to vector<128x2xf32>
    %slice3A_1219 = vector.extract_strided_slice %select_n3A_1171 {offsets = [0, 2], sizes = [128, 2], strides = [1, 1]} : vector<128x5xi32> to vector<128x2xi32>
    %slice3A_1220 = vector.extract_strided_slice %max3A_1172 {offsets = [0, 2], sizes = [128, 2], strides = [1, 1]} : vector<128x5xf32> to vector<128x2xf32>
    %slice3A_1221 = vector.extract_strided_slice %select_n3A_1173 {offsets = [0, 2], sizes = [128, 2], strides = [1, 1]} : vector<128x5xi32> to vector<128x2xi32>
    %le3A_1222 = arith.cmpf ole, %slice3A_1190, %slice3A_1220 : vector<128x2xf32>
    %min3A_1223 = arith.minimumf %slice3A_1190, %slice3A_1220 : vector<128x2xf32>
    %select_n3A_1224 = arith.select %le3A_1222, %slice3A_1191, %slice3A_1221 : vector<128x2xi1>, vector<128x2xi32>
    %le3A_1225 = arith.cmpf ole, %slice3A_1192, %slice3A_1218 : vector<128x2xf32>
    %min3A_1226 = arith.minimumf %slice3A_1192, %slice3A_1218 : vector<128x2xf32>
    %select_n3A_1227 = arith.select %le3A_1225, %slice3A_1193, %slice3A_1219 : vector<128x2xi1>, vector<128x2xi32>
    %le3A_1228 = arith.cmpf ole, %slice3A_1194, %slice3A_1216 : vector<128x2xf32>
    %min3A_1229 = arith.minimumf %slice3A_1194, %slice3A_1216 : vector<128x2xf32>
    %select_n3A_1230 = arith.select %le3A_1228, %slice3A_1195, %slice3A_1217 : vector<128x2xi1>, vector<128x2xi32>
    %le3A_1231 = arith.cmpf ole, %slice3A_1196, %slice3A_1214 : vector<128x2xf32>
    %min3A_1232 = arith.minimumf %slice3A_1196, %slice3A_1214 : vector<128x2xf32>
    %select_n3A_1233 = arith.select %le3A_1231, %slice3A_1197, %slice3A_1215 : vector<128x2xi1>, vector<128x2xi32>
    %le3A_1234 = arith.cmpf ole, %slice3A_1198, %slice3A_1212 : vector<128x2xf32>
    %min3A_1235 = arith.minimumf %slice3A_1198, %slice3A_1212 : vector<128x2xf32>
    %select_n3A_1236 = arith.select %le3A_1234, %slice3A_1199, %slice3A_1213 : vector<128x2xi1>, vector<128x2xi32>
    %le3A_1237 = arith.cmpf ole, %slice3A_1200, %slice3A_1210 : vector<128x2xf32>
    %min3A_1238 = arith.minimumf %slice3A_1200, %slice3A_1210 : vector<128x2xf32>
    %select_n3A_1239 = arith.select %le3A_1237, %slice3A_1201, %slice3A_1211 : vector<128x2xi1>, vector<128x2xi32>
    %le3A_1240 = arith.cmpf ole, %slice3A_1202, %slice3A_1208 : vector<128x2xf32>
    %min3A_1241 = arith.minimumf %slice3A_1202, %slice3A_1208 : vector<128x2xf32>
    %select_n3A_1242 = arith.select %le3A_1240, %slice3A_1203, %slice3A_1209 : vector<128x2xi1>, vector<128x2xi32>
    %le3A_1243 = arith.cmpf ole, %slice3A_1204, %slice3A_1206 : vector<128x2xf32>
    %min3A_1244 = arith.minimumf %slice3A_1204, %slice3A_1206 : vector<128x2xf32>
    %select_n3A_1245 = arith.select %le3A_1243, %slice3A_1205, %slice3A_1207 : vector<128x2xi1>, vector<128x2xi32>
    %le3A_1246 = arith.cmpf ole, %min3A_1223, %min3A_1235 : vector<128x2xf32>
    %min3A_1247 = arith.minimumf %min3A_1223, %min3A_1235 : vector<128x2xf32>
    %select_n3A_1248 = arith.select %le3A_1246, %select_n3A_1224, %select_n3A_1236 : vector<128x2xi1>, vector<128x2xi32>
    %max3A_1249 = arith.maximumf %min3A_1223, %min3A_1235 : vector<128x2xf32>
    %select_n3A_1250 = arith.select %le3A_1246, %select_n3A_1236, %select_n3A_1224 : vector<128x2xi1>, vector<128x2xi32>
    %le3A_1251 = arith.cmpf ole, %min3A_1226, %min3A_1238 : vector<128x2xf32>
    %min3A_1252 = arith.minimumf %min3A_1226, %min3A_1238 : vector<128x2xf32>
    %select_n3A_1253 = arith.select %le3A_1251, %select_n3A_1227, %select_n3A_1239 : vector<128x2xi1>, vector<128x2xi32>
    %max3A_1254 = arith.maximumf %min3A_1226, %min3A_1238 : vector<128x2xf32>
    %select_n3A_1255 = arith.select %le3A_1251, %select_n3A_1239, %select_n3A_1227 : vector<128x2xi1>, vector<128x2xi32>
    %le3A_1256 = arith.cmpf ole, %min3A_1229, %min3A_1241 : vector<128x2xf32>
    %min3A_1257 = arith.minimumf %min3A_1229, %min3A_1241 : vector<128x2xf32>
    %select_n3A_1258 = arith.select %le3A_1256, %select_n3A_1230, %select_n3A_1242 : vector<128x2xi1>, vector<128x2xi32>
    %max3A_1259 = arith.maximumf %min3A_1229, %min3A_1241 : vector<128x2xf32>
    %select_n3A_1260 = arith.select %le3A_1256, %select_n3A_1242, %select_n3A_1230 : vector<128x2xi1>, vector<128x2xi32>
    %le3A_1261 = arith.cmpf ole, %min3A_1232, %min3A_1244 : vector<128x2xf32>
    %min3A_1262 = arith.minimumf %min3A_1232, %min3A_1244 : vector<128x2xf32>
    %select_n3A_1263 = arith.select %le3A_1261, %select_n3A_1233, %select_n3A_1245 : vector<128x2xi1>, vector<128x2xi32>
    %max3A_1264 = arith.maximumf %min3A_1232, %min3A_1244 : vector<128x2xf32>
    %select_n3A_1265 = arith.select %le3A_1261, %select_n3A_1245, %select_n3A_1233 : vector<128x2xi1>, vector<128x2xi32>
    %le3A_1266 = arith.cmpf ole, %min3A_1247, %min3A_1257 : vector<128x2xf32>
    %min3A_1267 = arith.minimumf %min3A_1247, %min3A_1257 : vector<128x2xf32>
    %select_n3A_1268 = arith.select %le3A_1266, %select_n3A_1248, %select_n3A_1258 : vector<128x2xi1>, vector<128x2xi32>
    %max3A_1269 = arith.maximumf %min3A_1247, %min3A_1257 : vector<128x2xf32>
    %select_n3A_1270 = arith.select %le3A_1266, %select_n3A_1258, %select_n3A_1248 : vector<128x2xi1>, vector<128x2xi32>
    %le3A_1271 = arith.cmpf ole, %min3A_1252, %min3A_1262 : vector<128x2xf32>
    %min3A_1272 = arith.minimumf %min3A_1252, %min3A_1262 : vector<128x2xf32>
    %select_n3A_1273 = arith.select %le3A_1271, %select_n3A_1253, %select_n3A_1263 : vector<128x2xi1>, vector<128x2xi32>
    %max3A_1274 = arith.maximumf %min3A_1252, %min3A_1262 : vector<128x2xf32>
    %select_n3A_1275 = arith.select %le3A_1271, %select_n3A_1263, %select_n3A_1253 : vector<128x2xi1>, vector<128x2xi32>
    %le3A_1276 = arith.cmpf ole, %max3A_1249, %max3A_1259 : vector<128x2xf32>
    %min3A_1277 = arith.minimumf %max3A_1249, %max3A_1259 : vector<128x2xf32>
    %select_n3A_1278 = arith.select %le3A_1276, %select_n3A_1250, %select_n3A_1260 : vector<128x2xi1>, vector<128x2xi32>
    %max3A_1279 = arith.maximumf %max3A_1249, %max3A_1259 : vector<128x2xf32>
    %select_n3A_1280 = arith.select %le3A_1276, %select_n3A_1260, %select_n3A_1250 : vector<128x2xi1>, vector<128x2xi32>
    %le3A_1281 = arith.cmpf ole, %max3A_1254, %max3A_1264 : vector<128x2xf32>
    %min3A_1282 = arith.minimumf %max3A_1254, %max3A_1264 : vector<128x2xf32>
    %select_n3A_1283 = arith.select %le3A_1281, %select_n3A_1255, %select_n3A_1265 : vector<128x2xi1>, vector<128x2xi32>
    %max3A_1284 = arith.maximumf %max3A_1254, %max3A_1264 : vector<128x2xf32>
    %select_n3A_1285 = arith.select %le3A_1281, %select_n3A_1265, %select_n3A_1255 : vector<128x2xi1>, vector<128x2xi32>
    %le3A_1286 = arith.cmpf ole, %min3A_1267, %min3A_1272 : vector<128x2xf32>
    %min3A_1287 = arith.minimumf %min3A_1267, %min3A_1272 : vector<128x2xf32>
    %select_n3A_1288 = arith.select %le3A_1286, %select_n3A_1268, %select_n3A_1273 : vector<128x2xi1>, vector<128x2xi32>
    %max3A_1289 = arith.maximumf %min3A_1267, %min3A_1272 : vector<128x2xf32>
    %select_n3A_1290 = arith.select %le3A_1286, %select_n3A_1273, %select_n3A_1268 : vector<128x2xi1>, vector<128x2xi32>
    %le3A_1291 = arith.cmpf ole, %max3A_1269, %max3A_1274 : vector<128x2xf32>
    %min3A_1292 = arith.minimumf %max3A_1269, %max3A_1274 : vector<128x2xf32>
    %select_n3A_1293 = arith.select %le3A_1291, %select_n3A_1270, %select_n3A_1275 : vector<128x2xi1>, vector<128x2xi32>
    %max3A_1294 = arith.maximumf %max3A_1269, %max3A_1274 : vector<128x2xf32>
    %select_n3A_1295 = arith.select %le3A_1291, %select_n3A_1275, %select_n3A_1270 : vector<128x2xi1>, vector<128x2xi32>
    %le3A_1296 = arith.cmpf ole, %min3A_1277, %min3A_1282 : vector<128x2xf32>
    %min3A_1297 = arith.minimumf %min3A_1277, %min3A_1282 : vector<128x2xf32>
    %select_n3A_1298 = arith.select %le3A_1296, %select_n3A_1278, %select_n3A_1283 : vector<128x2xi1>, vector<128x2xi32>
    %max3A_1299 = arith.maximumf %min3A_1277, %min3A_1282 : vector<128x2xf32>
    %select_n3A_1300 = arith.select %le3A_1296, %select_n3A_1283, %select_n3A_1278 : vector<128x2xi1>, vector<128x2xi32>
    %le3A_1301 = arith.cmpf ole, %max3A_1279, %max3A_1284 : vector<128x2xf32>
    %min3A_1302 = arith.minimumf %max3A_1279, %max3A_1284 : vector<128x2xf32>
    %select_n3A_1303 = arith.select %le3A_1301, %select_n3A_1280, %select_n3A_1285 : vector<128x2xi1>, vector<128x2xi32>
    %max3A_1304 = arith.maximumf %max3A_1279, %max3A_1284 : vector<128x2xf32>
    %select_n3A_1305 = arith.select %le3A_1301, %select_n3A_1285, %select_n3A_1280 : vector<128x2xi1>, vector<128x2xi32>
    %slice3A_1306 = vector.extract_strided_slice %min3A_1287 {offsets = [0, 0], sizes = [128, 1], strides = [1, 1]} : vector<128x2xf32> to vector<128x1xf32>
    %slice3A_1307 = vector.extract_strided_slice %select_n3A_1288 {offsets = [0, 0], sizes = [128, 1], strides = [1, 1]} : vector<128x2xi32> to vector<128x1xi32>
    %slice3A_1308 = vector.extract_strided_slice %max3A_1289 {offsets = [0, 0], sizes = [128, 1], strides = [1, 1]} : vector<128x2xf32> to vector<128x1xf32>
    %slice3A_1309 = vector.extract_strided_slice %select_n3A_1290 {offsets = [0, 0], sizes = [128, 1], strides = [1, 1]} : vector<128x2xi32> to vector<128x1xi32>
    %slice3A_1310 = vector.extract_strided_slice %min3A_1292 {offsets = [0, 0], sizes = [128, 1], strides = [1, 1]} : vector<128x2xf32> to vector<128x1xf32>
    %slice3A_1311 = vector.extract_strided_slice %select_n3A_1293 {offsets = [0, 0], sizes = [128, 1], strides = [1, 1]} : vector<128x2xi32> to vector<128x1xi32>
    %slice3A_1312 = vector.extract_strided_slice %max3A_1294 {offsets = [0, 0], sizes = [128, 1], strides = [1, 1]} : vector<128x2xf32> to vector<128x1xf32>
    %slice3A_1313 = vector.extract_strided_slice %select_n3A_1295 {offsets = [0, 0], sizes = [128, 1], strides = [1, 1]} : vector<128x2xi32> to vector<128x1xi32>
    %slice3A_1314 = vector.extract_strided_slice %min3A_1297 {offsets = [0, 0], sizes = [128, 1], strides = [1, 1]} : vector<128x2xf32> to vector<128x1xf32>
    %slice3A_1315 = vector.extract_strided_slice %select_n3A_1298 {offsets = [0, 0], sizes = [128, 1], strides = [1, 1]} : vector<128x2xi32> to vector<128x1xi32>
    %slice3A_1316 = vector.extract_strided_slice %max3A_1299 {offsets = [0, 0], sizes = [128, 1], strides = [1, 1]} : vector<128x2xf32> to vector<128x1xf32>
    %slice3A_1317 = vector.extract_strided_slice %select_n3A_1300 {offsets = [0, 0], sizes = [128, 1], strides = [1, 1]} : vector<128x2xi32> to vector<128x1xi32>
    %slice3A_1318 = vector.extract_strided_slice %min3A_1302 {offsets = [0, 0], sizes = [128, 1], strides = [1, 1]} : vector<128x2xf32> to vector<128x1xf32>
    %slice3A_1319 = vector.extract_strided_slice %select_n3A_1303 {offsets = [0, 0], sizes = [128, 1], strides = [1, 1]} : vector<128x2xi32> to vector<128x1xi32>
    %slice3A_1320 = vector.extract_strided_slice %max3A_1304 {offsets = [0, 0], sizes = [128, 1], strides = [1, 1]} : vector<128x2xf32> to vector<128x1xf32>
    %slice3A_1321 = vector.extract_strided_slice %select_n3A_1305 {offsets = [0, 0], sizes = [128, 1], strides = [1, 1]} : vector<128x2xi32> to vector<128x1xi32>
    %slice3A_1322 = vector.extract_strided_slice %min3A_1287 {offsets = [0, 1], sizes = [128, 1], strides = [1, 1]} : vector<128x2xf32> to vector<128x1xf32>
    %slice3A_1323 = vector.extract_strided_slice %select_n3A_1288 {offsets = [0, 1], sizes = [128, 1], strides = [1, 1]} : vector<128x2xi32> to vector<128x1xi32>
    %slice3A_1324 = vector.extract_strided_slice %max3A_1289 {offsets = [0, 1], sizes = [128, 1], strides = [1, 1]} : vector<128x2xf32> to vector<128x1xf32>
    %slice3A_1325 = vector.extract_strided_slice %select_n3A_1290 {offsets = [0, 1], sizes = [128, 1], strides = [1, 1]} : vector<128x2xi32> to vector<128x1xi32>
    %slice3A_1326 = vector.extract_strided_slice %min3A_1292 {offsets = [0, 1], sizes = [128, 1], strides = [1, 1]} : vector<128x2xf32> to vector<128x1xf32>
    %slice3A_1327 = vector.extract_strided_slice %select_n3A_1293 {offsets = [0, 1], sizes = [128, 1], strides = [1, 1]} : vector<128x2xi32> to vector<128x1xi32>
    %slice3A_1328 = vector.extract_strided_slice %max3A_1294 {offsets = [0, 1], sizes = [128, 1], strides = [1, 1]} : vector<128x2xf32> to vector<128x1xf32>
    %slice3A_1329 = vector.extract_strided_slice %select_n3A_1295 {offsets = [0, 1], sizes = [128, 1], strides = [1, 1]} : vector<128x2xi32> to vector<128x1xi32>
    %slice3A_1330 = vector.extract_strided_slice %min3A_1297 {offsets = [0, 1], sizes = [128, 1], strides = [1, 1]} : vector<128x2xf32> to vector<128x1xf32>
    %slice3A_1331 = vector.extract_strided_slice %select_n3A_1298 {offsets = [0, 1], sizes = [128, 1], strides = [1, 1]} : vector<128x2xi32> to vector<128x1xi32>
    %slice3A_1332 = vector.extract_strided_slice %max3A_1299 {offsets = [0, 1], sizes = [128, 1], strides = [1, 1]} : vector<128x2xf32> to vector<128x1xf32>
    %slice3A_1333 = vector.extract_strided_slice %select_n3A_1300 {offsets = [0, 1], sizes = [128, 1], strides = [1, 1]} : vector<128x2xi32> to vector<128x1xi32>
    %slice3A_1334 = vector.extract_strided_slice %min3A_1302 {offsets = [0, 1], sizes = [128, 1], strides = [1, 1]} : vector<128x2xf32> to vector<128x1xf32>
    %slice3A_1335 = vector.extract_strided_slice %select_n3A_1303 {offsets = [0, 1], sizes = [128, 1], strides = [1, 1]} : vector<128x2xi32> to vector<128x1xi32>
    %slice3A_1336 = vector.extract_strided_slice %max3A_1304 {offsets = [0, 1], sizes = [128, 1], strides = [1, 1]} : vector<128x2xf32> to vector<128x1xf32>
    %slice3A_1337 = vector.extract_strided_slice %select_n3A_1305 {offsets = [0, 1], sizes = [128, 1], strides = [1, 1]} : vector<128x2xi32> to vector<128x1xi32>
    %le3A_1338 = arith.cmpf ole, %slice3A_1306, %slice3A_1336 : vector<128x1xf32>
    %min3A_1339 = arith.minimumf %slice3A_1306, %slice3A_1336 : vector<128x1xf32>
    %select_n3A_1340 = arith.select %le3A_1338, %slice3A_1307, %slice3A_1337 : vector<128x1xi1>, vector<128x1xi32>
    %le3A_1341 = arith.cmpf ole, %slice3A_1308, %slice3A_1334 : vector<128x1xf32>
    %min3A_1342 = arith.minimumf %slice3A_1308, %slice3A_1334 : vector<128x1xf32>
    %select_n3A_1343 = arith.select %le3A_1341, %slice3A_1309, %slice3A_1335 : vector<128x1xi1>, vector<128x1xi32>
    %le3A_1344 = arith.cmpf ole, %slice3A_1310, %slice3A_1332 : vector<128x1xf32>
    %min3A_1345 = arith.minimumf %slice3A_1310, %slice3A_1332 : vector<128x1xf32>
    %select_n3A_1346 = arith.select %le3A_1344, %slice3A_1311, %slice3A_1333 : vector<128x1xi1>, vector<128x1xi32>
    %le3A_1347 = arith.cmpf ole, %slice3A_1312, %slice3A_1330 : vector<128x1xf32>
    %min3A_1348 = arith.minimumf %slice3A_1312, %slice3A_1330 : vector<128x1xf32>
    %select_n3A_1349 = arith.select %le3A_1347, %slice3A_1313, %slice3A_1331 : vector<128x1xi1>, vector<128x1xi32>
    %le3A_1350 = arith.cmpf ole, %slice3A_1314, %slice3A_1328 : vector<128x1xf32>
    %min3A_1351 = arith.minimumf %slice3A_1314, %slice3A_1328 : vector<128x1xf32>
    %select_n3A_1352 = arith.select %le3A_1350, %slice3A_1315, %slice3A_1329 : vector<128x1xi1>, vector<128x1xi32>
    %le3A_1353 = arith.cmpf ole, %slice3A_1316, %slice3A_1326 : vector<128x1xf32>
    %min3A_1354 = arith.minimumf %slice3A_1316, %slice3A_1326 : vector<128x1xf32>
    %select_n3A_1355 = arith.select %le3A_1353, %slice3A_1317, %slice3A_1327 : vector<128x1xi1>, vector<128x1xi32>
    %le3A_1356 = arith.cmpf ole, %slice3A_1318, %slice3A_1324 : vector<128x1xf32>
    %min3A_1357 = arith.minimumf %slice3A_1318, %slice3A_1324 : vector<128x1xf32>
    %select_n3A_1358 = arith.select %le3A_1356, %slice3A_1319, %slice3A_1325 : vector<128x1xi1>, vector<128x1xi32>
    %le3A_1359 = arith.cmpf ole, %slice3A_1320, %slice3A_1322 : vector<128x1xf32>
    %min3A_1360 = arith.minimumf %slice3A_1320, %slice3A_1322 : vector<128x1xf32>
    %select_n3A_1361 = arith.select %le3A_1359, %slice3A_1321, %slice3A_1323 : vector<128x1xi1>, vector<128x1xi32>
    %le3A_1362 = arith.cmpf ole, %min3A_1339, %min3A_1351 : vector<128x1xf32>
    %min3A_1363 = arith.minimumf %min3A_1339, %min3A_1351 : vector<128x1xf32>
    %select_n3A_1364 = arith.select %le3A_1362, %select_n3A_1340, %select_n3A_1352 : vector<128x1xi1>, vector<128x1xi32>
    %max3A_1365 = arith.maximumf %min3A_1339, %min3A_1351 : vector<128x1xf32>
    %select_n3A_1366 = arith.select %le3A_1362, %select_n3A_1352, %select_n3A_1340 : vector<128x1xi1>, vector<128x1xi32>
    %le3A_1367 = arith.cmpf ole, %min3A_1342, %min3A_1354 : vector<128x1xf32>
    %min3A_1368 = arith.minimumf %min3A_1342, %min3A_1354 : vector<128x1xf32>
    %select_n3A_1369 = arith.select %le3A_1367, %select_n3A_1343, %select_n3A_1355 : vector<128x1xi1>, vector<128x1xi32>
    %max3A_1370 = arith.maximumf %min3A_1342, %min3A_1354 : vector<128x1xf32>
    %select_n3A_1371 = arith.select %le3A_1367, %select_n3A_1355, %select_n3A_1343 : vector<128x1xi1>, vector<128x1xi32>
    %le3A_1372 = arith.cmpf ole, %min3A_1345, %min3A_1357 : vector<128x1xf32>
    %min3A_1373 = arith.minimumf %min3A_1345, %min3A_1357 : vector<128x1xf32>
    %select_n3A_1374 = arith.select %le3A_1372, %select_n3A_1346, %select_n3A_1358 : vector<128x1xi1>, vector<128x1xi32>
    %max3A_1375 = arith.maximumf %min3A_1345, %min3A_1357 : vector<128x1xf32>
    %select_n3A_1376 = arith.select %le3A_1372, %select_n3A_1358, %select_n3A_1346 : vector<128x1xi1>, vector<128x1xi32>
    %le3A_1377 = arith.cmpf ole, %min3A_1348, %min3A_1360 : vector<128x1xf32>
    %min3A_1378 = arith.minimumf %min3A_1348, %min3A_1360 : vector<128x1xf32>
    %select_n3A_1379 = arith.select %le3A_1377, %select_n3A_1349, %select_n3A_1361 : vector<128x1xi1>, vector<128x1xi32>
    %max3A_1380 = arith.maximumf %min3A_1348, %min3A_1360 : vector<128x1xf32>
    %select_n3A_1381 = arith.select %le3A_1377, %select_n3A_1361, %select_n3A_1349 : vector<128x1xi1>, vector<128x1xi32>
    %le3A_1382 = arith.cmpf ole, %min3A_1363, %min3A_1373 : vector<128x1xf32>
    %min3A_1383 = arith.minimumf %min3A_1363, %min3A_1373 : vector<128x1xf32>
    %select_n3A_1384 = arith.select %le3A_1382, %select_n3A_1364, %select_n3A_1374 : vector<128x1xi1>, vector<128x1xi32>
    %max3A_1385 = arith.maximumf %min3A_1363, %min3A_1373 : vector<128x1xf32>
    %select_n3A_1386 = arith.select %le3A_1382, %select_n3A_1374, %select_n3A_1364 : vector<128x1xi1>, vector<128x1xi32>
    %le3A_1387 = arith.cmpf ole, %min3A_1368, %min3A_1378 : vector<128x1xf32>
    %min3A_1388 = arith.minimumf %min3A_1368, %min3A_1378 : vector<128x1xf32>
    %select_n3A_1389 = arith.select %le3A_1387, %select_n3A_1369, %select_n3A_1379 : vector<128x1xi1>, vector<128x1xi32>
    %max3A_1390 = arith.maximumf %min3A_1368, %min3A_1378 : vector<128x1xf32>
    %select_n3A_1391 = arith.select %le3A_1387, %select_n3A_1379, %select_n3A_1369 : vector<128x1xi1>, vector<128x1xi32>
    %le3A_1392 = arith.cmpf ole, %max3A_1365, %max3A_1375 : vector<128x1xf32>
    %min3A_1393 = arith.minimumf %max3A_1365, %max3A_1375 : vector<128x1xf32>
    %select_n3A_1394 = arith.select %le3A_1392, %select_n3A_1366, %select_n3A_1376 : vector<128x1xi1>, vector<128x1xi32>
    %max3A_1395 = arith.maximumf %max3A_1365, %max3A_1375 : vector<128x1xf32>
    %select_n3A_1396 = arith.select %le3A_1392, %select_n3A_1376, %select_n3A_1366 : vector<128x1xi1>, vector<128x1xi32>
    %le3A_1397 = arith.cmpf ole, %max3A_1370, %max3A_1380 : vector<128x1xf32>
    %min3A_1398 = arith.minimumf %max3A_1370, %max3A_1380 : vector<128x1xf32>
    %select_n3A_1399 = arith.select %le3A_1397, %select_n3A_1371, %select_n3A_1381 : vector<128x1xi1>, vector<128x1xi32>
    %max3A_1400 = arith.maximumf %max3A_1370, %max3A_1380 : vector<128x1xf32>
    %select_n3A_1401 = arith.select %le3A_1397, %select_n3A_1381, %select_n3A_1371 : vector<128x1xi1>, vector<128x1xi32>
    %le3A_1402 = arith.cmpf ole, %min3A_1383, %min3A_1388 : vector<128x1xf32>
    %min3A_1403 = arith.minimumf %min3A_1383, %min3A_1388 : vector<128x1xf32>
    %select_n3A_1404 = arith.select %le3A_1402, %select_n3A_1384, %select_n3A_1389 : vector<128x1xi1>, vector<128x1xi32>
    %max3A_1405 = arith.maximumf %min3A_1383, %min3A_1388 : vector<128x1xf32>
    %select_n3A_1406 = arith.select %le3A_1402, %select_n3A_1389, %select_n3A_1384 : vector<128x1xi1>, vector<128x1xi32>
    %le3A_1407 = arith.cmpf ole, %max3A_1385, %max3A_1390 : vector<128x1xf32>
    %min3A_1408 = arith.minimumf %max3A_1385, %max3A_1390 : vector<128x1xf32>
    %select_n3A_1409 = arith.select %le3A_1407, %select_n3A_1386, %select_n3A_1391 : vector<128x1xi1>, vector<128x1xi32>
    %max3A_1410 = arith.maximumf %max3A_1385, %max3A_1390 : vector<128x1xf32>
    %select_n3A_1411 = arith.select %le3A_1407, %select_n3A_1391, %select_n3A_1386 : vector<128x1xi1>, vector<128x1xi32>
    %le3A_1412 = arith.cmpf ole, %min3A_1393, %min3A_1398 : vector<128x1xf32>
    %min3A_1413 = arith.minimumf %min3A_1393, %min3A_1398 : vector<128x1xf32>
    %select_n3A_1414 = arith.select %le3A_1412, %select_n3A_1394, %select_n3A_1399 : vector<128x1xi1>, vector<128x1xi32>
    %max3A_1415 = arith.maximumf %min3A_1393, %min3A_1398 : vector<128x1xf32>
    %select_n3A_1416 = arith.select %le3A_1412, %select_n3A_1399, %select_n3A_1394 : vector<128x1xi1>, vector<128x1xi32>
    %le3A_1417 = arith.cmpf ole, %max3A_1395, %max3A_1400 : vector<128x1xf32>
    %min3A_1418 = arith.minimumf %max3A_1395, %max3A_1400 : vector<128x1xf32>
    %select_n3A_1419 = arith.select %le3A_1417, %select_n3A_1396, %select_n3A_1401 : vector<128x1xi1>, vector<128x1xi32>
    %max3A_1420 = arith.maximumf %max3A_1395, %max3A_1400 : vector<128x1xf32>
    %select_n3A_1421 = arith.select %le3A_1417, %select_n3A_1401, %select_n3A_1396 : vector<128x1xi1>, vector<128x1xi32>
    %le3A_1422 = arith.cmpf ole, %min3A_1403, %slice3A_1188 : vector<128x1xf32>
    %min3A_1423 = arith.minimumf %min3A_1403, %slice3A_1188 : vector<128x1xf32>
    %select_n3A_1424 = arith.select %le3A_1422, %select_n3A_1404, %slice3A_1189 : vector<128x1xi1>, vector<128x1xi32>
    %le3A_1425 = arith.cmpf ole, %max3A_1405, %slice3A_1186 : vector<128x1xf32>
    %min3A_1426 = arith.minimumf %max3A_1405, %slice3A_1186 : vector<128x1xf32>
    %select_n3A_1427 = arith.select %le3A_1425, %select_n3A_1406, %slice3A_1187 : vector<128x1xi1>, vector<128x1xi32>
    %le3A_1428 = arith.cmpf ole, %min3A_1408, %slice3A_1184 : vector<128x1xf32>
    %min3A_1429 = arith.minimumf %min3A_1408, %slice3A_1184 : vector<128x1xf32>
    %select_n3A_1430 = arith.select %le3A_1428, %select_n3A_1409, %slice3A_1185 : vector<128x1xi1>, vector<128x1xi32>
    %le3A_1431 = arith.cmpf ole, %max3A_1410, %slice3A_1182 : vector<128x1xf32>
    %min3A_1432 = arith.minimumf %max3A_1410, %slice3A_1182 : vector<128x1xf32>
    %select_n3A_1433 = arith.select %le3A_1431, %select_n3A_1411, %slice3A_1183 : vector<128x1xi1>, vector<128x1xi32>
    %le3A_1434 = arith.cmpf ole, %min3A_1413, %slice3A_1180 : vector<128x1xf32>
    %min3A_1435 = arith.minimumf %min3A_1413, %slice3A_1180 : vector<128x1xf32>
    %select_n3A_1436 = arith.select %le3A_1434, %select_n3A_1414, %slice3A_1181 : vector<128x1xi1>, vector<128x1xi32>
    %le3A_1437 = arith.cmpf ole, %max3A_1415, %slice3A_1178 : vector<128x1xf32>
    %min3A_1438 = arith.minimumf %max3A_1415, %slice3A_1178 : vector<128x1xf32>
    %select_n3A_1439 = arith.select %le3A_1437, %select_n3A_1416, %slice3A_1179 : vector<128x1xi1>, vector<128x1xi32>
    %le3A_1440 = arith.cmpf ole, %min3A_1418, %slice3A_1176 : vector<128x1xf32>
    %min3A_1441 = arith.minimumf %min3A_1418, %slice3A_1176 : vector<128x1xf32>
    %select_n3A_1442 = arith.select %le3A_1440, %select_n3A_1419, %slice3A_1177 : vector<128x1xi1>, vector<128x1xi32>
    %le3A_1443 = arith.cmpf ole, %max3A_1420, %slice3A_1174 : vector<128x1xf32>
    %min3A_1444 = arith.minimumf %max3A_1420, %slice3A_1174 : vector<128x1xf32>
    %select_n3A_1445 = arith.select %le3A_1443, %select_n3A_1421, %slice3A_1175 : vector<128x1xi1>, vector<128x1xi32>
    %le3A_1446 = arith.cmpf ole, %min3A_1423, %min3A_1435 : vector<128x1xf32>
    %min3A_1447 = arith.minimumf %min3A_1423, %min3A_1435 : vector<128x1xf32>
    %select_n3A_1448 = arith.select %le3A_1446, %select_n3A_1424, %select_n3A_1436 : vector<128x1xi1>, vector<128x1xi32>
    %max3A_1449 = arith.maximumf %min3A_1423, %min3A_1435 : vector<128x1xf32>
    %select_n3A_1450 = arith.select %le3A_1446, %select_n3A_1436, %select_n3A_1424 : vector<128x1xi1>, vector<128x1xi32>
    %le3A_1451 = arith.cmpf ole, %min3A_1426, %min3A_1438 : vector<128x1xf32>
    %min3A_1452 = arith.minimumf %min3A_1426, %min3A_1438 : vector<128x1xf32>
    %select_n3A_1453 = arith.select %le3A_1451, %select_n3A_1427, %select_n3A_1439 : vector<128x1xi1>, vector<128x1xi32>
    %max3A_1454 = arith.maximumf %min3A_1426, %min3A_1438 : vector<128x1xf32>
    %select_n3A_1455 = arith.select %le3A_1451, %select_n3A_1439, %select_n3A_1427 : vector<128x1xi1>, vector<128x1xi32>
    %le3A_1456 = arith.cmpf ole, %min3A_1429, %min3A_1441 : vector<128x1xf32>
    %min3A_1457 = arith.minimumf %min3A_1429, %min3A_1441 : vector<128x1xf32>
    %select_n3A_1458 = arith.select %le3A_1456, %select_n3A_1430, %select_n3A_1442 : vector<128x1xi1>, vector<128x1xi32>
    %max3A_1459 = arith.maximumf %min3A_1429, %min3A_1441 : vector<128x1xf32>
    %select_n3A_1460 = arith.select %le3A_1456, %select_n3A_1442, %select_n3A_1430 : vector<128x1xi1>, vector<128x1xi32>
    %le3A_1461 = arith.cmpf ole, %min3A_1432, %min3A_1444 : vector<128x1xf32>
    %min3A_1462 = arith.minimumf %min3A_1432, %min3A_1444 : vector<128x1xf32>
    %select_n3A_1463 = arith.select %le3A_1461, %select_n3A_1433, %select_n3A_1445 : vector<128x1xi1>, vector<128x1xi32>
    %max3A_1464 = arith.maximumf %min3A_1432, %min3A_1444 : vector<128x1xf32>
    %select_n3A_1465 = arith.select %le3A_1461, %select_n3A_1445, %select_n3A_1433 : vector<128x1xi1>, vector<128x1xi32>
    %le3A_1466 = arith.cmpf ole, %min3A_1447, %min3A_1457 : vector<128x1xf32>
    %min3A_1467 = arith.minimumf %min3A_1447, %min3A_1457 : vector<128x1xf32>
    %select_n3A_1468 = arith.select %le3A_1466, %select_n3A_1448, %select_n3A_1458 : vector<128x1xi1>, vector<128x1xi32>
    %max3A_1469 = arith.maximumf %min3A_1447, %min3A_1457 : vector<128x1xf32>
    %select_n3A_1470 = arith.select %le3A_1466, %select_n3A_1458, %select_n3A_1448 : vector<128x1xi1>, vector<128x1xi32>
    %le3A_1471 = arith.cmpf ole, %min3A_1452, %min3A_1462 : vector<128x1xf32>
    %min3A_1472 = arith.minimumf %min3A_1452, %min3A_1462 : vector<128x1xf32>
    %select_n3A_1473 = arith.select %le3A_1471, %select_n3A_1453, %select_n3A_1463 : vector<128x1xi1>, vector<128x1xi32>
    %max3A_1474 = arith.maximumf %min3A_1452, %min3A_1462 : vector<128x1xf32>
    %select_n3A_1475 = arith.select %le3A_1471, %select_n3A_1463, %select_n3A_1453 : vector<128x1xi1>, vector<128x1xi32>
    %le3A_1476 = arith.cmpf ole, %max3A_1449, %max3A_1459 : vector<128x1xf32>
    %min3A_1477 = arith.minimumf %max3A_1449, %max3A_1459 : vector<128x1xf32>
    %select_n3A_1478 = arith.select %le3A_1476, %select_n3A_1450, %select_n3A_1460 : vector<128x1xi1>, vector<128x1xi32>
    %max3A_1479 = arith.maximumf %max3A_1449, %max3A_1459 : vector<128x1xf32>
    %select_n3A_1480 = arith.select %le3A_1476, %select_n3A_1460, %select_n3A_1450 : vector<128x1xi1>, vector<128x1xi32>
    %le3A_1481 = arith.cmpf ole, %max3A_1454, %max3A_1464 : vector<128x1xf32>
    %min3A_1482 = arith.minimumf %max3A_1454, %max3A_1464 : vector<128x1xf32>
    %select_n3A_1483 = arith.select %le3A_1481, %select_n3A_1455, %select_n3A_1465 : vector<128x1xi1>, vector<128x1xi32>
    %max3A_1484 = arith.maximumf %max3A_1454, %max3A_1464 : vector<128x1xf32>
    %select_n3A_1485 = arith.select %le3A_1481, %select_n3A_1465, %select_n3A_1455 : vector<128x1xi1>, vector<128x1xi32>
    %le3A_1486 = arith.cmpf ole, %min3A_1467, %min3A_1472 : vector<128x1xf32>
    %select_n3A_1487 = arith.select %le3A_1486, %select_n3A_1468, %select_n3A_1473 : vector<128x1xi1>, vector<128x1xi32>
    %select_n3A_1488 = arith.select %le3A_1486, %select_n3A_1473, %select_n3A_1468 : vector<128x1xi1>, vector<128x1xi32>
    %le3A_1489 = arith.cmpf ole, %max3A_1469, %max3A_1474 : vector<128x1xf32>
    %select_n3A_1490 = arith.select %le3A_1489, %select_n3A_1470, %select_n3A_1475 : vector<128x1xi1>, vector<128x1xi32>
    %select_n3A_1491 = arith.select %le3A_1489, %select_n3A_1475, %select_n3A_1470 : vector<128x1xi1>, vector<128x1xi32>
    %le3A_1492 = arith.cmpf ole, %min3A_1477, %min3A_1482 : vector<128x1xf32>
    %select_n3A_1493 = arith.select %le3A_1492, %select_n3A_1478, %select_n3A_1483 : vector<128x1xi1>, vector<128x1xi32>
    %select_n3A_1494 = arith.select %le3A_1492, %select_n3A_1483, %select_n3A_1478 : vector<128x1xi1>, vector<128x1xi32>
    %le3A_1495 = arith.cmpf ole, %max3A_1479, %max3A_1484 : vector<128x1xf32>
    %select_n3A_1496 = arith.select %le3A_1495, %select_n3A_1480, %select_n3A_1485 : vector<128x1xi1>, vector<128x1xi32>
    %select_n3A_1497 = arith.select %le3A_1495, %select_n3A_1485, %select_n3A_1480 : vector<128x1xi1>, vector<128x1xi32>
    %concatenate3A = tpu.concatenate %select_n3A_1487, %select_n3A_1488, %select_n3A_1490, %select_n3A_1491, %select_n3A_1493, %select_n3A_1494, %select_n3A_1496, %select_n3A_1497 in 1 : vector<128x1xi32>, vector<128x1xi32>, vector<128x1xi32>, vector<128x1xi32>, vector<128x1xi32>, vector<128x1xi32>, vector<128x1xi32>, vector<128x1xi32> -> vector<128x8xi32>
    %swap3A = arith.constant 0 : index
    %swap3A_1498 = arith.constant 0 : index
    %swap3A_1499 = vector.load %arg3[%swap3A, %swap3A_1498] : memref<128x8xi32, #tpu.memory_space<vmem>>, vector<128x8xi32>
    tpu.vector_store %arg3[%swap3A, %swap3A_1498], %concatenate3A {strides = array<i32>} : memref<128x8xi32, #tpu.memory_space<vmem>>, vector<128x8xi32>,
    return
  }
  func.func @transform_0(%arg0: i32) -> (i32, i32) {
    %c0_i32 = arith.constant 0 : i32
    %c0_i32_0 = arith.constant 0 : i32
    return %arg0, %c0_i32 : i32, i32
  }
  func.func @transform_1(%arg0: i32) -> (i32, i32) {
    %c0_i32 = arith.constant 0 : i32
    %c0_i32_0 = arith.constant 0 : i32
    %c0_i32_1 = arith.constant 0 : i32
    return %c0_i32, %c0_i32_0 : i32, i32
  }
  func.func @transform_2(%arg0: i32) -> (i32, i32) {
    %c0_i32 = arith.constant 0 : i32
    %c0_i32_0 = arith.constant 0 : i32
    return %arg0, %c0_i32 : i32, i32
  }
}

module attributes {stable_mosaic.version = 14 : i64} {
  func.func @_wsum_body(%arg0: i32, %arg1: memref<1024x8xf32, #tpu.memory_space<vmem>>, %arg2: memref<1024x8x48xf32, #tpu.memory_space<vmem>>, %arg3: memref<1024x32xf32, #tpu.memory_space<vmem>>) attributes {dimension_semantics = [#tpu.dimension_semantics<parallel>], iteration_bounds = array<i64: 32>, scalar_prefetch = 0 : i64, scratch_operands = 0 : i64, tpu.core_type = #tpu.core_type<tc>, window_params = [{transform_indices = @transform_0, window_bounds = array<i64: 1024, 8>}, {transform_indices = @transform_1, window_bounds = array<i64: 1024, 8, 48>}, {transform_indices = @transform_2, window_bounds = array<i64: 1024, 32>}]} {
    %get3A = arith.constant 0 : index
    %get3A_0 = arith.constant 0 : index
    %get3A_1 = vector.load %arg1[%get3A, %get3A_0] : memref<1024x8xf32, #tpu.memory_space<vmem>>, vector<1024x8xf32>
    %slice3A = vector.extract_strided_slice %get3A_1 {offsets = [0, 0], sizes = [1024, 3], strides = [1, 1]} : vector<1024x8xf32> to vector<1024x3xf32>
    %get3A_2 = arith.constant 0 : index
    %get3A_3 = arith.constant 0 : index
    %get3A_4 = arith.constant 0 : index
    %get3A_5 = vector.load %arg2[%get3A_2, %get3A_3, %get3A_4] : memref<1024x8x48xf32, #tpu.memory_space<vmem>>, vector<1024x8x48xf32>
    %slice3A_6 = vector.extract_strided_slice %get3A_5 {offsets = [0, 0, 0], sizes = [1024, 8, 32], strides = [1, 1, 1]} : vector<1024x8x48xf32> to vector<1024x8x32xf32>
    %slice3A_7 = vector.extract_strided_slice %get3A_5 {offsets = [0, 0, 32], sizes = [1024, 8, 3], strides = [1, 1, 1]} : vector<1024x8x48xf32> to vector<1024x8x3xf32>
    %slice3A_8 = vector.extract_strided_slice %get3A_5 {offsets = [0, 0, 35], sizes = [1024, 8, 3], strides = [1, 1, 1]} : vector<1024x8x48xf32> to vector<1024x8x3xf32>
    %broadcast_in_dim3A = vector.shape_cast %slice3A : vector<1024x3xf32> to vector<1024x1x3xf32>
    %sub3A = vector.broadcast %broadcast_in_dim3A : vector<1024x1x3xf32> to vector<1024x8x3xf32>
    %sub3A_9 = arith.subf %sub3A, %slice3A_7 : vector<1024x8x3xf32>
    %mul3A = arith.mulf %sub3A_9, %sub3A_9 : vector<1024x8x3xf32>
    %exp3A = math.exp %slice3A_8 : vector<1024x8x3xf32>
    %div3A = arith.divf %mul3A, %exp3A : vector<1024x8x3xf32>
    %reduce_sum3A = arith.constant dense<0.000000e+00> : vector<1024x8xf32>
    %reduce_sum3A_10 = vector.multi_reduction <add>, %div3A, %reduce_sum3A [2] : vector<1024x8x3xf32> to vector<1024x8xf32>
    %mul3A_11 = arith.constant -5.000000e-01 : f32
    %mul3A_12 = vector.broadcast %mul3A_11 : f32 to vector<1024x8xf32>
    %mul3A_13 = arith.mulf %mul3A_12, %reduce_sum3A_10 : vector<1024x8xf32>
    %reduce_max3A = arith.constant dense<0xFF800000> : vector<1024xf32>
    %reduce_max3A_14 = vector.multi_reduction <maximumf>, %mul3A_13, %reduce_max3A [1] : vector<1024x8xf32> to vector<1024xf32>
    %broadcast_in_dim3A_15 = vector.shape_cast %reduce_max3A_14 : vector<1024xf32> to vector<1024x1xf32>
    %sub3A_16 = vector.broadcast %broadcast_in_dim3A_15 : vector<1024x1xf32> to vector<1024x8xf32>
    %sub3A_17 = arith.subf %mul3A_13, %sub3A_16 : vector<1024x8xf32>
    %exp3A_18 = math.exp %sub3A_17 : vector<1024x8xf32>
    %reduce_sum3A_19 = arith.constant dense<0.000000e+00> : vector<1024xf32>
    %reduce_sum3A_20 = vector.multi_reduction <add>, %exp3A_18, %reduce_sum3A_19 [1] : vector<1024x8xf32> to vector<1024xf32>
    %broadcast_in_dim3A_21 = vector.shape_cast %reduce_sum3A_20 : vector<1024xf32> to vector<1024x1xf32>
    %add3A = arith.constant 9.99999993E-9 : f32
    %add3A_22 = vector.broadcast %add3A : f32 to vector<1024x1xf32>
    %add3A_23 = arith.addf %broadcast_in_dim3A_21, %add3A_22 : vector<1024x1xf32>
    %div3A_24 = vector.broadcast %add3A_23 : vector<1024x1xf32> to vector<1024x8xf32>
    %div3A_25 = arith.divf %exp3A_18, %div3A_24 : vector<1024x8xf32>
    %broadcast_in_dim3A_26 = vector.shape_cast %div3A_25 : vector<1024x8xf32> to vector<1024x8x1xf32>
    %mul3A_27 = vector.broadcast %broadcast_in_dim3A_26 : vector<1024x8x1xf32> to vector<1024x8x32xf32>
    %mul3A_28 = arith.mulf %mul3A_27, %slice3A_6 : vector<1024x8x32xf32>
    %reduce_sum3A_29 = arith.constant dense<0.000000e+00> : vector<1024x32xf32>
    %reduce_sum3A_30 = vector.multi_reduction <add>, %mul3A_28, %reduce_sum3A_29 [1] : vector<1024x8x32xf32> to vector<1024x32xf32>
    %swap3A = arith.constant 0 : index
    %swap3A_31 = arith.constant 0 : index
    %swap3A_32 = vector.load %arg3[%swap3A, %swap3A_31] : memref<1024x32xf32, #tpu.memory_space<vmem>>, vector<1024x32xf32>
    tpu.vector_store %arg3[%swap3A, %swap3A_31], %reduce_sum3A_30 {strides = array<i32>} : memref<1024x32xf32, #tpu.memory_space<vmem>>, vector<1024x32xf32>,
    return
  }
  func.func @transform_0(%arg0: i32) -> (i32, i32) {
    %c0_i32 = arith.constant 0 : i32
    %c0_i32_0 = arith.constant 0 : i32
    return %arg0, %c0_i32 : i32, i32
  }
  func.func @transform_1(%arg0: i32) -> (i32, i32, i32) {
    %c0_i32 = arith.constant 0 : i32
    %c0_i32_0 = arith.constant 0 : i32
    %c0_i32_1 = arith.constant 0 : i32
    return %arg0, %c0_i32, %c0_i32_0 : i32, i32, i32
  }
  func.func @transform_2(%arg0: i32) -> (i32, i32) {
    %c0_i32 = arith.constant 0 : i32
    %c0_i32_0 = arith.constant 0 : i32
    return %arg0, %c0_i32 : i32, i32
  }
}

</mosaic_0001>

<sc_bundles>
// kernel: kernel.10.cloned.1.call-start
scs
__scs_entry_jumppad:
0x0: {  	(pc) =	sbr.rel $0x88, $3  }
0x1: {  	(tag) =	ssettag $0x0;
	lr =	simm.s32 $0x1  }
0x2: {  	[smem:$0x3F9D] =	sst lr;
	_ =	strace $0xD0000000  }
0x3: {  	_ = 	snop  }
0x4: {  	_ = 	snop  }
0x5: {  	_ = 	snop  }
0x6: {  	_ = 	snop  }
0x7: {  	_ = 	snop  }
__scs_overlays_trampoline_lowered:
0x8: {  	[smem:$0x3FAC] =	sst s0  }
0x9: {  	[smem:$0x3FAD] =	sst s1  }
0xa: {  	[smem:$0x3FAE] =	sst s2  }
0xb: {  	[smem:$0x3FAF] =	sst s3  }
0xc: {  	[smem:$0x3FB0] =	sst s4  }
0xd: {  	[smem:$0x3FB1] =	sst s5  }
0xe: {  	[smem:$0x3FB2] =	sst s6  }
0xf: {  	[smem:$0x3FB3] =	sst s7  }
0x10: {  	[smem:$0x3FB4] =	sst s8  }
0x11: {  	[smem:$0x3FB5] =	sst s9;
	s0 =	simm.s32 @!p0 $0x0  }
0x12: {  	s1 =	sld [smem:$0x3F9B];
	s0 =	simm.s32 @p0 $0x1  }
0x13: {  	[smem:$0x3FB6] =	sst s0;
	s0 =	simm.s32 @!p1 $0x0  }
0x14: {  	s2 =	sld [smem:$0x3F9A];
	s0 =	simm.s32 @p1 $0x1  }
0x15: {  	[smem:$0x3FB7] =	sst s0;
	s0 =	simm.s32 @!p2 $0x0  }
0x16: {  	s3 =	sld [smem:$0x3FDB];
	s0 =	simm.s32 @p2 $0x1  }
0x17: {  	s4 =	simm.s32 $0x1BF5;
	[smem:$0x3FB9] =	sst s0  }
0x18: {  	s0 =	sld [smem:$0x3F9C];
	_ =	swait.ge [sflag:s4], $0x0  }
0x19: {  	s7 =	sld [smem:$0x3F9D]  }
0x1a: {  	s8 =	sadd.s32 $0xFFFFE003, lr  }
0x1b: {  	s9 =	sadd.s32 $0xFFFFFEF7, lr;
	s5 =	simm.s32 $0xFFFFFFFF;
	p2 =	slt.u32 s8, $0xFFFFF086  }
0x1c: {  	p1 =	slt.u32 s9, $0xF7A;
	s5 =	simm.s32 @!p2 $0x0  }
0x1d: {  	s5 =	simm.s32 @p1 $0x1;
	p0 =	seq.s32 s7, s2  }
0x1e: {  	s7 =	smul.u32 @!p0 $0xF7A, s2;
	p2 =	seq.s32 @!p0 s5, $0x0  }
0x1f: {  	s9 =	smul.u32 $0xF7A, s1;
	s8 =	simm.s32 @!p0 $0x1BF5;
	p2 =	por !p2, p0  }
0x20: {  	[sflag:s8] =	ssyncset.s32 @!p0 $0xFFFFF086;
	s6 =	sadd.s32 @!p0 s3, s7;
	s7 =	simm.s32 @!p0 $0x108  }
0x21: {  	s3 =	sadd.s32 s3, s9;
	s6 =	sadd.s32 @!p0 $0x88, s6;
	s7 =	simm.s32 @p2 $0x1082  }
0x22: {  	[simem:s7], [sflag:s8] =	dma.local @!p0 [hbm:s6], $0xF7A  }
0x23: {  	s9 =	sor.u32 $0xD0000000, s2;
	s6 =	simm.s32 $0x108;
	_ =	swait.ge @!p0 [sflag:s8], $0x0  }
0x24: {  	s3 =	sadd.s32 $0x88, s3;
	s6 =	simm.s32 @!p1 $0x1082;
	[sflag:s4] =	ssyncset.s32 $0xFFFFF086  }
0x25: {  	[simem:s6], [sflag:s4] =	dma.local [hbm:s3], $0xF7A  }
0x26: {  	[smem:$0x3F9D] =	sst s1;
	(tag) =	ssettag s2;
	_ =	strace s9  }
0x27: {  	s1 =	sld [smem:$0x3FAD]  }
0x28: {  	s2 =	sld [smem:$0x3FAE]  }
0x29: {  	s4 =	sld [smem:$0x3FB0]  }
0x2a: {  	p0 =	seq.s32 s5, $0x0;
	s5 =	sld [smem:$0x3FB1]  }
0x2b: {  	s6 =	sld [smem:$0x3FB2]  }
0x2c: {  	s7 =	sld [smem:$0x3FB3]  }
0x2d: {  	s3 =	simm.s32 $0x108;
	s8 =	sld [smem:$0x3FB4]  }
0x2e: {  	s3 =	simm.s32 @!p0 $0x1082;
	s9 =	sld [smem:$0x3FB5]  }
0x2f: {  	lr =	sadd.s32 s0, s3;
	s0 =	sld [smem:$0x3FAC]  }
0x30: {  	s3 =	sld [smem:$0x3FAF]  }
0x31: {  	[smem:$0x3FB8] =	sst s10  }
0x32: {  	s10 =	sld [smem:$0x3FB6];
	_ =	sdelay $0x3  }
0x33: {  	p0 =	seq.s32 s10, $0x1;
	s10 =	sld [smem:$0x3FB8];
	_ =	sdelay $0x3  }
0x34: {  	[smem:$0x3FB8] =	sst s10  }
0x35: {  	s10 =	sld [smem:$0x3FB7];
	_ =	sdelay $0x3  }
0x36: {  	p1 =	seq.s32 s10, $0x1;
	s10 =	sld [smem:$0x3FB8];
	_ =	sdelay $0x3  }
0x37: {  	[smem:$0x3FB8] =	sst s10  }
0x38: {  	s10 =	sld [smem:$0x3FB9]  }
0x39: {  	_ = 	snop;
	(pc) =	sbr.ind lr, $3  }
0x3a: {  	_ = 	snop  }
0x3b: {  	_ = 	snop  }
0x3c: {  	p2 =	seq.s32 s10, $0x1;
	s10 =	sld [smem:$0x3FB8]  }
0x3d: {  	_ =	shalt  }
0x3e: {  	_ =	shalt  }
0x3f: {  	_ =	shalt  }
0x40: {  	_ =	shalt  }
0x41: {  	_ =	shalt  }
0x42: {  	_ =	shalt  }
0x43: {  	_ =	shalt  }
0x44: {  	_ =	shalt  }
0x45: {  	_ =	shalt  }
0x46: {  	_ =	shalt  }
0x47: {  	_ =	shalt  }
0x48: {  	_ =	shalt  }
0x49: {  	_ =	shalt  }
0x4a: {  	_ =	shalt  }
0x4b: {  	_ =	shalt  }
0x4c: {  	_ =	shalt  }
0x4d: {  	_ =	shalt  }
0x4e: {  	_ =	shalt  }
0x4f: {  	_ =	shalt  }
0x50: {  	_ =	shalt  }
0x51: {  	_ =	shalt  }
0x52: {  	_ =	shalt  }
0x53: {  	_ =	shalt  }
0x54: {  	_ =	shalt  }
0x55: {  	_ =	shalt  }
0x56: {  	_ =	shalt  }
0x57: {  	_ =	shalt  }
0x58: {  	_ =	shalt  }
0x59: {  	_ =	shalt  }
0x5a: {  	_ =	shalt  }
0x5b: {  	_ =	shalt  }
0x5c: {  	_ =	shalt  }
0x5d: {  	_ =	shalt  }
0x5e: {  	_ =	shalt  }
0x5f: {  	_ =	shalt  }
0x60: {  	_ =	shalt  }
0x61: {  	_ =	shalt  }
0x62: {  	_ =	shalt  }
0x63: {  	_ =	shalt  }
0x64: {  	_ =	shalt  }
0x65: {  	_ =	shalt  }
0x66: {  	_ =	shalt  }
0x67: {  	_ =	shalt  }
0x68: {  	_ =	shalt  }
0x69: {  	_ =	shalt  }
0x6a: {  	_ =	shalt  }
0x6b: {  	_ =	shalt  }
0x6c: {  	_ =	shalt  }
0x6d: {  	_ =	shalt  }
0x6e: {  	_ =	shalt  }
0x6f: {  	_ =	shalt  }
0x70: {  	_ =	shalt  }
0x71: {  	_ =	shalt  }
0x72: {  	_ =	shalt  }
0x73: {  	_ =	shalt  }
0x74: {  	_ =	shalt  }
0x75: {  	_ =	shalt  }
0x76: {  	_ =	shalt  }
0x77: {  	_ =	shalt  }
0x78: {  	_ =	shalt  }
0x79: {  	_ =	shalt  }
0x7a: {  	_ =	shalt  }
0x7b: {  	_ =	shalt  }
0x7c: {  	_ =	shalt  }
0x7d: {  	_ =	shalt  }
0x7e: {  	_ =	shalt  }
0x7f: {  	_ =	shalt  }
0x80: {  	_ =	shalt  }
0x81: {  	_ =	shalt  }
0x82: {  	_ =	shalt  }
0x83: {  	_ =	shalt  }
0x84: {  	_ =	shalt  }
0x85: {  	_ =	shalt  }
0x86: {  	_ =	shalt  }
0x87: {  	_ =	shalt  }
.Lfunc_end0:
.L_simem_size_0:
called_computation.1_lowered:
.L_overlay_start_0:
0x88: {  	s2 =	sld [smem:$0x3FD9]  }
0x89: {  	s3 =	sld [smem:$0x3FFE];
	_ =	sdelay $0x1  }
0x8a: {  	s1 =	srdreg.scid  }
0x8b: {  	s0 =	sand.u32 $0x1, s1  }
0x8c: {  	s17 =	sshll.u32 s0, $0xA;
	s2 =	sadd.s32 s3, s2  }
0x8d: {  	s2 =	sadd.s32 s2, s17  }
0x8e: {  	[smem:$0x3FC4] =	sst s2  }
0x8f: {  	_ = 	snop  }
0x90: {  	s2 =	sld [smem:$0x3FD0];
	(tm) =	ssettm $0x1  }
0x91: {  	s18 =	sld [smem:$0x3FFB];
	_ =	sdelay $0x3  }
0x92: {  	_ =	strace s18  }
0x93: {  	s3 =	sld [smem:$0x3FFC];
	_ =	sdelay $0x3  }
0x94: {  	_ =	strace s3  }
0x95: {  	s3 =	sld [smem:$0x3FFD];
	_ =	sdelay $0x3  }
0x96: {  	_ =	strace s3  }
0x97: {  	_ =	strace $0x8FFFFFFF  }
0x98: {  	s19 =	sld [smem:$0x3FDB];
	_ =	sdelay $0x1  }
0x99: {  	s4 =	simm.s32 $_scs_section_size  }
0x9a: {  	s5 =	simm.s32 $_size__tile_overlayer_lowered;
	s6 =	simm.s32 $_tile_overlayer_lowered  }
0x9b: {  	s22 =	simm.s32 $0x1BFF;
	s21 =	sshll.u32 s6, $0x1;
	s3 =	sadd.s32 s4, s19  }
0x9c: {  	s7 =	simm.s32 $0x0;
	s20 =	sshll.u32 s5, $0x1;
	s5 =	sadd.s32 s21, s3  }
0x9d: {  	[timem:s7], [sflag:s22] =	dma.local [hbm:s5], s20  }
0x9e: {  	_ =	swait.ge [sflag:s22], s20  }
0x9f: {  	s4 =	ssub.s32 $0x0, s20;
	[sflag:s22] =	ssyncset.done $0x0  }
0xa0: {  	[sflag:s22] =	ssyncadd.s32 s4;
	_ =	sdelay $0x1  }
0xa1: {  	s23 =	simm.s32 $0x1B8B  }
0xa2: {  	_ =	swait.ge [sflag:s23], $0x1  }
0xa3: {  	[sflag:s23] =	ssyncset.done $0x0  }
0xa4: {  	s25 =	simm.s32 $0x1B8E;
	s24 =	sld [smem:$0x3FFE];
	[sflag:s23] =	ssyncadd.s32 $0xFFFFFFFF  }
0xa5: {  	s26 =	simm.s32 $execute0_lowered;
	[smem:$0x3FD2] =	sst s25  }
0xa6: {  	s5 =	sshll.u32 s26, $0x1;
	_ =	strace $0x80000046;
	[dreg:$0x1] =	wrdreg $0xFFFFFFFF  }
0xa7: {  	s28 =	simm.s32 $_size_execute0_lowered;
	s3 =	sadd.s32 s3, s5;
	[dreg:$0x0] =	wrdreg $0x0  }
0xa8: {  	s5 =	sshll.u32 s28, $0x1;
	[dreg:$0x2] =	wrdreg s3  }
0xa9: {  	[dreg:$0x3] =	wrdreg s5  }
0xaa: {  	[dreg:$0x4] =	wrdreg $0xC0  }
0xab: {  	_ =	task [dreg:s7], $0x5FFFF  }
0xac: {  	[dreg:$0x1] =	wrdreg $0xFFFFFFFF  }
0xad: {  	[dreg:$0x0] =	wrdreg $0x60  }
0xae: {  	[dreg:$0x2] =	wrdreg s2  }
0xaf: {  	[dreg:$0x3] =	wrdreg s24  }
0xb0: {  	[dreg:$0x4] =	wrdreg $0xA  }
0xb1: {  	_ =	task.clear_ibuf [dreg:s7], $0x5FFFF;
	_ =	strace $0x90000046  }
0xb2: {  	s29 =	simm.s32 $0xA;
	_ =	strace $0x80000048  }
0xb3: {  	_ =	swait.ge [sflag:s29], $0x1  }
0xb4: {  	[sflag:s29] =	ssyncadd.s32 $0xFFFFFFFF  }
0xb5: {  	_ =	strace $0x90000048  }
0xb6: {  	_ =	sfence  }
0xb7: {  	s30 =	sld [smem:$0x0];
	_ =	sdelay $0x2  }
0xb8: {  	s31 =	sshll.u32 s1, $0xD;
	s1 =	sshrl.u32 s1, $0x2  }
0xb9: {  	s3 =	sand.u32 $0x4000, s31;
	s1 =	sadd.s32 s1, s30  }
0xba: {  	s0 =	sor.u32 s3, s0;
	s1 =	sshll.u32 s1, $0x11  }
0xbb: {  	s0 =	sor.u32 s1, s0  }
0xbc: {  	s0 =	sadd.s32 $0x8F2B, s0  }
0xbd: {  	[sflag:s0] =	ssyncadd.remote.s32 $0x1  }
0xbe: {  	_ =	sfence.sel $0xFFFF  }
0xbf: {  	[dreg:$0x0] =	wrdreg $0xFFFFFFFF;
	(pc) =	sbr.abs _section_cstart, $3  }
0xc0: {  	[dreg:$0x1] =	wrdreg $0xFFFFFFFF  }
0xc1: {  	_ =	task.clear_ibuf [dreg:s7], $0x2FFFF;
	_ =	strace $0x9FFFFFFF  }
0xc2: {  	(tm) =	ssettm $0x7FFFFFFF  }
0xc3: {  	_ =	shalt  }
tec
execute0_lowered:
.L_overlay_start_1:
0x0: {  	(tag) =	ssettag $0x1  }
0x1: {  	s1 =	srdreg.scid  }
0x2: {  	s2 =	rddreg [dreg:$0x0];
	s0 =	stileid.u32  }
0x3: {  	s4 =	rddreg [dreg:$0x1];
	s3 =	simm.s32 $0x0;
	s11 =	simm.s32 $0x80  }
0x4: {  	s12 =	simm.s32 $0x2800;
	s13 =	simm.s32 $0x1;
	s14 =	simm.s32 $0x2  }
0x5: {  	s15 =	simm.s32 $0xF80;
	s6 =	sand.u32 $0x1, s1;
	s1 =	rddreg [dreg:$0x2]  }
0x6: {  	s16 =	simm.s32 $0x0;
	s5 =	sshll.u32 s0, $0xD;
	[smem:$0x7FF] =	sst s3  }
0x7: {  	s9 =	sadd.s32 $0x85E00, s4;
	s29 =	smul.u32 $0xC000, s0;
	s7 =	sshll.u32 s6, $0xC  }
0x8: {  	_ =	strace $0x80000047;
	s8 =	ssub.s32 $0x2, s6;
	s5 =	sor.u32 s7, s5  }
0x9: {  	s31 =	smul.u32 $0x6000, s6;
	s26 =	sshrl.u32 s8, $0x1;
	s7 =	sshrl.u32 s5, $0x3  }
0xa: {  	s10 =	smul.u32 $0x6, s5;
	s28 =	ssub.s32 s8, s26;
	s8 =	sadd.s32 s29, s9  }
0xb: {  	s7 =	sadd.s32 s7, s4;
	s5 =	smax.u32 s28, $0x1;
	s8 =	sadd.s32 s31, s8  }
0xc: {  	s4 =	sadd.s32 $0x81E00, s7;
	s30 =	sadd.s32 s9, s10;
	s9 =	simm.s32 $0x3  }
0xd: {  	s10 =	simm.s32 $0x1000;
	s6 =	sadd.s32 $0x5A00, s30;
	s7 =	sadd.s32 $0x5D00, s30  }
.LBB2_1:
0xe: {  	[tilespmem:s3], [sflag:$0x3] =	stream.linear.gather [hbm4b:s4+s3], $0x1000, $0x38;
	[tilespmem:$0x4000] =	vst v63  }
0xf: {  	_ =	swait.ge [sflag:s9], $0x1000  }
0x10: {  	[sflag:s9] =	ssyncset.done $0x0  }
0x11: {  	[sflag:s9] =	ssyncadd.s32 $0xFFFFF000  }
0x12: {  	[tilespmem:s10], [sflag:$0x1] =	stream.indirect.gather [hbm4b:s2+s11], $0x30, s3, s11, $0xb8;
	[tilespmem:$0x4000] =	vst v63  }
0x13: {  	_ = 	snop  }
0x14: {  	[tilespmem:s12], [sflag:$0x2] =	stream.indirect.gather [hbm4b:s2+s11], $0x30, s11, s11, $0xb8;
	[tilespmem:$0x4000] =	vst v63  }
0x15: {  	_ =	swait.ge [sflag:s13], $0x1800  }
0x16: {  	[sflag:s13] =	ssyncset.done $0x0  }
0x17: {  	s17 =	sadd.s32 $0x0, s8;
	[sflag:s13] =	ssyncadd.s32 $0xFFFFE800  }
0x18: {  	[hbm4b:s17+s3] =	stream.linear.scatter [tilespmem:s10], [sflag:$0x3], $0x1800, $0x38;
	[tilespmem:$0x4000] =	vst v63  }
0x19: {  	_ =	swait.ge [sflag:s9], $0x1800  }
0x1a: {  	[sflag:s9] =	ssyncset.done $0x0  }
0x1b: {  	s18 =	simm.s32 $0x100;
	[sflag:s9] =	ssyncadd.s32 $0xFFFFE800  }
0x1c: {  	[tilespmem:s10], [sflag:$0x1] =	stream.indirect.gather [hbm4b:s2+s11], $0x30, s18, s11, $0xb8;
	[tilespmem:$0x4000] =	vst v63  }
0x1d: {  	_ =	swait.ge [sflag:s14], $0x1800  }
0x1e: {  	[sflag:s14] =	ssyncset.done $0x0  }
0x1f: {  	s17 =	sadd.s32 $0x300, s17;
	[sflag:s14] =	ssyncadd.s32 $0xFFFFE800  }
0x20: {  	[hbm4b:s17+s3] =	stream.linear.scatter [tilespmem:s12], [sflag:$0x3], $0x1800, $0x38;
	[tilespmem:$0x4000] =	vst v63  }
0x21: {  	_ =	swait.ge [sflag:s9], $0x1800  }
0x22: {  	s18 =	simm.s32 $0x80;
	s17 =	simm.s32 $0x600;
	[sflag:s9] =	ssyncset.done $0x0  }
.LBB2_2:
0x23: {  	p0 =	sne.s32 s17, $0x5400;
	[sflag:s9] =	ssyncadd.s32 $0xFFFFE800;
	s18 =	sadd.s32 $0x100, s18  }
0x24: {  	[tilespmem:s12], [sflag:$0x2] =	stream.indirect.gather [hbm4b:s2+s11], $0x30, s18, s11, $0xb8;
	[tilespmem:$0x4000] =	vst v63  }
0x25: {  	s19 =	smov.u32 s17;
	s17 =	sadd.s32 $0x600, s17;
	_ =	swait.ge [sflag:s13], $0x1800  }
0x26: {  	[sflag:s13] =	ssyncset.done $0x0  }
0x27: {  	s19 =	sadd.s32 s19, s8;
	[sflag:s13] =	ssyncadd.s32 $0xFFFFE800  }
0x28: {  	[hbm4b:s19+s3] =	stream.linear.scatter [tilespmem:s10], [sflag:$0x3], $0x1800, $0x38;
	[tilespmem:$0x4000] =	vst v63  }
0x29: {  	_ =	swait.ge [sflag:s9], $0x1800  }
0x2a: {  	[sflag:s9] =	ssyncset.done $0x0  }
0x2b: {  	s20 =	sadd.s32 $0x80, s18;
	[sflag:s9] =	ssyncadd.s32 $0xFFFFE800  }
0x2c: {  	[tilespmem:s10], [sflag:$0x1] =	stream.indirect.gather [hbm4b:s2+s11], $0x30, s20, s11, $0xb8;
	[tilespmem:$0x4000] =	vst v63  }
0x2d: {  	_ =	swait.ge [sflag:s14], $0x1800  }
.Ltmp0:
0x2e: {  	[sflag:s14] =	ssyncset.done $0x0;
	(pc) =	sbr.rel @p0 .LBB2_2-.Ltmp0, $4  }
0x2f: {  	s19 =	sadd.s32 $0x300, s19;
	[sflag:s14] =	ssyncadd.s32 $0xFFFFE800  }
0x30: {  	[hbm4b:s19+s3] =	stream.linear.scatter [tilespmem:s12], [sflag:$0x3], $0x1800, $0x38;
	[tilespmem:$0x4000] =	vst v63  }
0x31: {  	_ =	swait.ge [sflag:s9], $0x1800  }
0x32: {  	[sflag:s9] =	ssyncset.done $0x0  }
0x33: {  	[sflag:s9] =	ssyncadd.s32 $0xFFFFE800  }
0x34: {  	[tilespmem:s12], [sflag:$0x2] =	stream.indirect.gather [hbm4b:s2+s11], $0x30, s15, s11, $0xb8;
	[tilespmem:$0x4000] =	vst v63  }
0x35: {  	_ =	swait.ge [sflag:s13], $0x1800  }
0x36: {  	[sflag:s13] =	ssyncset.done $0x0  }
0x37: {  	[sflag:s13] =	ssyncadd.s32 $0xFFFFE800  }
0x38: {  	[hbm4b:s6+s3] =	stream.linear.scatter [tilespmem:s10], [sflag:$0x3], $0x1800, $0x38;
	[tilespmem:$0x4000] =	vst v63  }
0x39: {  	_ =	swait.ge [sflag:s9], $0x1800  }
0x3a: {  	[sflag:s9] =	ssyncset.done $0x0  }
0x3b: {  	[sflag:s9] =	ssyncadd.s32 $0xFFFFE800  }
0x3c: {  	s16 =	sadd.s32 $0x1, s16;
	_ =	swait.ge [sflag:s14], $0x1800  }
0x3d: {  	p0 =	sne.s32 s16, s5;
	[sflag:s14] =	ssyncset.done $0x0  }
.Ltmp1:
0x3e: {  	[sflag:s14] =	ssyncadd.s32 $0xFFFFE800;
	(pc) =	sbr.rel @p0 .LBB2_1-.Ltmp1, $4  }
0x3f: {  	[hbm4b:s7+s3] =	stream.linear.scatter [tilespmem:s12], [sflag:$0x3], $0x1800, $0x38;
	[tilespmem:$0x4000] =	vst v63  }
0x40: {  	_ =	swait.ge [sflag:s9], $0x1800  }
0x41: {  	[sflag:s9] =	ssyncset.done $0x0  }
0x42: {  	[sflag:s9] =	ssyncadd.s32 $0xFFFFE800  }
0x43: {  	_ =	sfence.sel $0x180000  }
0x44: {  	[bflag:$0x0] =	sbarrier.arrive $0xFFFF  }
0x45: {  	p0 =	sne.s32 s0, $0x0;
	_ =	strace $0x90000047  }
0x46: {  	s0 =	sadd.s32 @!p0 $0x100000, s1;
	[bflag:$0x2] =	sbarrier.arrive $0xFFFF  }
0x47: {  	[sflag:s0] =	ssyncadd.tile.s32 @!p0 $0x1;
	_ =	shalt  }
.Lfunc_end2:
_tile_overlayer_lowered:
.L_overlay_start_2:
0x48: {  	(tag) =	ssettag $0x2  }
0x49: {  	s0 =	rddreg [dreg:$0x0];
	s2 =	stileid.u32  }
0x4a: {  	s1 =	rddreg [dreg:$0x1];
	p0 =	sne.s32 s2, $0x0  }
0x4b: {  	s3 =	rddreg [dreg:$0x2];
	[bflag:$0x3] =	sbarrier.arrive $0xFFFF;
	s2 =	simm.s32 @!p0 $0x1C03  }
0x4c: {  	[timem:s3], [sflag:s2] =	dma.local @!p0 [hbm:s0], s1  }
0x4d: {  	s0 =	simm.s32 @!p0 $0x3  }
0x4e: {  	_ =	swait.ge @!p0 [sflag:s0], s1  }
0x4f: {  	s1 =	ssub.s32 @!p0 $0x0, s1;
	[sflag:s0] =	ssyncset.done @!p0 $0x0  }
0x50: {  	[sflag:s0] =	ssyncadd.s32 @!p0 s1  }
0x51: {  	[bflag:$0x3] =	sbarrier.arrive $0xFFFF  }
0x52: {  	_ =	shalt  }

// kernel: kernel.7.cloned.1.call-start
scs
__scs_entry_jumppad:
0x0: {  	(pc) =	sbr.rel $0x88, $3  }
0x1: {  	(tag) =	ssettag $0x0;
	lr =	simm.s32 $0x1  }
0x2: {  	[smem:$0x3F9D] =	sst lr;
	_ =	strace $0xD0000000  }
0x3: {  	_ = 	snop  }
0x4: {  	_ = 	snop  }
0x5: {  	_ = 	snop  }
0x6: {  	_ = 	snop  }
0x7: {  	_ = 	snop  }
__scs_overlays_trampoline_lowered:
0x8: {  	[smem:$0x3FAC] =	sst s0  }
0x9: {  	[smem:$0x3FAD] =	sst s1  }
0xa: {  	[smem:$0x3FAE] =	sst s2  }
0xb: {  	[smem:$0x3FAF] =	sst s3  }
0xc: {  	[smem:$0x3FB0] =	sst s4  }
0xd: {  	[smem:$0x3FB1] =	sst s5  }
0xe: {  	[smem:$0x3FB2] =	sst s6  }
0xf: {  	[smem:$0x3FB3] =	sst s7  }
0x10: {  	[smem:$0x3FB4] =	sst s8  }
0x11: {  	[smem:$0x3FB5] =	sst s9;
	s0 =	simm.s32 @!p0 $0x0  }
0x12: {  	s1 =	sld [smem:$0x3F9B];
	s0 =	simm.s32 @p0 $0x1  }
0x13: {  	[smem:$0x3FB6] =	sst s0;
	s0 =	simm.s32 @!p1 $0x0  }
0x14: {  	s2 =	sld [smem:$0x3F9A];
	s0 =	simm.s32 @p1 $0x1  }
0x15: {  	[smem:$0x3FB7] =	sst s0;
	s0 =	simm.s32 @!p2 $0x0  }
0x16: {  	s3 =	sld [smem:$0x3FDB];
	s0 =	simm.s32 @p2 $0x1  }
0x17: {  	s4 =	simm.s32 $0x1BF5;
	[smem:$0x3FB9] =	sst s0  }
0x18: {  	s0 =	sld [smem:$0x3F9C];
	_ =	swait.ge [sflag:s4], $0x0  }
0x19: {  	s7 =	sld [smem:$0x3F9D]  }
0x1a: {  	s8 =	sadd.s32 $0xFFFFE003, lr  }
0x1b: {  	s9 =	sadd.s32 $0xFFFFFEF7, lr;
	s5 =	simm.s32 $0xFFFFFFFF;
	p2 =	slt.u32 s8, $0xFFFFF086  }
0x1c: {  	p1 =	slt.u32 s9, $0xF7A;
	s5 =	simm.s32 @!p2 $0x0  }
0x1d: {  	s5 =	simm.s32 @p1 $0x1;
	p0 =	seq.s32 s7, s2  }
0x1e: {  	s7 =	smul.u32 @!p0 $0xF7A, s2;
	p2 =	seq.s32 @!p0 s5, $0x0  }
0x1f: {  	s9 =	smul.u32 $0xF7A, s1;
	s8 =	simm.s32 @!p0 $0x1BF5;
	p2 =	por !p2, p0  }
0x20: {  	[sflag:s8] =	ssyncset.s32 @!p0 $0xFFFFF086;
	s6 =	sadd.s32 @!p0 s3, s7;
	s7 =	simm.s32 @!p0 $0x108  }
0x21: {  	s3 =	sadd.s32 s3, s9;
	s6 =	sadd.s32 @!p0 $0x88, s6;
	s7 =	simm.s32 @p2 $0x1082  }
0x22: {  	[simem:s7], [sflag:s8] =	dma.local @!p0 [hbm:s6], $0xF7A  }
0x23: {  	s9 =	sor.u32 $0xD0000000, s2;
	s6 =	simm.s32 $0x108;
	_ =	swait.ge @!p0 [sflag:s8], $0x0  }
0x24: {  	s3 =	sadd.s32 $0x88, s3;
	s6 =	simm.s32 @!p1 $0x1082;
	[sflag:s4] =	ssyncset.s32 $0xFFFFF086  }
0x25: {  	[simem:s6], [sflag:s4] =	dma.local [hbm:s3], $0xF7A  }
0x26: {  	[smem:$0x3F9D] =	sst s1;
	(tag) =	ssettag s2;
	_ =	strace s9  }
0x27: {  	s1 =	sld [smem:$0x3FAD]  }
0x28: {  	s2 =	sld [smem:$0x3FAE]  }
0x29: {  	s4 =	sld [smem:$0x3FB0]  }
0x2a: {  	p0 =	seq.s32 s5, $0x0;
	s5 =	sld [smem:$0x3FB1]  }
0x2b: {  	s6 =	sld [smem:$0x3FB2]  }
0x2c: {  	s7 =	sld [smem:$0x3FB3]  }
0x2d: {  	s3 =	simm.s32 $0x108;
	s8 =	sld [smem:$0x3FB4]  }
0x2e: {  	s3 =	simm.s32 @!p0 $0x1082;
	s9 =	sld [smem:$0x3FB5]  }
0x2f: {  	lr =	sadd.s32 s0, s3;
	s0 =	sld [smem:$0x3FAC]  }
0x30: {  	s3 =	sld [smem:$0x3FAF]  }
0x31: {  	[smem:$0x3FB8] =	sst s10  }
0x32: {  	s10 =	sld [smem:$0x3FB6];
	_ =	sdelay $0x3  }
0x33: {  	p0 =	seq.s32 s10, $0x1;
	s10 =	sld [smem:$0x3FB8];
	_ =	sdelay $0x3  }
0x34: {  	[smem:$0x3FB8] =	sst s10  }
0x35: {  	s10 =	sld [smem:$0x3FB7];
	_ =	sdelay $0x3  }
0x36: {  	p1 =	seq.s32 s10, $0x1;
	s10 =	sld [smem:$0x3FB8];
	_ =	sdelay $0x3  }
0x37: {  	[smem:$0x3FB8] =	sst s10  }
0x38: {  	s10 =	sld [smem:$0x3FB9]  }
0x39: {  	_ = 	snop;
	(pc) =	sbr.ind lr, $3  }
0x3a: {  	_ = 	snop  }
0x3b: {  	_ = 	snop  }
0x3c: {  	p2 =	seq.s32 s10, $0x1;
	s10 =	sld [smem:$0x3FB8]  }
0x3d: {  	_ =	shalt  }
0x3e: {  	_ =	shalt  }
0x3f: {  	_ =	shalt  }
0x40: {  	_ =	shalt  }
0x41: {  	_ =	shalt  }
0x42: {  	_ =	shalt  }
0x43: {  	_ =	shalt  }
0x44: {  	_ =	shalt  }
0x45: {  	_ =	shalt  }
0x46: {  	_ =	shalt  }
0x47: {  	_ =	shalt  }
0x48: {  	_ =	shalt  }
0x49: {  	_ =	shalt  }
0x4a: {  	_ =	shalt  }
0x4b: {  	_ =	shalt  }
0x4c: {  	_ =	shalt  }
0x4d: {  	_ =	shalt  }
0x4e: {  	_ =	shalt  }
0x4f: {  	_ =	shalt  }
0x50: {  	_ =	shalt  }
0x51: {  	_ =	shalt  }
0x52: {  	_ =	shalt  }
0x53: {  	_ =	shalt  }
0x54: {  	_ =	shalt  }
0x55: {  	_ =	shalt  }
0x56: {  	_ =	shalt  }
0x57: {  	_ =	shalt  }
0x58: {  	_ =	shalt  }
0x59: {  	_ =	shalt  }
0x5a: {  	_ =	shalt  }
0x5b: {  	_ =	shalt  }
0x5c: {  	_ =	shalt  }
0x5d: {  	_ =	shalt  }
0x5e: {  	_ =	shalt  }
0x5f: {  	_ =	shalt  }
0x60: {  	_ =	shalt  }
0x61: {  	_ =	shalt  }
0x62: {  	_ =	shalt  }
0x63: {  	_ =	shalt  }
0x64: {  	_ =	shalt  }
0x65: {  	_ =	shalt  }
0x66: {  	_ =	shalt  }
0x67: {  	_ =	shalt  }
0x68: {  	_ =	shalt  }
0x69: {  	_ =	shalt  }
0x6a: {  	_ =	shalt  }
0x6b: {  	_ =	shalt  }
0x6c: {  	_ =	shalt  }
0x6d: {  	_ =	shalt  }
0x6e: {  	_ =	shalt  }
0x6f: {  	_ =	shalt  }
0x70: {  	_ =	shalt  }
0x71: {  	_ =	shalt  }
0x72: {  	_ =	shalt  }
0x73: {  	_ =	shalt  }
0x74: {  	_ =	shalt  }
0x75: {  	_ =	shalt  }
0x76: {  	_ =	shalt  }
0x77: {  	_ =	shalt  }
0x78: {  	_ =	shalt  }
0x79: {  	_ =	shalt  }
0x7a: {  	_ =	shalt  }
0x7b: {  	_ =	shalt  }
0x7c: {  	_ =	shalt  }
0x7d: {  	_ =	shalt  }
0x7e: {  	_ =	shalt  }
0x7f: {  	_ =	shalt  }
0x80: {  	_ =	shalt  }
0x81: {  	_ =	shalt  }
0x82: {  	_ =	shalt  }
0x83: {  	_ =	shalt  }
0x84: {  	_ =	shalt  }
0x85: {  	_ =	shalt  }
0x86: {  	_ =	shalt  }
0x87: {  	_ =	shalt  }
.Lfunc_end0:
.L_simem_size_0:
called_computation_lowered:
.L_overlay_start_0:
0x88: {  	s2 =	sld [smem:$0x3FD9]  }
0x89: {  	s3 =	sld [smem:$0x3FFE];
	_ =	sdelay $0x1  }
0x8a: {  	s1 =	srdreg.scid  }
0x8b: {  	s0 =	sand.u32 $0x1, s1  }
0x8c: {  	s17 =	sshll.u32 s0, $0xA;
	s2 =	sadd.s32 s3, s2  }
0x8d: {  	s2 =	sadd.s32 s2, s17  }
0x8e: {  	[smem:$0x3FC4] =	sst s2  }
0x8f: {  	_ = 	snop  }
0x90: {  	s18 =	sld [smem:$0x3FD0];
	(tm) =	ssettm $0x1  }
0x91: {  	s19 =	sld [smem:$0x3FFB];
	_ =	sdelay $0x3  }
0x92: {  	_ =	strace s19  }
0x93: {  	s2 =	sld [smem:$0x3FFC];
	_ =	sdelay $0x3  }
0x94: {  	_ =	strace s2  }
0x95: {  	s2 =	sld [smem:$0x3FFD];
	_ =	sdelay $0x3  }
0x96: {  	_ =	strace s2  }
0x97: {  	_ =	strace $0x8FFFFFFF  }
0x98: {  	s20 =	sld [smem:$0x3FDB];
	_ =	sdelay $0x1  }
0x99: {  	s4 =	simm.s32 $_scs_section_size  }
0x9a: {  	s5 =	simm.s32 $_size__tile_overlayer_lowered;
	s6 =	simm.s32 $_tile_overlayer_lowered  }
0x9b: {  	s7 =	simm.s32 $0x1BFF;
	s21 =	sshll.u32 s6, $0x1;
	s4 =	sadd.s32 s4, s20  }
0x9c: {  	s22 =	simm.s32 $0x0;
	s5 =	sshll.u32 s5, $0x1;
	s6 =	sadd.s32 s21, s4  }
0x9d: {  	[timem:s22], [sflag:s7] =	dma.local [hbm:s6], s5  }
0x9e: {  	_ =	swait.ge [sflag:s7], s5  }
0x9f: {  	s5 =	ssub.s32 $0x0, s5;
	[sflag:s7] =	ssyncset.done $0x0  }
0xa0: {  	[sflag:s7] =	ssyncadd.s32 s5;
	_ =	sdelay $0x1  }
0xa1: {  	s23 =	simm.s32 $0x1B8B  }
0xa2: {  	_ =	swait.ge [sflag:s23], $0x1  }
0xa3: {  	[sflag:s23] =	ssyncset.done $0x0  }
0xa4: {  	[sflag:s23] =	ssyncadd.s32 $0xFFFFFFFF  }
0xa5: {  	s5 =	sld [smem:$0x0]  }
0xa6: {  	s6 =	sand.u32 $0xFFFFFFFE, s1  }
0xa7: {  	p0 =	sne.s32 s1, s6  }
0xa8: {  	s6 =	sshll.u32 @p0 s6, $0xE  }
0xa9: {  	s6 =	sadd.s32 @p0 $0x11B8D, s6;
	s7 =	sshll.u32 @p0 s5, $0x11  }
0xaa: {  	s6 =	sor.u32 @p0 s7, s6  }
0xab: {  	[sflag:s6] =	ssyncadd.remote.s32 @p0 $0x1;
	_ =	sdelay $0x1  }
0xac: {  	s6 =	simm.s32 @p0 $0x1B8D  }
0xad: {  	_ =	swait.eq @p0 [sflag:s6], $0x1  }
0xae: {  	[sflag:s6] =	ssyncadd.s32 @p0 $0xFFFFFFFF  }
0xaf: {  	s7 =	sshll.u32 @!p0 s1, $0xE  }
0xb0: {  	s7 =	sor.u32 @!p0 $0x4000, s7;
	s6 =	simm.s32 @!p0 $0x1B8D  }
0xb1: {  	s5 =	sshll.u32 @!p0 s5, $0x11;
	s7 =	sadd.s32 @!p0 $0x11B8D, s7;
	_ =	swait.eq @!p0 [sflag:s6], $0x1  }
0xb2: {  	s5 =	sor.u32 @!p0 s5, s7;
	[sflag:s6] =	ssyncadd.s32 @!p0 $0xFFFFFFFF  }
0xb3: {  	s25 =	simm.s32 $0x1B8E;
	s24 =	sld [smem:$0x3FFE];
	[sflag:s5] =	ssyncadd.remote.s32 @!p0 $0x1  }
0xb4: {  	s26 =	simm.s32 $execute0_lowered;
	[smem:$0x3FD2] =	sst s25  }
0xb5: {  	s6 =	sshll.u32 s26, $0x1;
	_ =	strace $0x80000049;
	[dreg:$0x1] =	wrdreg $0xFFFFFFFF  }
0xb6: {  	s28 =	simm.s32 $_size_execute0_lowered;
	s4 =	sadd.s32 s4, s6;
	[dreg:$0x0] =	wrdreg $0x0  }
0xb7: {  	s6 =	sshll.u32 s28, $0x1;
	[dreg:$0x2] =	wrdreg s4  }
0xb8: {  	[dreg:$0x3] =	wrdreg s6  }
0xb9: {  	[dreg:$0x4] =	wrdreg $0xC0  }
0xba: {  	_ =	task [dreg:s22], $0x5FFFF  }
0xbb: {  	[dreg:$0x1] =	wrdreg $0xFFFFFFFF  }
0xbc: {  	[dreg:$0x0] =	wrdreg $0x60  }
0xbd: {  	[dreg:$0x2] =	wrdreg s18  }
0xbe: {  	[dreg:$0x3] =	wrdreg s24  }
0xbf: {  	[dreg:$0x4] =	wrdreg $0x9  }
0xc0: {  	_ =	task.clear_ibuf [dreg:s22], $0x5FFFF;
	_ =	strace $0x90000049  }
0xc1: {  	s29 =	simm.s32 $0x9;
	_ =	strace $0x8000004B  }
0xc2: {  	_ =	swait.ge [sflag:s29], $0x1  }
0xc3: {  	[sflag:s29] =	ssyncadd.s32 $0xFFFFFFFF  }
0xc4: {  	_ =	strace $0x9000004B  }
0xc5: {  	_ =	sfence  }
0xc6: {  	s30 =	sld [smem:$0x0];
	_ =	sdelay $0x2  }
0xc7: {  	s31 =	sshll.u32 s1, $0xD;
	s1 =	sshrl.u32 s1, $0x2  }
0xc8: {  	s4 =	sand.u32 $0x4000, s31;
	s1 =	sadd.s32 s1, s30  }
0xc9: {  	s0 =	sor.u32 s4, s0;
	s1 =	sshll.u32 s1, $0x11  }
0xca: {  	s0 =	sor.u32 s1, s0  }
0xcb: {  	s0 =	sadd.s32 $0x8F2B, s0  }
0xcc: {  	[sflag:s0] =	ssyncadd.remote.s32 $0x1  }
0xcd: {  	_ =	sfence.sel $0xFFFF  }
0xce: {  	[dreg:$0x0] =	wrdreg $0xFFFFFFFF;
	(pc) =	sbr.abs _section_cstart, $3  }
0xcf: {  	[dreg:$0x1] =	wrdreg $0xFFFFFFFF  }
0xd0: {  	_ =	task.clear_ibuf [dreg:s22], $0x2FFFF;
	_ =	strace $0x9FFFFFFF  }
0xd1: {  	(tm) =	ssettm $0x7FFFFFFF  }
tec
execute0_lowered:
.L_overlay_start_1:
0x0: {  	(tag) =	ssettag $0x1  }
0x1: {  	s1 =	srdreg.scid  }
0x2: {  	s2 =	rddreg [dreg:$0x0];
	s0 =	stileid.u32  }
0x3: {  	s4 =	rddreg [dreg:$0x1];
	s3 =	simm.s32 $0x0;
	s11 =	simm.s32 $0x80  }
0x4: {  	s12 =	simm.s32 $0x2800;
	s13 =	simm.s32 $0x1;
	s14 =	simm.s32 $0x2  }
0x5: {  	s15 =	simm.s32 $0xF80;
	s6 =	sand.u32 $0x1, s1;
	s1 =	rddreg [dreg:$0x2]  }
0x6: {  	s16 =	simm.s32 $0x0;
	s5 =	sshll.u32 s0, $0xD;
	[smem:$0x7FF] =	sst s3  }
0x7: {  	s9 =	sadd.s32 $0x149E00, s4;
	s29 =	smul.u32 $0xC000, s0;
	s7 =	sshll.u32 s6, $0xC  }
0x8: {  	_ =	strace $0x8000004A;
	s8 =	ssub.s32 $0x2, s6;
	s5 =	sor.u32 s7, s5  }
0x9: {  	s31 =	smul.u32 $0x6000, s6;
	s26 =	sshrl.u32 s8, $0x1;
	s7 =	sshrl.u32 s5, $0x3  }
0xa: {  	s10 =	smul.u32 $0x6, s5;
	s28 =	ssub.s32 s8, s26;
	s8 =	sadd.s32 s29, s9  }
0xb: {  	s7 =	sadd.s32 s7, s4;
	s5 =	smax.u32 s28, $0x1;
	s8 =	sadd.s32 s31, s8  }
0xc: {  	s4 =	sadd.s32 $0x145E00, s7;
	s30 =	sadd.s32 s9, s10;
	s9 =	simm.s32 $0x3  }
0xd: {  	s10 =	simm.s32 $0x1000;
	s6 =	sadd.s32 $0x5A00, s30;
	s7 =	sadd.s32 $0x5D00, s30  }
.LBB2_1:
0xe: {  	[tilespmem:s3], [sflag:$0x3] =	stream.linear.gather [hbm4b:s4+s3], $0x1000, $0x38;
	[tilespmem:$0x4000] =	vst v63  }
0xf: {  	_ =	swait.ge [sflag:s9], $0x1000  }
0x10: {  	[sflag:s9] =	ssyncset.done $0x0  }
0x11: {  	[sflag:s9] =	ssyncadd.s32 $0xFFFFF000  }
0x12: {  	[tilespmem:s10], [sflag:$0x1] =	stream.indirect.gather [hbm4b:s2+s11], $0x30, s3, s11, $0xb8;
	[tilespmem:$0x4000] =	vst v63  }
0x13: {  	_ = 	snop  }
0x14: {  	[tilespmem:s12], [sflag:$0x2] =	stream.indirect.gather [hbm4b:s2+s11], $0x30, s11, s11, $0xb8;
	[tilespmem:$0x4000] =	vst v63  }
0x15: {  	_ =	swait.ge [sflag:s13], $0x1800  }
0x16: {  	[sflag:s13] =	ssyncset.done $0x0  }
0x17: {  	s17 =	sadd.s32 $0x0, s8;
	[sflag:s13] =	ssyncadd.s32 $0xFFFFE800  }
0x18: {  	[hbm4b:s17+s3] =	stream.linear.scatter [tilespmem:s10], [sflag:$0x3], $0x1800, $0x38;
	[tilespmem:$0x4000] =	vst v63  }
0x19: {  	_ =	swait.ge [sflag:s9], $0x1800  }
0x1a: {  	[sflag:s9] =	ssyncset.done $0x0  }
0x1b: {  	s18 =	simm.s32 $0x100;
	[sflag:s9] =	ssyncadd.s32 $0xFFFFE800  }
0x1c: {  	[tilespmem:s10], [sflag:$0x1] =	stream.indirect.gather [hbm4b:s2+s11], $0x30, s18, s11, $0xb8;
	[tilespmem:$0x4000] =	vst v63  }
0x1d: {  	_ =	swait.ge [sflag:s14], $0x1800  }
0x1e: {  	[sflag:s14] =	ssyncset.done $0x0  }
0x1f: {  	s17 =	sadd.s32 $0x300, s17;
	[sflag:s14] =	ssyncadd.s32 $0xFFFFE800  }
0x20: {  	[hbm4b:s17+s3] =	stream.linear.scatter [tilespmem:s12], [sflag:$0x3], $0x1800, $0x38;
	[tilespmem:$0x4000] =	vst v63  }
0x21: {  	_ =	swait.ge [sflag:s9], $0x1800  }
0x22: {  	s18 =	simm.s32 $0x80;
	s17 =	simm.s32 $0x600;
	[sflag:s9] =	ssyncset.done $0x0  }
.LBB2_2:
0x23: {  	p0 =	sne.s32 s17, $0x5400;
	[sflag:s9] =	ssyncadd.s32 $0xFFFFE800;
	s18 =	sadd.s32 $0x100, s18  }
0x24: {  	[tilespmem:s12], [sflag:$0x2] =	stream.indirect.gather [hbm4b:s2+s11], $0x30, s18, s11, $0xb8;
	[tilespmem:$0x4000] =	vst v63  }
0x25: {  	s19 =	smov.u32 s17;
	s17 =	sadd.s32 $0x600, s17;
	_ =	swait.ge [sflag:s13], $0x1800  }
0x26: {  	[sflag:s13] =	ssyncset.done $0x0  }
0x27: {  	s19 =	sadd.s32 s19, s8;
	[sflag:s13] =	ssyncadd.s32 $0xFFFFE800  }
0x28: {  	[hbm4b:s19+s3] =	stream.linear.scatter [tilespmem:s10], [sflag:$0x3], $0x1800, $0x38;
	[tilespmem:$0x4000] =	vst v63  }
0x29: {  	_ =	swait.ge [sflag:s9], $0x1800  }
0x2a: {  	[sflag:s9] =	ssyncset.done $0x0  }
0x2b: {  	s20 =	sadd.s32 $0x80, s18;
	[sflag:s9] =	ssyncadd.s32 $0xFFFFE800  }
0x2c: {  	[tilespmem:s10], [sflag:$0x1] =	stream.indirect.gather [hbm4b:s2+s11], $0x30, s20, s11, $0xb8;
	[tilespmem:$0x4000] =	vst v63  }
0x2d: {  	_ =	swait.ge [sflag:s14], $0x1800  }
.Ltmp0:
0x2e: {  	[sflag:s14] =	ssyncset.done $0x0;
	(pc) =	sbr.rel @p0 .LBB2_2-.Ltmp0, $4  }
0x2f: {  	s19 =	sadd.s32 $0x300, s19;
	[sflag:s14] =	ssyncadd.s32 $0xFFFFE800  }
0x30: {  	[hbm4b:s19+s3] =	stream.linear.scatter [tilespmem:s12], [sflag:$0x3], $0x1800, $0x38;
	[tilespmem:$0x4000] =	vst v63  }
0x31: {  	_ =	swait.ge [sflag:s9], $0x1800  }
0x32: {  	[sflag:s9] =	ssyncset.done $0x0  }
0x33: {  	[sflag:s9] =	ssyncadd.s32 $0xFFFFE800  }
0x34: {  	[tilespmem:s12], [sflag:$0x2] =	stream.indirect.gather [hbm4b:s2+s11], $0x30, s15, s11, $0xb8;
	[tilespmem:$0x4000] =	vst v63  }
0x35: {  	_ =	swait.ge [sflag:s13], $0x1800  }
0x36: {  	[sflag:s13] =	ssyncset.done $0x0  }
0x37: {  	[sflag:s13] =	ssyncadd.s32 $0xFFFFE800  }
0x38: {  	[hbm4b:s6+s3] =	stream.linear.scatter [tilespmem:s10], [sflag:$0x3], $0x1800, $0x38;
	[tilespmem:$0x4000] =	vst v63  }
0x39: {  	_ =	swait.ge [sflag:s9], $0x1800  }
0x3a: {  	[sflag:s9] =	ssyncset.done $0x0  }
0x3b: {  	[sflag:s9] =	ssyncadd.s32 $0xFFFFE800  }
0x3c: {  	s16 =	sadd.s32 $0x1, s16;
	_ =	swait.ge [sflag:s14], $0x1800  }
0x3d: {  	p0 =	sne.s32 s16, s5;
	[sflag:s14] =	ssyncset.done $0x0  }
.Ltmp1:
0x3e: {  	[sflag:s14] =	ssyncadd.s32 $0xFFFFE800;
	(pc) =	sbr.rel @p0 .LBB2_1-.Ltmp1, $4  }
0x3f: {  	[hbm4b:s7+s3] =	stream.linear.scatter [tilespmem:s12], [sflag:$0x3], $0x1800, $0x38;
	[tilespmem:$0x4000] =	vst v63  }
0x40: {  	_ =	swait.ge [sflag:s9], $0x1800  }
0x41: {  	[sflag:s9] =	ssyncset.done $0x0  }
0x42: {  	[sflag:s9] =	ssyncadd.s32 $0xFFFFE800  }
0x43: {  	_ =	sfence.sel $0x180000  }
0x44: {  	[bflag:$0x0] =	sbarrier.arrive $0xFFFF  }
0x45: {  	p0 =	sne.s32 s0, $0x0;
	_ =	strace $0x9000004A  }
0x46: {  	s0 =	sadd.s32 @!p0 $0x100000, s1;
	[bflag:$0x2] =	sbarrier.arrive $0xFFFF  }
0x47: {  	[sflag:s0] =	ssyncadd.tile.s32 @!p0 $0x1;
	_ =	shalt  }
.Lfunc_end2:
_tile_overlayer_lowered:
.L_overlay_start_2:
0x48: {  	(tag) =	ssettag $0x2  }
0x49: {  	s0 =	rddreg [dreg:$0x0];
	s2 =	stileid.u32  }
0x4a: {  	s1 =	rddreg [dreg:$0x1];
	p0 =	sne.s32 s2, $0x0  }
0x4b: {  	s3 =	rddreg [dreg:$0x2];
	[bflag:$0x3] =	sbarrier.arrive $0xFFFF;
	s2 =	simm.s32 @!p0 $0x1C03  }
0x4c: {  	[timem:s3], [sflag:s2] =	dma.local @!p0 [hbm:s0], s1  }
0x4d: {  	s0 =	simm.s32 @!p0 $0x3  }
0x4e: {  	_ =	swait.ge @!p0 [sflag:s0], s1  }
0x4f: {  	s1 =	ssub.s32 @!p0 $0x0, s1;
	[sflag:s0] =	ssyncset.done @!p0 $0x0  }
0x50: {  	[sflag:s0] =	ssyncadd.s32 @!p0 s1  }
0x51: {  	[bflag:$0x3] =	sbarrier.arrive $0xFFFF  }
0x52: {  	_ =	shalt  }

</sc_bundles>
